<compile_context>
chip_gen: v7x
topology: tpu7x:2x2x1
jax: 0.10.2.dev20260603
libtpu: 0.0.44.dev20260713+nightly
codegen_flags: <defaults>
</compile_context>

<pallas_src>
import functools

import jax
import jax.numpy as jnp
from jax import lax
from jax.experimental import pallas as pl
from jax.experimental.pallas import tpu as pltpu
from jax.experimental.pallas import tpu_sc as plsc

_N = 16384
_D = 128

_SC_INFO = plsc.get_sparse_core_info()
_NC, _NS, _L = _SC_INFO.num_cores, _SC_INFO.num_subcores, _SC_INFO.num_lanes
_NW = _NC * _NS
_PER_W = _N // _NW


def _sc_key_body(t_hbm, out_hbm, tv, kv):
    wid = lax.axis_index("s") * _NC + lax.axis_index("c")
    base = wid * _PER_W
    pltpu.sync_copy(t_hbm.at[pl.ds(base, _PER_W)], tv)
    for k in range(_PER_W // _L):
        sl = pl.ds(k * _L, _L)
        bits = tv[sl]
        kv[sl] = jnp.where(bits < 0, bits ^ jnp.int32(0x7FFFFFFF), bits)
    pltpu.sync_copy(kv, out_hbm.at[pl.ds(base, _PER_W)])


def _sc_keys(target):
    mesh = plsc.VectorSubcoreMesh(core_axis_name="c", subcore_axis_name="s")
    fn = functools.partial(
        pl.kernel, mesh=mesh,
        out_type=jax.ShapeDtypeStruct((_N,), jnp.int32),
        scratch_types=[
            pltpu.VMEM((_PER_W,), jnp.int32),
            pltpu.VMEM((_PER_W,), jnp.int32),
        ],
    )(_sc_key_body)
    return fn(jax.lax.bitcast_convert_type(target, jnp.int32))


def _partner(x, j, low):
    if j < _D:
        lo = pltpu.roll(x, _D - j, axis=0)
        hi = pltpu.roll(x, j, axis=0)
    else:
        d = j // _D
        lo = pltpu.roll(x, _D - d, axis=1)
        hi = pltpu.roll(x, d, axis=1)
    return jnp.where(low, lo, hi)


def _listmle_body(t_ref, p_ref, upper_ref, strict_ref, out_ref):
    r_iota = jax.lax.broadcasted_iota(jnp.int32, (_D, _D), 0)
    c_iota = jax.lax.broadcasted_iota(jnp.int32, (_D, _D), 1)

    low_masks = {}
    j = 1
    while j < _N:
        low_masks[j] = ((r_iota & j) == 0) if j < _D else \
            ((c_iota & (j // _D)) == 0)
        j *= 2

    key = t_ref[...]
    val = p_ref[...]

    flip_prev = jnp.zeros((_D, _D), jnp.int32)
    m = 2
    while m <= _N:
        if m < _N:
            if m < _D:
                bit = (r_iota & m) >> m.bit_length() - 1
            else:
                d = m // _D
                bit = (c_iota & d) >> d.bit_length() - 1
            flip = -bit
        else:
            flip = jnp.zeros((_D, _D), jnp.int32)
        key = key ^ (flip ^ flip_prev)
        flip_prev = flip
        j = m // 2
        while j >= 1:
            low = low_masks[j]
            pk = _partner(key, j, low)
            pv = _partner(val, j, low)
            new_key = jnp.where(low, jnp.minimum(key, pk),
                                jnp.maximum(key, pk))
            kept = new_key == key
            key = new_key
            val = jnp.where(kept, val, pv)
            j //= 2
        m *= 2
    key = key ^ flip_prev

    mx = jnp.max(val)
    shifted_sum = jnp.sum(val) - _N * mx
    e = jnp.exp(val - mx)

    s_intra = jax.lax.dot_general(
        upper_ref[...], e, (((1,), (0,)), ((), ())),
        preferred_element_type=jnp.float32)
    col_tot = jnp.sum(e, axis=0, keepdims=True)
    carry = jax.lax.dot_general(
        col_tot, strict_ref[...], (((1,), (0,)), ((), ())),
        preferred_element_type=jnp.float32)
    s = s_intra + carry
    total = jnp.sum(jnp.log(s), axis=(0, 1), keepdims=True) - shifted_sum
    out_ref[...] = total.reshape(1, 1) / _N


def kernel(pred, target):
    keys = _sc_keys(target)
    t2 = keys.reshape(_D, _D)
    p2 = pred.reshape(_D, _D)
    a = jnp.arange(_D)
    upper = (a[None, :] >= a[:, None]).astype(jnp.float32)
    strict = (a[:, None] > a[None, :]).astype(jnp.float32)
    out = pl.pallas_call(
        _listmle_body,
        out_shape=jax.ShapeDtypeStruct((1, 1), jnp.float32),
    )(t2, p2, upper, strict)
    return out[0, 0]

# --- scband reference (transcript-rebuilt; emitter-appended) ---
"""Pipeline reference for scband-list-mleloss-48455821033937 (READ-ONLY COPY).

The authoritative reference and input builder live on the scoring server;
editing this copy changes nothing except your own understanding.
"""

import jax, jax.numpy as jnp
import numpy as np


def setup_inputs(seed: int = 0) -> dict:
    key = jax.random.key(seed)
    k1, k2 = jax.random.split(key)
    pred = jax.random.normal(k1, (16384,), dtype=jnp.float32)
    target = jax.random.normal(k2, (16384,), dtype=jnp.float32)
    return {"pred": pred, "target": target}


def reference(pred, target):
    # ListMLE loss, single list (group=None path), reduction='mean' is a no-op
    # since there is only one list.
    pred = pred.reshape(-1)
    target = target.reshape(-1)
    n = pred.shape[0]
    # sort by target ascending (lower dG = stronger binding ranked first)
    sorted_indices = jnp.argsort(target)
    pred_sorted = pred[sorted_indices]
    max_val = jnp.max(pred_sorted)
    shifted = pred_sorted - max_val
    # reversed log-cumsum-exp: suffix logsumexp
    cumsums = jax.lax.cumlogsumexp(shifted[::-1])[::-1]
    log_lik = shifted - cumsums
    return -jnp.sum(log_lik) / n

if __name__ == "__main__":
    import jax
    _d = setup_inputs()
    print(jax.jit(kernel)(*tuple(_d.values())))

</pallas_src>

<mosaic_0001>
#map = affine_map<(d0, d1) -> (0)>
module attributes {stable_mosaic.version = 14 : i64} {
  func.func @_sc_key_body(%arg0: i32, %arg1: i32, %arg2: memref<16384xi32, #tpu.memory_space<hbm>>, %arg3: memref<16384xi32, #tpu.memory_space<hbm>>, %arg4: memref<512xi32, #tpu.memory_space<vmem>>, %arg5: memref<512xi32, #tpu.memory_space<vmem>>) attributes {dimension_semantics = [#tpu.dimension_semantics<core_parallel>, #tpu.dimension_semantics<subcore_parallel>], iteration_bounds = array<i64: 2, 16>, scalar_prefetch = 0 : i64, scratch_operands = 2 : i64, tpu.core_type = #tpu.core_type<sc_vector_subcore>, window_params = [{transform_indices = #map}, {transform_indices = #map}]} {
    %mul3A = arith.constant 2 : i32
    %mul3A_0 = arith.muli %arg1, %mul3A : i32
    %add3A = arith.addi %mul3A_0, %arg0 : i32
    %mul3A_1 = arith.constant 512 : i32
    %mul3A_2 = arith.muli %add3A, %mul3A_1 : i32
    "tpu.region"() ({
      %run_scoped3A = tpu.sem_alloc : memref<!tpu.dma_semaphore, #tpu.memory_space<semaphore_mem>>
      %dma_start3A = tpu.memref_slice %arg2[%mul3A_2] : memref<16384xi32, #tpu.memory_space<hbm>> -> memref<512xi32, #tpu.memory_space<hbm>>
      %dma_start3A_446 = tpu.memref_slice %arg2[%mul3A_2] : memref<16384xi32, #tpu.memory_space<hbm>> -> memref<512xi32, #tpu.memory_space<hbm>>
      tpu.enqueue_dma source(%dma_start3A_446 : memref<512xi32, #tpu.memory_space<hbm>>) target(%arg4 : memref<512xi32, #tpu.memory_space<vmem>>) target_semaphore(%run_scoped3A : memref<!tpu.dma_semaphore, #tpu.memory_space<semaphore_mem>>)
      %dma_wait3A = tpu.memref_slice %arg2[%mul3A_2] : memref<16384xi32, #tpu.memory_space<hbm>> -> memref<512xi32, #tpu.memory_space<hbm>>
      %dma_wait3A_447 = tpu.memref_slice %arg2[%mul3A_2] : memref<16384xi32, #tpu.memory_space<hbm>> -> memref<512xi32, #tpu.memory_space<hbm>>
      tpu.wait_dma2 semaphore(%run_scoped3A : memref<!tpu.dma_semaphore, #tpu.memory_space<semaphore_mem>>) src(%dma_wait3A_447 : memref<512xi32, #tpu.memory_space<hbm>>) dst(%arg4 : memref<512xi32, #tpu.memory_space<vmem>>)
      tpu.yield
    }) : () -> ()
    %get3A = arith.constant 0 : index
    %get3A_3 = tpu.vector_load %arg4[%get3A] {strides = array<i32>} : memref<512xi32, #tpu.memory_space<vmem>>, vector<16xi32>,
    %get3A_4 = vector.shape_cast %get3A_3 : vector<16xi32> to vector<16xi32>
    %lt3A = arith.constant 0 : i32
    %lt3A_5 = vector.broadcast %lt3A : i32 to vector<16xi32>
    %lt3A_6 = arith.cmpi slt, %get3A_4, %lt3A_5 : vector<16xi32>
    %xor3A = arith.constant 2147483647 : i32
    %xor3A_7 = vector.broadcast %xor3A : i32 to vector<16xi32>
    %xor3A_8 = arith.xori %get3A_4, %xor3A_7 : vector<16xi32>
    %select_n3A = arith.select %lt3A_6, %xor3A_8, %get3A_4 : vector<16xi1>, vector<16xi32>
    %swap3A = arith.constant 0 : index
    %swap3A_9 = tpu.vector_load %arg5[%swap3A] {strides = array<i32>} : memref<512xi32, #tpu.memory_space<vmem>>, vector<16xi32>,
    %swap3A_10 = vector.shape_cast %swap3A_9 : vector<16xi32> to vector<16xi32>
    %swap3A_11 = vector.shape_cast %select_n3A : vector<16xi32> to vector<16xi32>
    tpu.vector_store %arg5[%swap3A], %swap3A_11 {strides = array<i32>} : memref<512xi32, #tpu.memory_space<vmem>>, vector<16xi32>,
    %get3A_12 = arith.constant 16 : index
    %get3A_13 = tpu.vector_load %arg4[%get3A_12] {strides = array<i32>} : memref<512xi32, #tpu.memory_space<vmem>>, vector<16xi32>,
    %get3A_14 = vector.shape_cast %get3A_13 : vector<16xi32> to vector<16xi32>
    %lt3A_15 = arith.constant 0 : i32
    %lt3A_16 = vector.broadcast %lt3A_15 : i32 to vector<16xi32>
    %lt3A_17 = arith.cmpi slt, %get3A_14, %lt3A_16 : vector<16xi32>
    %xor3A_18 = arith.constant 2147483647 : i32
    %xor3A_19 = vector.broadcast %xor3A_18 : i32 to vector<16xi32>
    %xor3A_20 = arith.xori %get3A_14, %xor3A_19 : vector<16xi32>
    %select_n3A_21 = arith.select %lt3A_17, %xor3A_20, %get3A_14 : vector<16xi1>, vector<16xi32>
    %swap3A_22 = arith.constant 16 : index
    %swap3A_23 = tpu.vector_load %arg5[%swap3A_22] {strides = array<i32>} : memref<512xi32, #tpu.memory_space<vmem>>, vector<16xi32>,
    %swap3A_24 = vector.shape_cast %swap3A_23 : vector<16xi32> to vector<16xi32>
    %swap3A_25 = vector.shape_cast %select_n3A_21 : vector<16xi32> to vector<16xi32>
    tpu.vector_store %arg5[%swap3A_22], %swap3A_25 {strides = array<i32>} : memref<512xi32, #tpu.memory_space<vmem>>, vector<16xi32>,
    %get3A_26 = arith.constant 32 : index
    %get3A_27 = tpu.vector_load %arg4[%get3A_26] {strides = array<i32>} : memref<512xi32, #tpu.memory_space<vmem>>, vector<16xi32>,
    %get3A_28 = vector.shape_cast %get3A_27 : vector<16xi32> to vector<16xi32>
    %lt3A_29 = arith.constant 0 : i32
    %lt3A_30 = vector.broadcast %lt3A_29 : i32 to vector<16xi32>
    %lt3A_31 = arith.cmpi slt, %get3A_28, %lt3A_30 : vector<16xi32>
    %xor3A_32 = arith.constant 2147483647 : i32
    %xor3A_33 = vector.broadcast %xor3A_32 : i32 to vector<16xi32>
    %xor3A_34 = arith.xori %get3A_28, %xor3A_33 : vector<16xi32>
    %select_n3A_35 = arith.select %lt3A_31, %xor3A_34, %get3A_28 : vector<16xi1>, vector<16xi32>
    %swap3A_36 = arith.constant 32 : index
    %swap3A_37 = tpu.vector_load %arg5[%swap3A_36] {strides = array<i32>} : memref<512xi32, #tpu.memory_space<vmem>>, vector<16xi32>,
    %swap3A_38 = vector.shape_cast %swap3A_37 : vector<16xi32> to vector<16xi32>
    %swap3A_39 = vector.shape_cast %select_n3A_35 : vector<16xi32> to vector<16xi32>
    tpu.vector_store %arg5[%swap3A_36], %swap3A_39 {strides = array<i32>} : memref<512xi32, #tpu.memory_space<vmem>>, vector<16xi32>,
    %get3A_40 = arith.constant 48 : index
    %get3A_41 = tpu.vector_load %arg4[%get3A_40] {strides = array<i32>} : memref<512xi32, #tpu.memory_space<vmem>>, vector<16xi32>,
    %get3A_42 = vector.shape_cast %get3A_41 : vector<16xi32> to vector<16xi32>
    %lt3A_43 = arith.constant 0 : i32
    %lt3A_44 = vector.broadcast %lt3A_43 : i32 to vector<16xi32>
    %lt3A_45 = arith.cmpi slt, %get3A_42, %lt3A_44 : vector<16xi32>
    %xor3A_46 = arith.constant 2147483647 : i32
    %xor3A_47 = vector.broadcast %xor3A_46 : i32 to vector<16xi32>
    %xor3A_48 = arith.xori %get3A_42, %xor3A_47 : vector<16xi32>
    %select_n3A_49 = arith.select %lt3A_45, %xor3A_48, %get3A_42 : vector<16xi1>, vector<16xi32>
    %swap3A_50 = arith.constant 48 : index
    %swap3A_51 = tpu.vector_load %arg5[%swap3A_50] {strides = array<i32>} : memref<512xi32, #tpu.memory_space<vmem>>, vector<16xi32>,
    %swap3A_52 = vector.shape_cast %swap3A_51 : vector<16xi32> to vector<16xi32>
    %swap3A_53 = vector.shape_cast %select_n3A_49 : vector<16xi32> to vector<16xi32>
    tpu.vector_store %arg5[%swap3A_50], %swap3A_53 {strides = array<i32>} : memref<512xi32, #tpu.memory_space<vmem>>, vector<16xi32>,
    %get3A_54 = arith.constant 64 : index
    %get3A_55 = tpu.vector_load %arg4[%get3A_54] {strides = array<i32>} : memref<512xi32, #tpu.memory_space<vmem>>, vector<16xi32>,
    %get3A_56 = vector.shape_cast %get3A_55 : vector<16xi32> to vector<16xi32>
    %lt3A_57 = arith.constant 0 : i32
    %lt3A_58 = vector.broadcast %lt3A_57 : i32 to vector<16xi32>
    %lt3A_59 = arith.cmpi slt, %get3A_56, %lt3A_58 : vector<16xi32>
    %xor3A_60 = arith.constant 2147483647 : i32
    %xor3A_61 = vector.broadcast %xor3A_60 : i32 to vector<16xi32>
    %xor3A_62 = arith.xori %get3A_56, %xor3A_61 : vector<16xi32>
    %select_n3A_63 = arith.select %lt3A_59, %xor3A_62, %get3A_56 : vector<16xi1>, vector<16xi32>
    %swap3A_64 = arith.constant 64 : index
    %swap3A_65 = tpu.vector_load %arg5[%swap3A_64] {strides = array<i32>} : memref<512xi32, #tpu.memory_space<vmem>>, vector<16xi32>,
    %swap3A_66 = vector.shape_cast %swap3A_65 : vector<16xi32> to vector<16xi32>
    %swap3A_67 = vector.shape_cast %select_n3A_63 : vector<16xi32> to vector<16xi32>
    tpu.vector_store %arg5[%swap3A_64], %swap3A_67 {strides = array<i32>} : memref<512xi32, #tpu.memory_space<vmem>>, vector<16xi32>,
    %get3A_68 = arith.constant 80 : index
    %get3A_69 = tpu.vector_load %arg4[%get3A_68] {strides = array<i32>} : memref<512xi32, #tpu.memory_space<vmem>>, vector<16xi32>,
    %get3A_70 = vector.shape_cast %get3A_69 : vector<16xi32> to vector<16xi32>
    %lt3A_71 = arith.constant 0 : i32
    %lt3A_72 = vector.broadcast %lt3A_71 : i32 to vector<16xi32>
    %lt3A_73 = arith.cmpi slt, %get3A_70, %lt3A_72 : vector<16xi32>
    %xor3A_74 = arith.constant 2147483647 : i32
    %xor3A_75 = vector.broadcast %xor3A_74 : i32 to vector<16xi32>
    %xor3A_76 = arith.xori %get3A_70, %xor3A_75 : vector<16xi32>
    %select_n3A_77 = arith.select %lt3A_73, %xor3A_76, %get3A_70 : vector<16xi1>, vector<16xi32>
    %swap3A_78 = arith.constant 80 : index
    %swap3A_79 = tpu.vector_load %arg5[%swap3A_78] {strides = array<i32>} : memref<512xi32, #tpu.memory_space<vmem>>, vector<16xi32>,
    %swap3A_80 = vector.shape_cast %swap3A_79 : vector<16xi32> to vector<16xi32>
    %swap3A_81 = vector.shape_cast %select_n3A_77 : vector<16xi32> to vector<16xi32>
    tpu.vector_store %arg5[%swap3A_78], %swap3A_81 {strides = array<i32>} : memref<512xi32, #tpu.memory_space<vmem>>, vector<16xi32>,
    %get3A_82 = arith.constant 96 : index
    %get3A_83 = tpu.vector_load %arg4[%get3A_82] {strides = array<i32>} : memref<512xi32, #tpu.memory_space<vmem>>, vector<16xi32>,
    %get3A_84 = vector.shape_cast %get3A_83 : vector<16xi32> to vector<16xi32>
    %lt3A_85 = arith.constant 0 : i32
    %lt3A_86 = vector.broadcast %lt3A_85 : i32 to vector<16xi32>
    %lt3A_87 = arith.cmpi slt, %get3A_84, %lt3A_86 : vector<16xi32>
    %xor3A_88 = arith.constant 2147483647 : i32
    %xor3A_89 = vector.broadcast %xor3A_88 : i32 to vector<16xi32>
    %xor3A_90 = arith.xori %get3A_84, %xor3A_89 : vector<16xi32>
    %select_n3A_91 = arith.select %lt3A_87, %xor3A_90, %get3A_84 : vector<16xi1>, vector<16xi32>
    %swap3A_92 = arith.constant 96 : index
    %swap3A_93 = tpu.vector_load %arg5[%swap3A_92] {strides = array<i32>} : memref<512xi32, #tpu.memory_space<vmem>>, vector<16xi32>,
    %swap3A_94 = vector.shape_cast %swap3A_93 : vector<16xi32> to vector<16xi32>
    %swap3A_95 = vector.shape_cast %select_n3A_91 : vector<16xi32> to vector<16xi32>
    tpu.vector_store %arg5[%swap3A_92], %swap3A_95 {strides = array<i32>} : memref<512xi32, #tpu.memory_space<vmem>>, vector<16xi32>,
    %get3A_96 = arith.constant 112 : index
    %get3A_97 = tpu.vector_load %arg4[%get3A_96] {strides = array<i32>} : memref<512xi32, #tpu.memory_space<vmem>>, vector<16xi32>,
    %get3A_98 = vector.shape_cast %get3A_97 : vector<16xi32> to vector<16xi32>
    %lt3A_99 = arith.constant 0 : i32
    %lt3A_100 = vector.broadcast %lt3A_99 : i32 to vector<16xi32>
    %lt3A_101 = arith.cmpi slt, %get3A_98, %lt3A_100 : vector<16xi32>
    %xor3A_102 = arith.constant 2147483647 : i32
    %xor3A_103 = vector.broadcast %xor3A_102 : i32 to vector<16xi32>
    %xor3A_104 = arith.xori %get3A_98, %xor3A_103 : vector<16xi32>
    %select_n3A_105 = arith.select %lt3A_101, %xor3A_104, %get3A_98 : vector<16xi1>, vector<16xi32>
    %swap3A_106 = arith.constant 112 : index
    %swap3A_107 = tpu.vector_load %arg5[%swap3A_106] {strides = array<i32>} : memref<512xi32, #tpu.memory_space<vmem>>, vector<16xi32>,
    %swap3A_108 = vector.shape_cast %swap3A_107 : vector<16xi32> to vector<16xi32>
    %swap3A_109 = vector.shape_cast %select_n3A_105 : vector<16xi32> to vector<16xi32>
    tpu.vector_store %arg5[%swap3A_106], %swap3A_109 {strides = array<i32>} : memref<512xi32, #tpu.memory_space<vmem>>, vector<16xi32>,
    %get3A_110 = arith.constant 128 : index
    %get3A_111 = tpu.vector_load %arg4[%get3A_110] {strides = array<i32>} : memref<512xi32, #tpu.memory_space<vmem>>, vector<16xi32>,
    %get3A_112 = vector.shape_cast %get3A_111 : vector<16xi32> to vector<16xi32>
    %lt3A_113 = arith.constant 0 : i32
    %lt3A_114 = vector.broadcast %lt3A_113 : i32 to vector<16xi32>
    %lt3A_115 = arith.cmpi slt, %get3A_112, %lt3A_114 : vector<16xi32>
    %xor3A_116 = arith.constant 2147483647 : i32
    %xor3A_117 = vector.broadcast %xor3A_116 : i32 to vector<16xi32>
    %xor3A_118 = arith.xori %get3A_112, %xor3A_117 : vector<16xi32>
    %select_n3A_119 = arith.select %lt3A_115, %xor3A_118, %get3A_112 : vector<16xi1>, vector<16xi32>
    %swap3A_120 = arith.constant 128 : index
    %swap3A_121 = tpu.vector_load %arg5[%swap3A_120] {strides = array<i32>} : memref<512xi32, #tpu.memory_space<vmem>>, vector<16xi32>,
    %swap3A_122 = vector.shape_cast %swap3A_121 : vector<16xi32> to vector<16xi32>
    %swap3A_123 = vector.shape_cast %select_n3A_119 : vector<16xi32> to vector<16xi32>
    tpu.vector_store %arg5[%swap3A_120], %swap3A_123 {strides = array<i32>} : memref<512xi32, #tpu.memory_space<vmem>>, vector<16xi32>,
    %get3A_124 = arith.constant 144 : index
    %get3A_125 = tpu.vector_load %arg4[%get3A_124] {strides = array<i32>} : memref<512xi32, #tpu.memory_space<vmem>>, vector<16xi32>,
    %get3A_126 = vector.shape_cast %get3A_125 : vector<16xi32> to vector<16xi32>
    %lt3A_127 = arith.constant 0 : i32
    %lt3A_128 = vector.broadcast %lt3A_127 : i32 to vector<16xi32>
    %lt3A_129 = arith.cmpi slt, %get3A_126, %lt3A_128 : vector<16xi32>
    %xor3A_130 = arith.constant 2147483647 : i32
    %xor3A_131 = vector.broadcast %xor3A_130 : i32 to vector<16xi32>
    %xor3A_132 = arith.xori %get3A_126, %xor3A_131 : vector<16xi32>
    %select_n3A_133 = arith.select %lt3A_129, %xor3A_132, %get3A_126 : vector<16xi1>, vector<16xi32>
    %swap3A_134 = arith.constant 144 : index
    %swap3A_135 = tpu.vector_load %arg5[%swap3A_134] {strides = array<i32>} : memref<512xi32, #tpu.memory_space<vmem>>, vector<16xi32>,
    %swap3A_136 = vector.shape_cast %swap3A_135 : vector<16xi32> to vector<16xi32>
    %swap3A_137 = vector.shape_cast %select_n3A_133 : vector<16xi32> to vector<16xi32>
    tpu.vector_store %arg5[%swap3A_134], %swap3A_137 {strides = array<i32>} : memref<512xi32, #tpu.memory_space<vmem>>, vector<16xi32>,
    %get3A_138 = arith.constant 160 : index
    %get3A_139 = tpu.vector_load %arg4[%get3A_138] {strides = array<i32>} : memref<512xi32, #tpu.memory_space<vmem>>, vector<16xi32>,
    %get3A_140 = vector.shape_cast %get3A_139 : vector<16xi32> to vector<16xi32>
    %lt3A_141 = arith.constant 0 : i32
    %lt3A_142 = vector.broadcast %lt3A_141 : i32 to vector<16xi32>
    %lt3A_143 = arith.cmpi slt, %get3A_140, %lt3A_142 : vector<16xi32>
    %xor3A_144 = arith.constant 2147483647 : i32
    %xor3A_145 = vector.broadcast %xor3A_144 : i32 to vector<16xi32>
    %xor3A_146 = arith.xori %get3A_140, %xor3A_145 : vector<16xi32>
    %select_n3A_147 = arith.select %lt3A_143, %xor3A_146, %get3A_140 : vector<16xi1>, vector<16xi32>
    %swap3A_148 = arith.constant 160 : index
    %swap3A_149 = tpu.vector_load %arg5[%swap3A_148] {strides = array<i32>} : memref<512xi32, #tpu.memory_space<vmem>>, vector<16xi32>,
    %swap3A_150 = vector.shape_cast %swap3A_149 : vector<16xi32> to vector<16xi32>
    %swap3A_151 = vector.shape_cast %select_n3A_147 : vector<16xi32> to vector<16xi32>
    tpu.vector_store %arg5[%swap3A_148], %swap3A_151 {strides = array<i32>} : memref<512xi32, #tpu.memory_space<vmem>>, vector<16xi32>,
    %get3A_152 = arith.constant 176 : index
    %get3A_153 = tpu.vector_load %arg4[%get3A_152] {strides = array<i32>} : memref<512xi32, #tpu.memory_space<vmem>>, vector<16xi32>,
    %get3A_154 = vector.shape_cast %get3A_153 : vector<16xi32> to vector<16xi32>
    %lt3A_155 = arith.constant 0 : i32
    %lt3A_156 = vector.broadcast %lt3A_155 : i32 to vector<16xi32>
    %lt3A_157 = arith.cmpi slt, %get3A_154, %lt3A_156 : vector<16xi32>
    %xor3A_158 = arith.constant 2147483647 : i32
    %xor3A_159 = vector.broadcast %xor3A_158 : i32 to vector<16xi32>
    %xor3A_160 = arith.xori %get3A_154, %xor3A_159 : vector<16xi32>
    %select_n3A_161 = arith.select %lt3A_157, %xor3A_160, %get3A_154 : vector<16xi1>, vector<16xi32>
    %swap3A_162 = arith.constant 176 : index
    %swap3A_163 = tpu.vector_load %arg5[%swap3A_162] {strides = array<i32>} : memref<512xi32, #tpu.memory_space<vmem>>, vector<16xi32>,
    %swap3A_164 = vector.shape_cast %swap3A_163 : vector<16xi32> to vector<16xi32>
    %swap3A_165 = vector.shape_cast %select_n3A_161 : vector<16xi32> to vector<16xi32>
    tpu.vector_store %arg5[%swap3A_162], %swap3A_165 {strides = array<i32>} : memref<512xi32, #tpu.memory_space<vmem>>, vector<16xi32>,
    %get3A_166 = arith.constant 192 : index
    %get3A_167 = tpu.vector_load %arg4[%get3A_166] {strides = array<i32>} : memref<512xi32, #tpu.memory_space<vmem>>, vector<16xi32>,
    %get3A_168 = vector.shape_cast %get3A_167 : vector<16xi32> to vector<16xi32>
    %lt3A_169 = arith.constant 0 : i32
    %lt3A_170 = vector.broadcast %lt3A_169 : i32 to vector<16xi32>
    %lt3A_171 = arith.cmpi slt, %get3A_168, %lt3A_170 : vector<16xi32>
    %xor3A_172 = arith.constant 2147483647 : i32
    %xor3A_173 = vector.broadcast %xor3A_172 : i32 to vector<16xi32>
    %xor3A_174 = arith.xori %get3A_168, %xor3A_173 : vector<16xi32>
    %select_n3A_175 = arith.select %lt3A_171, %xor3A_174, %get3A_168 : vector<16xi1>, vector<16xi32>
    %swap3A_176 = arith.constant 192 : index
    %swap3A_177 = tpu.vector_load %arg5[%swap3A_176] {strides = array<i32>} : memref<512xi32, #tpu.memory_space<vmem>>, vector<16xi32>,
    %swap3A_178 = vector.shape_cast %swap3A_177 : vector<16xi32> to vector<16xi32>
    %swap3A_179 = vector.shape_cast %select_n3A_175 : vector<16xi32> to vector<16xi32>
    tpu.vector_store %arg5[%swap3A_176], %swap3A_179 {strides = array<i32>} : memref<512xi32, #tpu.memory_space<vmem>>, vector<16xi32>,
    %get3A_180 = arith.constant 208 : index
    %get3A_181 = tpu.vector_load %arg4[%get3A_180] {strides = array<i32>} : memref<512xi32, #tpu.memory_space<vmem>>, vector<16xi32>,
    %get3A_182 = vector.shape_cast %get3A_181 : vector<16xi32> to vector<16xi32>
    %lt3A_183 = arith.constant 0 : i32
    %lt3A_184 = vector.broadcast %lt3A_183 : i32 to vector<16xi32>
    %lt3A_185 = arith.cmpi slt, %get3A_182, %lt3A_184 : vector<16xi32>
    %xor3A_186 = arith.constant 2147483647 : i32
    %xor3A_187 = vector.broadcast %xor3A_186 : i32 to vector<16xi32>
    %xor3A_188 = arith.xori %get3A_182, %xor3A_187 : vector<16xi32>
    %select_n3A_189 = arith.select %lt3A_185, %xor3A_188, %get3A_182 : vector<16xi1>, vector<16xi32>
    %swap3A_190 = arith.constant 208 : index
    %swap3A_191 = tpu.vector_load %arg5[%swap3A_190] {strides = array<i32>} : memref<512xi32, #tpu.memory_space<vmem>>, vector<16xi32>,
    %swap3A_192 = vector.shape_cast %swap3A_191 : vector<16xi32> to vector<16xi32>
    %swap3A_193 = vector.shape_cast %select_n3A_189 : vector<16xi32> to vector<16xi32>
    tpu.vector_store %arg5[%swap3A_190], %swap3A_193 {strides = array<i32>} : memref<512xi32, #tpu.memory_space<vmem>>, vector<16xi32>,
    %get3A_194 = arith.constant 224 : index
    %get3A_195 = tpu.vector_load %arg4[%get3A_194] {strides = array<i32>} : memref<512xi32, #tpu.memory_space<vmem>>, vector<16xi32>,
    %get3A_196 = vector.shape_cast %get3A_195 : vector<16xi32> to vector<16xi32>
    %lt3A_197 = arith.constant 0 : i32
    %lt3A_198 = vector.broadcast %lt3A_197 : i32 to vector<16xi32>
    %lt3A_199 = arith.cmpi slt, %get3A_196, %lt3A_198 : vector<16xi32>
    %xor3A_200 = arith.constant 2147483647 : i32
    %xor3A_201 = vector.broadcast %xor3A_200 : i32 to vector<16xi32>
    %xor3A_202 = arith.xori %get3A_196, %xor3A_201 : vector<16xi32>
    %select_n3A_203 = arith.select %lt3A_199, %xor3A_202, %get3A_196 : vector<16xi1>, vector<16xi32>
    %swap3A_204 = arith.constant 224 : index
    %swap3A_205 = tpu.vector_load %arg5[%swap3A_204] {strides = array<i32>} : memref<512xi32, #tpu.memory_space<vmem>>, vector<16xi32>,
    %swap3A_206 = vector.shape_cast %swap3A_205 : vector<16xi32> to vector<16xi32>
    %swap3A_207 = vector.shape_cast %select_n3A_203 : vector<16xi32> to vector<16xi32>
    tpu.vector_store %arg5[%swap3A_204], %swap3A_207 {strides = array<i32>} : memref<512xi32, #tpu.memory_space<vmem>>, vector<16xi32>,
    %get3A_208 = arith.constant 240 : index
    %get3A_209 = tpu.vector_load %arg4[%get3A_208] {strides = array<i32>} : memref<512xi32, #tpu.memory_space<vmem>>, vector<16xi32>,
    %get3A_210 = vector.shape_cast %get3A_209 : vector<16xi32> to vector<16xi32>
    %lt3A_211 = arith.constant 0 : i32
    %lt3A_212 = vector.broadcast %lt3A_211 : i32 to vector<16xi32>
    %lt3A_213 = arith.cmpi slt, %get3A_210, %lt3A_212 : vector<16xi32>
    %xor3A_214 = arith.constant 2147483647 : i32
    %xor3A_215 = vector.broadcast %xor3A_214 : i32 to vector<16xi32>
    %xor3A_216 = arith.xori %get3A_210, %xor3A_215 : vector<16xi32>
    %select_n3A_217 = arith.select %lt3A_213, %xor3A_216, %get3A_210 : vector<16xi1>, vector<16xi32>
    %swap3A_218 = arith.constant 240 : index
    %swap3A_219 = tpu.vector_load %arg5[%swap3A_218] {strides = array<i32>} : memref<512xi32, #tpu.memory_space<vmem>>, vector<16xi32>,
    %swap3A_220 = vector.shape_cast %swap3A_219 : vector<16xi32> to vector<16xi32>
    %swap3A_221 = vector.shape_cast %select_n3A_217 : vector<16xi32> to vector<16xi32>
    tpu.vector_store %arg5[%swap3A_218], %swap3A_221 {strides = array<i32>} : memref<512xi32, #tpu.memory_space<vmem>>, vector<16xi32>,
    %get3A_222 = arith.constant 256 : index
    %get3A_223 = tpu.vector_load %arg4[%get3A_222] {strides = array<i32>} : memref<512xi32, #tpu.memory_space<vmem>>, vector<16xi32>,
    %get3A_224 = vector.shape_cast %get3A_223 : vector<16xi32> to vector<16xi32>
    %lt3A_225 = arith.constant 0 : i32
    %lt3A_226 = vector.broadcast %lt3A_225 : i32 to vector<16xi32>
    %lt3A_227 = arith.cmpi slt, %get3A_224, %lt3A_226 : vector<16xi32>
    %xor3A_228 = arith.constant 2147483647 : i32
    %xor3A_229 = vector.broadcast %xor3A_228 : i32 to vector<16xi32>
    %xor3A_230 = arith.xori %get3A_224, %xor3A_229 : vector<16xi32>
    %select_n3A_231 = arith.select %lt3A_227, %xor3A_230, %get3A_224 : vector<16xi1>, vector<16xi32>
    %swap3A_232 = arith.constant 256 : index
    %swap3A_233 = tpu.vector_load %arg5[%swap3A_232] {strides = array<i32>} : memref<512xi32, #tpu.memory_space<vmem>>, vector<16xi32>,
    %swap3A_234 = vector.shape_cast %swap3A_233 : vector<16xi32> to vector<16xi32>
    %swap3A_235 = vector.shape_cast %select_n3A_231 : vector<16xi32> to vector<16xi32>
    tpu.vector_store %arg5[%swap3A_232], %swap3A_235 {strides = array<i32>} : memref<512xi32, #tpu.memory_space<vmem>>, vector<16xi32>,
    %get3A_236 = arith.constant 272 : index
    %get3A_237 = tpu.vector_load %arg4[%get3A_236] {strides = array<i32>} : memref<512xi32, #tpu.memory_space<vmem>>, vector<16xi32>,
    %get3A_238 = vector.shape_cast %get3A_237 : vector<16xi32> to vector<16xi32>
    %lt3A_239 = arith.constant 0 : i32
    %lt3A_240 = vector.broadcast %lt3A_239 : i32 to vector<16xi32>
    %lt3A_241 = arith.cmpi slt, %get3A_238, %lt3A_240 : vector<16xi32>
    %xor3A_242 = arith.constant 2147483647 : i32
    %xor3A_243 = vector.broadcast %xor3A_242 : i32 to vector<16xi32>
    %xor3A_244 = arith.xori %get3A_238, %xor3A_243 : vector<16xi32>
    %select_n3A_245 = arith.select %lt3A_241, %xor3A_244, %get3A_238 : vector<16xi1>, vector<16xi32>
    %swap3A_246 = arith.constant 272 : index
    %swap3A_247 = tpu.vector_load %arg5[%swap3A_246] {strides = array<i32>} : memref<512xi32, #tpu.memory_space<vmem>>, vector<16xi32>,
    %swap3A_248 = vector.shape_cast %swap3A_247 : vector<16xi32> to vector<16xi32>
    %swap3A_249 = vector.shape_cast %select_n3A_245 : vector<16xi32> to vector<16xi32>
    tpu.vector_store %arg5[%swap3A_246], %swap3A_249 {strides = array<i32>} : memref<512xi32, #tpu.memory_space<vmem>>, vector<16xi32>,
    %get3A_250 = arith.constant 288 : index
    %get3A_251 = tpu.vector_load %arg4[%get3A_250] {strides = array<i32>} : memref<512xi32, #tpu.memory_space<vmem>>, vector<16xi32>,
    %get3A_252 = vector.shape_cast %get3A_251 : vector<16xi32> to vector<16xi32>
    %lt3A_253 = arith.constant 0 : i32
    %lt3A_254 = vector.broadcast %lt3A_253 : i32 to vector<16xi32>
    %lt3A_255 = arith.cmpi slt, %get3A_252, %lt3A_254 : vector<16xi32>
    %xor3A_256 = arith.constant 2147483647 : i32
    %xor3A_257 = vector.broadcast %xor3A_256 : i32 to vector<16xi32>
    %xor3A_258 = arith.xori %get3A_252, %xor3A_257 : vector<16xi32>
    %select_n3A_259 = arith.select %lt3A_255, %xor3A_258, %get3A_252 : vector<16xi1>, vector<16xi32>
    %swap3A_260 = arith.constant 288 : index
    %swap3A_261 = tpu.vector_load %arg5[%swap3A_260] {strides = array<i32>} : memref<512xi32, #tpu.memory_space<vmem>>, vector<16xi32>,
    %swap3A_262 = vector.shape_cast %swap3A_261 : vector<16xi32> to vector<16xi32>
    %swap3A_263 = vector.shape_cast %select_n3A_259 : vector<16xi32> to vector<16xi32>
    tpu.vector_store %arg5[%swap3A_260], %swap3A_263 {strides = array<i32>} : memref<512xi32, #tpu.memory_space<vmem>>, vector<16xi32>,
    %get3A_264 = arith.constant 304 : index
    %get3A_265 = tpu.vector_load %arg4[%get3A_264] {strides = array<i32>} : memref<512xi32, #tpu.memory_space<vmem>>, vector<16xi32>,
    %get3A_266 = vector.shape_cast %get3A_265 : vector<16xi32> to vector<16xi32>
    %lt3A_267 = arith.constant 0 : i32
    %lt3A_268 = vector.broadcast %lt3A_267 : i32 to vector<16xi32>
    %lt3A_269 = arith.cmpi slt, %get3A_266, %lt3A_268 : vector<16xi32>
    %xor3A_270 = arith.constant 2147483647 : i32
    %xor3A_271 = vector.broadcast %xor3A_270 : i32 to vector<16xi32>
    %xor3A_272 = arith.xori %get3A_266, %xor3A_271 : vector<16xi32>
    %select_n3A_273 = arith.select %lt3A_269, %xor3A_272, %get3A_266 : vector<16xi1>, vector<16xi32>
    %swap3A_274 = arith.constant 304 : index
    %swap3A_275 = tpu.vector_load %arg5[%swap3A_274] {strides = array<i32>} : memref<512xi32, #tpu.memory_space<vmem>>, vector<16xi32>,
    %swap3A_276 = vector.shape_cast %swap3A_275 : vector<16xi32> to vector<16xi32>
    %swap3A_277 = vector.shape_cast %select_n3A_273 : vector<16xi32> to vector<16xi32>
    tpu.vector_store %arg5[%swap3A_274], %swap3A_277 {strides = array<i32>} : memref<512xi32, #tpu.memory_space<vmem>>, vector<16xi32>,
    %get3A_278 = arith.constant 320 : index
    %get3A_279 = tpu.vector_load %arg4[%get3A_278] {strides = array<i32>} : memref<512xi32, #tpu.memory_space<vmem>>, vector<16xi32>,
    %get3A_280 = vector.shape_cast %get3A_279 : vector<16xi32> to vector<16xi32>
    %lt3A_281 = arith.constant 0 : i32
    %lt3A_282 = vector.broadcast %lt3A_281 : i32 to vector<16xi32>
    %lt3A_283 = arith.cmpi slt, %get3A_280, %lt3A_282 : vector<16xi32>
    %xor3A_284 = arith.constant 2147483647 : i32
    %xor3A_285 = vector.broadcast %xor3A_284 : i32 to vector<16xi32>
    %xor3A_286 = arith.xori %get3A_280, %xor3A_285 : vector<16xi32>
    %select_n3A_287 = arith.select %lt3A_283, %xor3A_286, %get3A_280 : vector<16xi1>, vector<16xi32>
    %swap3A_288 = arith.constant 320 : index
    %swap3A_289 = tpu.vector_load %arg5[%swap3A_288] {strides = array<i32>} : memref<512xi32, #tpu.memory_space<vmem>>, vector<16xi32>,
    %swap3A_290 = vector.shape_cast %swap3A_289 : vector<16xi32> to vector<16xi32>
    %swap3A_291 = vector.shape_cast %select_n3A_287 : vector<16xi32> to vector<16xi32>
    tpu.vector_store %arg5[%swap3A_288], %swap3A_291 {strides = array<i32>} : memref<512xi32, #tpu.memory_space<vmem>>, vector<16xi32>,
    %get3A_292 = arith.constant 336 : index
    %get3A_293 = tpu.vector_load %arg4[%get3A_292] {strides = array<i32>} : memref<512xi32, #tpu.memory_space<vmem>>, vector<16xi32>,
    %get3A_294 = vector.shape_cast %get3A_293 : vector<16xi32> to vector<16xi32>
    %lt3A_295 = arith.constant 0 : i32
    %lt3A_296 = vector.broadcast %lt3A_295 : i32 to vector<16xi32>
    %lt3A_297 = arith.cmpi slt, %get3A_294, %lt3A_296 : vector<16xi32>
    %xor3A_298 = arith.constant 2147483647 : i32
    %xor3A_299 = vector.broadcast %xor3A_298 : i32 to vector<16xi32>
    %xor3A_300 = arith.xori %get3A_294, %xor3A_299 : vector<16xi32>
    %select_n3A_301 = arith.select %lt3A_297, %xor3A_300, %get3A_294 : vector<16xi1>, vector<16xi32>
    %swap3A_302 = arith.constant 336 : index
    %swap3A_303 = tpu.vector_load %arg5[%swap3A_302] {strides = array<i32>} : memref<512xi32, #tpu.memory_space<vmem>>, vector<16xi32>,
    %swap3A_304 = vector.shape_cast %swap3A_303 : vector<16xi32> to vector<16xi32>
    %swap3A_305 = vector.shape_cast %select_n3A_301 : vector<16xi32> to vector<16xi32>
    tpu.vector_store %arg5[%swap3A_302], %swap3A_305 {strides = array<i32>} : memref<512xi32, #tpu.memory_space<vmem>>, vector<16xi32>,
    %get3A_306 = arith.constant 352 : index
    %get3A_307 = tpu.vector_load %arg4[%get3A_306] {strides = array<i32>} : memref<512xi32, #tpu.memory_space<vmem>>, vector<16xi32>,
    %get3A_308 = vector.shape_cast %get3A_307 : vector<16xi32> to vector<16xi32>
    %lt3A_309 = arith.constant 0 : i32
    %lt3A_310 = vector.broadcast %lt3A_309 : i32 to vector<16xi32>
    %lt3A_311 = arith.cmpi slt, %get3A_308, %lt3A_310 : vector<16xi32>
    %xor3A_312 = arith.constant 2147483647 : i32
    %xor3A_313 = vector.broadcast %xor3A_312 : i32 to vector<16xi32>
    %xor3A_314 = arith.xori %get3A_308, %xor3A_313 : vector<16xi32>
    %select_n3A_315 = arith.select %lt3A_311, %xor3A_314, %get3A_308 : vector<16xi1>, vector<16xi32>
    %swap3A_316 = arith.constant 352 : index
    %swap3A_317 = tpu.vector_load %arg5[%swap3A_316] {strides = array<i32>} : memref<512xi32, #tpu.memory_space<vmem>>, vector<16xi32>,
    %swap3A_318 = vector.shape_cast %swap3A_317 : vector<16xi32> to vector<16xi32>
    %swap3A_319 = vector.shape_cast %select_n3A_315 : vector<16xi32> to vector<16xi32>
    tpu.vector_store %arg5[%swap3A_316], %swap3A_319 {strides = array<i32>} : memref<512xi32, #tpu.memory_space<vmem>>, vector<16xi32>,
    %get3A_320 = arith.constant 368 : index
    %get3A_321 = tpu.vector_load %arg4[%get3A_320] {strides = array<i32>} : memref<512xi32, #tpu.memory_space<vmem>>, vector<16xi32>,
    %get3A_322 = vector.shape_cast %get3A_321 : vector<16xi32> to vector<16xi32>
    %lt3A_323 = arith.constant 0 : i32
    %lt3A_324 = vector.broadcast %lt3A_323 : i32 to vector<16xi32>
    %lt3A_325 = arith.cmpi slt, %get3A_322, %lt3A_324 : vector<16xi32>
    %xor3A_326 = arith.constant 2147483647 : i32
    %xor3A_327 = vector.broadcast %xor3A_326 : i32 to vector<16xi32>
    %xor3A_328 = arith.xori %get3A_322, %xor3A_327 : vector<16xi32>
    %select_n3A_329 = arith.select %lt3A_325, %xor3A_328, %get3A_322 : vector<16xi1>, vector<16xi32>
    %swap3A_330 = arith.constant 368 : index
    %swap3A_331 = tpu.vector_load %arg5[%swap3A_330] {strides = array<i32>} : memref<512xi32, #tpu.memory_space<vmem>>, vector<16xi32>,
    %swap3A_332 = vector.shape_cast %swap3A_331 : vector<16xi32> to vector<16xi32>
    %swap3A_333 = vector.shape_cast %select_n3A_329 : vector<16xi32> to vector<16xi32>
    tpu.vector_store %arg5[%swap3A_330], %swap3A_333 {strides = array<i32>} : memref<512xi32, #tpu.memory_space<vmem>>, vector<16xi32>,
    %get3A_334 = arith.constant 384 : index
    %get3A_335 = tpu.vector_load %arg4[%get3A_334] {strides = array<i32>} : memref<512xi32, #tpu.memory_space<vmem>>, vector<16xi32>,
    %get3A_336 = vector.shape_cast %get3A_335 : vector<16xi32> to vector<16xi32>
    %lt3A_337 = arith.constant 0 : i32
    %lt3A_338 = vector.broadcast %lt3A_337 : i32 to vector<16xi32>
    %lt3A_339 = arith.cmpi slt, %get3A_336, %lt3A_338 : vector<16xi32>
    %xor3A_340 = arith.constant 2147483647 : i32
    %xor3A_341 = vector.broadcast %xor3A_340 : i32 to vector<16xi32>
    %xor3A_342 = arith.xori %get3A_336, %xor3A_341 : vector<16xi32>
    %select_n3A_343 = arith.select %lt3A_339, %xor3A_342, %get3A_336 : vector<16xi1>, vector<16xi32>
    %swap3A_344 = arith.constant 384 : index
    %swap3A_345 = tpu.vector_load %arg5[%swap3A_344] {strides = array<i32>} : memref<512xi32, #tpu.memory_space<vmem>>, vector<16xi32>,
    %swap3A_346 = vector.shape_cast %swap3A_345 : vector<16xi32> to vector<16xi32>
    %swap3A_347 = vector.shape_cast %select_n3A_343 : vector<16xi32> to vector<16xi32>
    tpu.vector_store %arg5[%swap3A_344], %swap3A_347 {strides = array<i32>} : memref<512xi32, #tpu.memory_space<vmem>>, vector<16xi32>,
    %get3A_348 = arith.constant 400 : index
    %get3A_349 = tpu.vector_load %arg4[%get3A_348] {strides = array<i32>} : memref<512xi32, #tpu.memory_space<vmem>>, vector<16xi32>,
    %get3A_350 = vector.shape_cast %get3A_349 : vector<16xi32> to vector<16xi32>
    %lt3A_351 = arith.constant 0 : i32
    %lt3A_352 = vector.broadcast %lt3A_351 : i32 to vector<16xi32>
    %lt3A_353 = arith.cmpi slt, %get3A_350, %lt3A_352 : vector<16xi32>
    %xor3A_354 = arith.constant 2147483647 : i32
    %xor3A_355 = vector.broadcast %xor3A_354 : i32 to vector<16xi32>
    %xor3A_356 = arith.xori %get3A_350, %xor3A_355 : vector<16xi32>
    %select_n3A_357 = arith.select %lt3A_353, %xor3A_356, %get3A_350 : vector<16xi1>, vector<16xi32>
    %swap3A_358 = arith.constant 400 : index
    %swap3A_359 = tpu.vector_load %arg5[%swap3A_358] {strides = array<i32>} : memref<512xi32, #tpu.memory_space<vmem>>, vector<16xi32>,
    %swap3A_360 = vector.shape_cast %swap3A_359 : vector<16xi32> to vector<16xi32>
    %swap3A_361 = vector.shape_cast %select_n3A_357 : vector<16xi32> to vector<16xi32>
    tpu.vector_store %arg5[%swap3A_358], %swap3A_361 {strides = array<i32>} : memref<512xi32, #tpu.memory_space<vmem>>, vector<16xi32>,
    %get3A_362 = arith.constant 416 : index
    %get3A_363 = tpu.vector_load %arg4[%get3A_362] {strides = array<i32>} : memref<512xi32, #tpu.memory_space<vmem>>, vector<16xi32>,
    %get3A_364 = vector.shape_cast %get3A_363 : vector<16xi32> to vector<16xi32>
    %lt3A_365 = arith.constant 0 : i32
    %lt3A_366 = vector.broadcast %lt3A_365 : i32 to vector<16xi32>
    %lt3A_367 = arith.cmpi slt, %get3A_364, %lt3A_366 : vector<16xi32>
    %xor3A_368 = arith.constant 2147483647 : i32
    %xor3A_369 = vector.broadcast %xor3A_368 : i32 to vector<16xi32>
    %xor3A_370 = arith.xori %get3A_364, %xor3A_369 : vector<16xi32>
    %select_n3A_371 = arith.select %lt3A_367, %xor3A_370, %get3A_364 : vector<16xi1>, vector<16xi32>
    %swap3A_372 = arith.constant 416 : index
    %swap3A_373 = tpu.vector_load %arg5[%swap3A_372] {strides = array<i32>} : memref<512xi32, #tpu.memory_space<vmem>>, vector<16xi32>,
    %swap3A_374 = vector.shape_cast %swap3A_373 : vector<16xi32> to vector<16xi32>
    %swap3A_375 = vector.shape_cast %select_n3A_371 : vector<16xi32> to vector<16xi32>
    tpu.vector_store %arg5[%swap3A_372], %swap3A_375 {strides = array<i32>} : memref<512xi32, #tpu.memory_space<vmem>>, vector<16xi32>,
    %get3A_376 = arith.constant 432 : index
    %get3A_377 = tpu.vector_load %arg4[%get3A_376] {strides = array<i32>} : memref<512xi32, #tpu.memory_space<vmem>>, vector<16xi32>,
    %get3A_378 = vector.shape_cast %get3A_377 : vector<16xi32> to vector<16xi32>
    %lt3A_379 = arith.constant 0 : i32
    %lt3A_380 = vector.broadcast %lt3A_379 : i32 to vector<16xi32>
    %lt3A_381 = arith.cmpi slt, %get3A_378, %lt3A_380 : vector<16xi32>
    %xor3A_382 = arith.constant 2147483647 : i32
    %xor3A_383 = vector.broadcast %xor3A_382 : i32 to vector<16xi32>
    %xor3A_384 = arith.xori %get3A_378, %xor3A_383 : vector<16xi32>
    %select_n3A_385 = arith.select %lt3A_381, %xor3A_384, %get3A_378 : vector<16xi1>, vector<16xi32>
    %swap3A_386 = arith.constant 432 : index
    %swap3A_387 = tpu.vector_load %arg5[%swap3A_386] {strides = array<i32>} : memref<512xi32, #tpu.memory_space<vmem>>, vector<16xi32>,
    %swap3A_388 = vector.shape_cast %swap3A_387 : vector<16xi32> to vector<16xi32>
    %swap3A_389 = vector.shape_cast %select_n3A_385 : vector<16xi32> to vector<16xi32>
    tpu.vector_store %arg5[%swap3A_386], %swap3A_389 {strides = array<i32>} : memref<512xi32, #tpu.memory_space<vmem>>, vector<16xi32>,
    %get3A_390 = arith.constant 448 : index
    %get3A_391 = tpu.vector_load %arg4[%get3A_390] {strides = array<i32>} : memref<512xi32, #tpu.memory_space<vmem>>, vector<16xi32>,
    %get3A_392 = vector.shape_cast %get3A_391 : vector<16xi32> to vector<16xi32>
    %lt3A_393 = arith.constant 0 : i32
    %lt3A_394 = vector.broadcast %lt3A_393 : i32 to vector<16xi32>
    %lt3A_395 = arith.cmpi slt, %get3A_392, %lt3A_394 : vector<16xi32>
    %xor3A_396 = arith.constant 2147483647 : i32
    %xor3A_397 = vector.broadcast %xor3A_396 : i32 to vector<16xi32>
    %xor3A_398 = arith.xori %get3A_392, %xor3A_397 : vector<16xi32>
    %select_n3A_399 = arith.select %lt3A_395, %xor3A_398, %get3A_392 : vector<16xi1>, vector<16xi32>
    %swap3A_400 = arith.constant 448 : index
    %swap3A_401 = tpu.vector_load %arg5[%swap3A_400] {strides = array<i32>} : memref<512xi32, #tpu.memory_space<vmem>>, vector<16xi32>,
    %swap3A_402 = vector.shape_cast %swap3A_401 : vector<16xi32> to vector<16xi32>
    %swap3A_403 = vector.shape_cast %select_n3A_399 : vector<16xi32> to vector<16xi32>
    tpu.vector_store %arg5[%swap3A_400], %swap3A_403 {strides = array<i32>} : memref<512xi32, #tpu.memory_space<vmem>>, vector<16xi32>,
    %get3A_404 = arith.constant 464 : index
    %get3A_405 = tpu.vector_load %arg4[%get3A_404] {strides = array<i32>} : memref<512xi32, #tpu.memory_space<vmem>>, vector<16xi32>,
    %get3A_406 = vector.shape_cast %get3A_405 : vector<16xi32> to vector<16xi32>
    %lt3A_407 = arith.constant 0 : i32
    %lt3A_408 = vector.broadcast %lt3A_407 : i32 to vector<16xi32>
    %lt3A_409 = arith.cmpi slt, %get3A_406, %lt3A_408 : vector<16xi32>
    %xor3A_410 = arith.constant 2147483647 : i32
    %xor3A_411 = vector.broadcast %xor3A_410 : i32 to vector<16xi32>
    %xor3A_412 = arith.xori %get3A_406, %xor3A_411 : vector<16xi32>
    %select_n3A_413 = arith.select %lt3A_409, %xor3A_412, %get3A_406 : vector<16xi1>, vector<16xi32>
    %swap3A_414 = arith.constant 464 : index
    %swap3A_415 = tpu.vector_load %arg5[%swap3A_414] {strides = array<i32>} : memref<512xi32, #tpu.memory_space<vmem>>, vector<16xi32>,
    %swap3A_416 = vector.shape_cast %swap3A_415 : vector<16xi32> to vector<16xi32>
    %swap3A_417 = vector.shape_cast %select_n3A_413 : vector<16xi32> to vector<16xi32>
    tpu.vector_store %arg5[%swap3A_414], %swap3A_417 {strides = array<i32>} : memref<512xi32, #tpu.memory_space<vmem>>, vector<16xi32>,
    %get3A_418 = arith.constant 480 : index
    %get3A_419 = tpu.vector_load %arg4[%get3A_418] {strides = array<i32>} : memref<512xi32, #tpu.memory_space<vmem>>, vector<16xi32>,
    %get3A_420 = vector.shape_cast %get3A_419 : vector<16xi32> to vector<16xi32>
    %lt3A_421 = arith.constant 0 : i32
    %lt3A_422 = vector.broadcast %lt3A_421 : i32 to vector<16xi32>
    %lt3A_423 = arith.cmpi slt, %get3A_420, %lt3A_422 : vector<16xi32>
    %xor3A_424 = arith.constant 2147483647 : i32
    %xor3A_425 = vector.broadcast %xor3A_424 : i32 to vector<16xi32>
    %xor3A_426 = arith.xori %get3A_420, %xor3A_425 : vector<16xi32>
    %select_n3A_427 = arith.select %lt3A_423, %xor3A_426, %get3A_420 : vector<16xi1>, vector<16xi32>
    %swap3A_428 = arith.constant 480 : index
    %swap3A_429 = tpu.vector_load %arg5[%swap3A_428] {strides = array<i32>} : memref<512xi32, #tpu.memory_space<vmem>>, vector<16xi32>,
    %swap3A_430 = vector.shape_cast %swap3A_429 : vector<16xi32> to vector<16xi32>
    %swap3A_431 = vector.shape_cast %select_n3A_427 : vector<16xi32> to vector<16xi32>
    tpu.vector_store %arg5[%swap3A_428], %swap3A_431 {strides = array<i32>} : memref<512xi32, #tpu.memory_space<vmem>>, vector<16xi32>,
    %get3A_432 = arith.constant 496 : index
    %get3A_433 = tpu.vector_load %arg4[%get3A_432] {strides = array<i32>} : memref<512xi32, #tpu.memory_space<vmem>>, vector<16xi32>,
    %get3A_434 = vector.shape_cast %get3A_433 : vector<16xi32> to vector<16xi32>
    %lt3A_435 = arith.constant 0 : i32
    %lt3A_436 = vector.broadcast %lt3A_435 : i32 to vector<16xi32>
    %lt3A_437 = arith.cmpi slt, %get3A_434, %lt3A_436 : vector<16xi32>
    %xor3A_438 = arith.constant 2147483647 : i32
    %xor3A_439 = vector.broadcast %xor3A_438 : i32 to vector<16xi32>
    %xor3A_440 = arith.xori %get3A_434, %xor3A_439 : vector<16xi32>
    %select_n3A_441 = arith.select %lt3A_437, %xor3A_440, %get3A_434 : vector<16xi1>, vector<16xi32>
    %swap3A_442 = arith.constant 496 : index
    %swap3A_443 = tpu.vector_load %arg5[%swap3A_442] {strides = array<i32>} : memref<512xi32, #tpu.memory_space<vmem>>, vector<16xi32>,
    %swap3A_444 = vector.shape_cast %swap3A_443 : vector<16xi32> to vector<16xi32>
    %swap3A_445 = vector.shape_cast %select_n3A_441 : vector<16xi32> to vector<16xi32>
    tpu.vector_store %arg5[%swap3A_442], %swap3A_445 {strides = array<i32>} : memref<512xi32, #tpu.memory_space<vmem>>, vector<16xi32>,
    "tpu.region"() ({
      %run_scoped3A = tpu.sem_alloc : memref<!tpu.dma_semaphore, #tpu.memory_space<semaphore_mem>>
      %dma_start3A = tpu.memref_slice %arg3[%mul3A_2] : memref<16384xi32, #tpu.memory_space<hbm>> -> memref<512xi32, #tpu.memory_space<hbm>>
      %dma_start3A_446 = tpu.memref_slice %arg3[%mul3A_2] : memref<16384xi32, #tpu.memory_space<hbm>> -> memref<512xi32, #tpu.memory_space<hbm>>
      tpu.enqueue_dma source(%arg5 : memref<512xi32, #tpu.memory_space<vmem>>) target(%dma_start3A_446 : memref<512xi32, #tpu.memory_space<hbm>>) target_semaphore(%run_scoped3A : memref<!tpu.dma_semaphore, #tpu.memory_space<semaphore_mem>>)
      %dma_wait3A = tpu.memref_slice %arg3[%mul3A_2] : memref<16384xi32, #tpu.memory_space<hbm>> -> memref<512xi32, #tpu.memory_space<hbm>>
      %dma_wait3A_447 = tpu.memref_slice %arg3[%mul3A_2] : memref<16384xi32, #tpu.memory_space<hbm>> -> memref<512xi32, #tpu.memory_space<hbm>>
      tpu.wait_dma2 semaphore(%run_scoped3A : memref<!tpu.dma_semaphore, #tpu.memory_space<semaphore_mem>>) src(%arg5 : memref<512xi32, #tpu.memory_space<vmem>>) dst(%dma_wait3A_447 : memref<512xi32, #tpu.memory_space<hbm>>)
      tpu.yield
    }) : () -> ()
    return
  }
}

module attributes {stable_mosaic.version = 14 : i64} {
  func.func @_listmle_body(%arg0: memref<128x128xi32, #tpu.memory_space<vmem>>, %arg1: memref<128x128xf32, #tpu.memory_space<vmem>>, %arg2: memref<128x128xf32, #tpu.memory_space<vmem>>, %arg3: memref<128x128xf32, #tpu.memory_space<vmem>>, %arg4: memref<1x1xf32, #tpu.memory_space<vmem>>) attributes {dimension_semantics = [], scalar_prefetch = 0 : i64, scratch_operands = 0 : i64, tpu.core_type = #tpu.core_type<tc>} {
    %iota3A = tpu.iota {dimensions = array<i32: 0>} : vector<128x128xi32>
    %iota3A_0 = tpu.iota {dimensions = array<i32: 1>} : vector<128x128xi32>
    %and3A = arith.constant 1 : i32
    %and3A_1 = vector.broadcast %and3A : i32 to vector<128x128xi32>
    %and3A_2 = arith.andi %iota3A, %and3A_1 : vector<128x128xi32>
    %eq3A = arith.constant 0 : i32
    %eq3A_3 = vector.broadcast %eq3A : i32 to vector<128x128xi32>
    %eq3A_4 = arith.cmpi eq, %and3A_2, %eq3A_3 : vector<128x128xi32>
    %and3A_5 = arith.constant 2 : i32
    %and3A_6 = vector.broadcast %and3A_5 : i32 to vector<128x128xi32>
    %and3A_7 = arith.andi %iota3A, %and3A_6 : vector<128x128xi32>
    %eq3A_8 = arith.constant 0 : i32
    %eq3A_9 = vector.broadcast %eq3A_8 : i32 to vector<128x128xi32>
    %eq3A_10 = arith.cmpi eq, %and3A_7, %eq3A_9 : vector<128x128xi32>
    %and3A_11 = arith.constant 4 : i32
    %and3A_12 = vector.broadcast %and3A_11 : i32 to vector<128x128xi32>
    %and3A_13 = arith.andi %iota3A, %and3A_12 : vector<128x128xi32>
    %eq3A_14 = arith.constant 0 : i32
    %eq3A_15 = vector.broadcast %eq3A_14 : i32 to vector<128x128xi32>
    %eq3A_16 = arith.cmpi eq, %and3A_13, %eq3A_15 : vector<128x128xi32>
    %and3A_17 = arith.constant 8 : i32
    %and3A_18 = vector.broadcast %and3A_17 : i32 to vector<128x128xi32>
    %and3A_19 = arith.andi %iota3A, %and3A_18 : vector<128x128xi32>
    %eq3A_20 = arith.constant 0 : i32
    %eq3A_21 = vector.broadcast %eq3A_20 : i32 to vector<128x128xi32>
    %eq3A_22 = arith.cmpi eq, %and3A_19, %eq3A_21 : vector<128x128xi32>
    %and3A_23 = arith.constant 16 : i32
    %and3A_24 = vector.broadcast %and3A_23 : i32 to vector<128x128xi32>
    %and3A_25 = arith.andi %iota3A, %and3A_24 : vector<128x128xi32>
    %eq3A_26 = arith.constant 0 : i32
    %eq3A_27 = vector.broadcast %eq3A_26 : i32 to vector<128x128xi32>
    %eq3A_28 = arith.cmpi eq, %and3A_25, %eq3A_27 : vector<128x128xi32>
    %and3A_29 = arith.constant 32 : i32
    %and3A_30 = vector.broadcast %and3A_29 : i32 to vector<128x128xi32>
    %and3A_31 = arith.andi %iota3A, %and3A_30 : vector<128x128xi32>
    %eq3A_32 = arith.constant 0 : i32
    %eq3A_33 = vector.broadcast %eq3A_32 : i32 to vector<128x128xi32>
    %eq3A_34 = arith.cmpi eq, %and3A_31, %eq3A_33 : vector<128x128xi32>
    %and3A_35 = arith.constant 64 : i32
    %and3A_36 = vector.broadcast %and3A_35 : i32 to vector<128x128xi32>
    %and3A_37 = arith.andi %iota3A, %and3A_36 : vector<128x128xi32>
    %eq3A_38 = arith.constant 0 : i32
    %eq3A_39 = vector.broadcast %eq3A_38 : i32 to vector<128x128xi32>
    %eq3A_40 = arith.cmpi eq, %and3A_37, %eq3A_39 : vector<128x128xi32>
    %and3A_41 = arith.constant 1 : i32
    %and3A_42 = vector.broadcast %and3A_41 : i32 to vector<128x128xi32>
    %and3A_43 = arith.andi %iota3A_0, %and3A_42 : vector<128x128xi32>
    %eq3A_44 = arith.constant 0 : i32
    %eq3A_45 = vector.broadcast %eq3A_44 : i32 to vector<128x128xi32>
    %eq3A_46 = arith.cmpi eq, %and3A_43, %eq3A_45 : vector<128x128xi32>
    %and3A_47 = arith.constant 2 : i32
    %and3A_48 = vector.broadcast %and3A_47 : i32 to vector<128x128xi32>
    %and3A_49 = arith.andi %iota3A_0, %and3A_48 : vector<128x128xi32>
    %eq3A_50 = arith.constant 0 : i32
    %eq3A_51 = vector.broadcast %eq3A_50 : i32 to vector<128x128xi32>
    %eq3A_52 = arith.cmpi eq, %and3A_49, %eq3A_51 : vector<128x128xi32>
    %and3A_53 = arith.constant 4 : i32
    %and3A_54 = vector.broadcast %and3A_53 : i32 to vector<128x128xi32>
    %and3A_55 = arith.andi %iota3A_0, %and3A_54 : vector<128x128xi32>
    %eq3A_56 = arith.constant 0 : i32
    %eq3A_57 = vector.broadcast %eq3A_56 : i32 to vector<128x128xi32>
    %eq3A_58 = arith.cmpi eq, %and3A_55, %eq3A_57 : vector<128x128xi32>
    %and3A_59 = arith.constant 8 : i32
    %and3A_60 = vector.broadcast %and3A_59 : i32 to vector<128x128xi32>
    %and3A_61 = arith.andi %iota3A_0, %and3A_60 : vector<128x128xi32>
    %eq3A_62 = arith.constant 0 : i32
    %eq3A_63 = vector.broadcast %eq3A_62 : i32 to vector<128x128xi32>
    %eq3A_64 = arith.cmpi eq, %and3A_61, %eq3A_63 : vector<128x128xi32>
    %and3A_65 = arith.constant 16 : i32
    %and3A_66 = vector.broadcast %and3A_65 : i32 to vector<128x128xi32>
    %and3A_67 = arith.andi %iota3A_0, %and3A_66 : vector<128x128xi32>
    %eq3A_68 = arith.constant 0 : i32
    %eq3A_69 = vector.broadcast %eq3A_68 : i32 to vector<128x128xi32>
    %eq3A_70 = arith.cmpi eq, %and3A_67, %eq3A_69 : vector<128x128xi32>
    %and3A_71 = arith.constant 32 : i32
    %and3A_72 = vector.broadcast %and3A_71 : i32 to vector<128x128xi32>
    %and3A_73 = arith.andi %iota3A_0, %and3A_72 : vector<128x128xi32>
    %eq3A_74 = arith.constant 0 : i32
    %eq3A_75 = vector.broadcast %eq3A_74 : i32 to vector<128x128xi32>
    %eq3A_76 = arith.cmpi eq, %and3A_73, %eq3A_75 : vector<128x128xi32>
    %and3A_77 = arith.constant 64 : i32
    %and3A_78 = vector.broadcast %and3A_77 : i32 to vector<128x128xi32>
    %and3A_79 = arith.andi %iota3A_0, %and3A_78 : vector<128x128xi32>
    %eq3A_80 = arith.constant 0 : i32
    %eq3A_81 = vector.broadcast %eq3A_80 : i32 to vector<128x128xi32>
    %eq3A_82 = arith.cmpi eq, %and3A_79, %eq3A_81 : vector<128x128xi32>
    %get3A = arith.constant 0 : index
    %get3A_83 = arith.constant 0 : index
    %get3A_84 = vector.load %arg0[%get3A, %get3A_83] : memref<128x128xi32, #tpu.memory_space<vmem>>, vector<128x128xi32>
    %get3A_85 = arith.constant 0 : index
    %get3A_86 = arith.constant 0 : index
    %get3A_87 = vector.load %arg1[%get3A_85, %get3A_86] : memref<128x128xf32, #tpu.memory_space<vmem>>, vector<128x128xf32>
    %broadcast_in_dim3A = arith.constant 0 : i32
    %broadcast_in_dim3A_88 = vector.broadcast %broadcast_in_dim3A : i32 to vector<128x128xi32>
    %and3A_89 = arith.constant 2 : i32
    %and3A_90 = vector.broadcast %and3A_89 : i32 to vector<128x128xi32>
    %and3A_91 = arith.andi %iota3A, %and3A_90 : vector<128x128xi32>
    %shift_right_arithmetic3A = arith.constant 1 : i32
    %shift_right_arithmetic3A_92 = vector.broadcast %shift_right_arithmetic3A : i32 to vector<128x128xi32>
    %shift_right_arithmetic3A_93 = arith.shrsi %and3A_91, %shift_right_arithmetic3A_92 : vector<128x128xi32>
    %neg3A = arith.constant 0 : i32
    %neg3A_94 = vector.broadcast %neg3A : i32 to vector<128x128xi32>
    %neg3A_95 = arith.subi %neg3A_94, %shift_right_arithmetic3A_93 : vector<128x128xi32>
    %xor3A = arith.xori %neg3A_95, %broadcast_in_dim3A_88 : vector<128x128xi32>
    %xor3A_96 = arith.xori %get3A_84, %xor3A : vector<128x128xi32>
    %roll3A = arith.constant 127 : i32
    %roll3A_97 = tpu.dynamic_rotate %xor3A_96 by %roll3A dim 0 : vector<128x128xi32>, i32 -> vector<128x128xi32>
    %roll3A_98 = arith.constant 1 : i32
    %roll3A_99 = tpu.dynamic_rotate %xor3A_96 by %roll3A_98 dim 0 : vector<128x128xi32>, i32 -> vector<128x128xi32>
    %select_n3A = arith.select %eq3A_4, %roll3A_97, %roll3A_99 : vector<128x128xi1>, vector<128x128xi32>
    %roll3A_100 = arith.constant 127 : i32
    %roll3A_101 = tpu.dynamic_rotate %get3A_87 by %roll3A_100 dim 0 : vector<128x128xf32>, i32 -> vector<128x128xf32>
    %roll3A_102 = arith.constant 1 : i32
    %roll3A_103 = tpu.dynamic_rotate %get3A_87 by %roll3A_102 dim 0 : vector<128x128xf32>, i32 -> vector<128x128xf32>
    %select_n3A_104 = arith.select %eq3A_4, %roll3A_101, %roll3A_103 : vector<128x128xi1>, vector<128x128xf32>
    %min3A = arith.minsi %xor3A_96, %select_n3A : vector<128x128xi32>
    %max3A = arith.maxsi %xor3A_96, %select_n3A : vector<128x128xi32>
    %select_n3A_105 = arith.select %eq3A_4, %min3A, %max3A : vector<128x128xi1>, vector<128x128xi32>
    %eq3A_106 = arith.cmpi eq, %select_n3A_105, %xor3A_96 : vector<128x128xi32>
    %select_n3A_107 = arith.select %eq3A_106, %get3A_87, %select_n3A_104 : vector<128x128xi1>, vector<128x128xf32>
    %and3A_108 = arith.constant 4 : i32
    %and3A_109 = vector.broadcast %and3A_108 : i32 to vector<128x128xi32>
    %and3A_110 = arith.andi %iota3A, %and3A_109 : vector<128x128xi32>
    %shift_right_arithmetic3A_111 = arith.constant 2 : i32
    %shift_right_arithmetic3A_112 = vector.broadcast %shift_right_arithmetic3A_111 : i32 to vector<128x128xi32>
    %shift_right_arithmetic3A_113 = arith.shrsi %and3A_110, %shift_right_arithmetic3A_112 : vector<128x128xi32>
    %neg3A_114 = arith.constant 0 : i32
    %neg3A_115 = vector.broadcast %neg3A_114 : i32 to vector<128x128xi32>
    %neg3A_116 = arith.subi %neg3A_115, %shift_right_arithmetic3A_113 : vector<128x128xi32>
    %xor3A_117 = arith.xori %neg3A_116, %neg3A_95 : vector<128x128xi32>
    %xor3A_118 = arith.xori %select_n3A_105, %xor3A_117 : vector<128x128xi32>
    %roll3A_119 = arith.constant 126 : i32
    %roll3A_120 = tpu.dynamic_rotate %xor3A_118 by %roll3A_119 dim 0 : vector<128x128xi32>, i32 -> vector<128x128xi32>
    %roll3A_121 = arith.constant 2 : i32
    %roll3A_122 = tpu.dynamic_rotate %xor3A_118 by %roll3A_121 dim 0 : vector<128x128xi32>, i32 -> vector<128x128xi32>
    %select_n3A_123 = arith.select %eq3A_10, %roll3A_120, %roll3A_122 : vector<128x128xi1>, vector<128x128xi32>
    %roll3A_124 = arith.constant 126 : i32
    %roll3A_125 = tpu.dynamic_rotate %select_n3A_107 by %roll3A_124 dim 0 : vector<128x128xf32>, i32 -> vector<128x128xf32>
    %roll3A_126 = arith.constant 2 : i32
    %roll3A_127 = tpu.dynamic_rotate %select_n3A_107 by %roll3A_126 dim 0 : vector<128x128xf32>, i32 -> vector<128x128xf32>
    %select_n3A_128 = arith.select %eq3A_10, %roll3A_125, %roll3A_127 : vector<128x128xi1>, vector<128x128xf32>
    %min3A_129 = arith.minsi %xor3A_118, %select_n3A_123 : vector<128x128xi32>
    %max3A_130 = arith.maxsi %xor3A_118, %select_n3A_123 : vector<128x128xi32>
    %select_n3A_131 = arith.select %eq3A_10, %min3A_129, %max3A_130 : vector<128x128xi1>, vector<128x128xi32>
    %eq3A_132 = arith.cmpi eq, %select_n3A_131, %xor3A_118 : vector<128x128xi32>
    %select_n3A_133 = arith.select %eq3A_132, %select_n3A_107, %select_n3A_128 : vector<128x128xi1>, vector<128x128xf32>
    %roll3A_134 = arith.constant 127 : i32
    %roll3A_135 = tpu.dynamic_rotate %select_n3A_131 by %roll3A_134 dim 0 : vector<128x128xi32>, i32 -> vector<128x128xi32>
    %roll3A_136 = arith.constant 1 : i32
    %roll3A_137 = tpu.dynamic_rotate %select_n3A_131 by %roll3A_136 dim 0 : vector<128x128xi32>, i32 -> vector<128x128xi32>
    %select_n3A_138 = arith.select %eq3A_4, %roll3A_135, %roll3A_137 : vector<128x128xi1>, vector<128x128xi32>
    %roll3A_139 = arith.constant 127 : i32
    %roll3A_140 = tpu.dynamic_rotate %select_n3A_133 by %roll3A_139 dim 0 : vector<128x128xf32>, i32 -> vector<128x128xf32>
    %roll3A_141 = arith.constant 1 : i32
    %roll3A_142 = tpu.dynamic_rotate %select_n3A_133 by %roll3A_141 dim 0 : vector<128x128xf32>, i32 -> vector<128x128xf32>
    %select_n3A_143 = arith.select %eq3A_4, %roll3A_140, %roll3A_142 : vector<128x128xi1>, vector<128x128xf32>
    %min3A_144 = arith.minsi %select_n3A_131, %select_n3A_138 : vector<128x128xi32>
    %max3A_145 = arith.maxsi %select_n3A_131, %select_n3A_138 : vector<128x128xi32>
    %select_n3A_146 = arith.select %eq3A_4, %min3A_144, %max3A_145 : vector<128x128xi1>, vector<128x128xi32>
    %eq3A_147 = arith.cmpi eq, %select_n3A_146, %select_n3A_131 : vector<128x128xi32>
    %select_n3A_148 = arith.select %eq3A_147, %select_n3A_133, %select_n3A_143 : vector<128x128xi1>, vector<128x128xf32>
    %and3A_149 = arith.constant 8 : i32
    %and3A_150 = vector.broadcast %and3A_149 : i32 to vector<128x128xi32>
    %and3A_151 = arith.andi %iota3A, %and3A_150 : vector<128x128xi32>
    %shift_right_arithmetic3A_152 = arith.constant 3 : i32
    %shift_right_arithmetic3A_153 = vector.broadcast %shift_right_arithmetic3A_152 : i32 to vector<128x128xi32>
    %shift_right_arithmetic3A_154 = arith.shrsi %and3A_151, %shift_right_arithmetic3A_153 : vector<128x128xi32>
    %neg3A_155 = arith.constant 0 : i32
    %neg3A_156 = vector.broadcast %neg3A_155 : i32 to vector<128x128xi32>
    %neg3A_157 = arith.subi %neg3A_156, %shift_right_arithmetic3A_154 : vector<128x128xi32>
    %xor3A_158 = arith.xori %neg3A_157, %neg3A_116 : vector<128x128xi32>
    %xor3A_159 = arith.xori %select_n3A_146, %xor3A_158 : vector<128x128xi32>
    %roll3A_160 = arith.constant 124 : i32
    %roll3A_161 = tpu.dynamic_rotate %xor3A_159 by %roll3A_160 dim 0 : vector<128x128xi32>, i32 -> vector<128x128xi32>
    %roll3A_162 = arith.constant 4 : i32
    %roll3A_163 = tpu.dynamic_rotate %xor3A_159 by %roll3A_162 dim 0 : vector<128x128xi32>, i32 -> vector<128x128xi32>
    %select_n3A_164 = arith.select %eq3A_16, %roll3A_161, %roll3A_163 : vector<128x128xi1>, vector<128x128xi32>
    %roll3A_165 = arith.constant 124 : i32
    %roll3A_166 = tpu.dynamic_rotate %select_n3A_148 by %roll3A_165 dim 0 : vector<128x128xf32>, i32 -> vector<128x128xf32>
    %roll3A_167 = arith.constant 4 : i32
    %roll3A_168 = tpu.dynamic_rotate %select_n3A_148 by %roll3A_167 dim 0 : vector<128x128xf32>, i32 -> vector<128x128xf32>
    %select_n3A_169 = arith.select %eq3A_16, %roll3A_166, %roll3A_168 : vector<128x128xi1>, vector<128x128xf32>
    %min3A_170 = arith.minsi %xor3A_159, %select_n3A_164 : vector<128x128xi32>
    %max3A_171 = arith.maxsi %xor3A_159, %select_n3A_164 : vector<128x128xi32>
    %select_n3A_172 = arith.select %eq3A_16, %min3A_170, %max3A_171 : vector<128x128xi1>, vector<128x128xi32>
    %eq3A_173 = arith.cmpi eq, %select_n3A_172, %xor3A_159 : vector<128x128xi32>
    %select_n3A_174 = arith.select %eq3A_173, %select_n3A_148, %select_n3A_169 : vector<128x128xi1>, vector<128x128xf32>
    %roll3A_175 = arith.constant 126 : i32
    %roll3A_176 = tpu.dynamic_rotate %select_n3A_172 by %roll3A_175 dim 0 : vector<128x128xi32>, i32 -> vector<128x128xi32>
    %roll3A_177 = arith.constant 2 : i32
    %roll3A_178 = tpu.dynamic_rotate %select_n3A_172 by %roll3A_177 dim 0 : vector<128x128xi32>, i32 -> vector<128x128xi32>
    %select_n3A_179 = arith.select %eq3A_10, %roll3A_176, %roll3A_178 : vector<128x128xi1>, vector<128x128xi32>
    %roll3A_180 = arith.constant 126 : i32
    %roll3A_181 = tpu.dynamic_rotate %select_n3A_174 by %roll3A_180 dim 0 : vector<128x128xf32>, i32 -> vector<128x128xf32>
    %roll3A_182 = arith.constant 2 : i32
    %roll3A_183 = tpu.dynamic_rotate %select_n3A_174 by %roll3A_182 dim 0 : vector<128x128xf32>, i32 -> vector<128x128xf32>
    %select_n3A_184 = arith.select %eq3A_10, %roll3A_181, %roll3A_183 : vector<128x128xi1>, vector<128x128xf32>
    %min3A_185 = arith.minsi %select_n3A_172, %select_n3A_179 : vector<128x128xi32>
    %max3A_186 = arith.maxsi %select_n3A_172, %select_n3A_179 : vector<128x128xi32>
    %select_n3A_187 = arith.select %eq3A_10, %min3A_185, %max3A_186 : vector<128x128xi1>, vector<128x128xi32>
    %eq3A_188 = arith.cmpi eq, %select_n3A_187, %select_n3A_172 : vector<128x128xi32>
    %select_n3A_189 = arith.select %eq3A_188, %select_n3A_174, %select_n3A_184 : vector<128x128xi1>, vector<128x128xf32>
    %roll3A_190 = arith.constant 127 : i32
    %roll3A_191 = tpu.dynamic_rotate %select_n3A_187 by %roll3A_190 dim 0 : vector<128x128xi32>, i32 -> vector<128x128xi32>
    %roll3A_192 = arith.constant 1 : i32
    %roll3A_193 = tpu.dynamic_rotate %select_n3A_187 by %roll3A_192 dim 0 : vector<128x128xi32>, i32 -> vector<128x128xi32>
    %select_n3A_194 = arith.select %eq3A_4, %roll3A_191, %roll3A_193 : vector<128x128xi1>, vector<128x128xi32>
    %roll3A_195 = arith.constant 127 : i32
    %roll3A_196 = tpu.dynamic_rotate %select_n3A_189 by %roll3A_195 dim 0 : vector<128x128xf32>, i32 -> vector<128x128xf32>
    %roll3A_197 = arith.constant 1 : i32
    %roll3A_198 = tpu.dynamic_rotate %select_n3A_189 by %roll3A_197 dim 0 : vector<128x128xf32>, i32 -> vector<128x128xf32>
    %select_n3A_199 = arith.select %eq3A_4, %roll3A_196, %roll3A_198 : vector<128x128xi1>, vector<128x128xf32>
    %min3A_200 = arith.minsi %select_n3A_187, %select_n3A_194 : vector<128x128xi32>
    %max3A_201 = arith.maxsi %select_n3A_187, %select_n3A_194 : vector<128x128xi32>
    %select_n3A_202 = arith.select %eq3A_4, %min3A_200, %max3A_201 : vector<128x128xi1>, vector<128x128xi32>
    %eq3A_203 = arith.cmpi eq, %select_n3A_202, %select_n3A_187 : vector<128x128xi32>
    %select_n3A_204 = arith.select %eq3A_203, %select_n3A_189, %select_n3A_199 : vector<128x128xi1>, vector<128x128xf32>
    %and3A_205 = arith.constant 16 : i32
    %and3A_206 = vector.broadcast %and3A_205 : i32 to vector<128x128xi32>
    %and3A_207 = arith.andi %iota3A, %and3A_206 : vector<128x128xi32>
    %shift_right_arithmetic3A_208 = arith.constant 4 : i32
    %shift_right_arithmetic3A_209 = vector.broadcast %shift_right_arithmetic3A_208 : i32 to vector<128x128xi32>
    %shift_right_arithmetic3A_210 = arith.shrsi %and3A_207, %shift_right_arithmetic3A_209 : vector<128x128xi32>
    %neg3A_211 = arith.constant 0 : i32
    %neg3A_212 = vector.broadcast %neg3A_211 : i32 to vector<128x128xi32>
    %neg3A_213 = arith.subi %neg3A_212, %shift_right_arithmetic3A_210 : vector<128x128xi32>
    %xor3A_214 = arith.xori %neg3A_213, %neg3A_157 : vector<128x128xi32>
    %xor3A_215 = arith.xori %select_n3A_202, %xor3A_214 : vector<128x128xi32>
    %roll3A_216 = arith.constant 120 : i32
    %roll3A_217 = tpu.dynamic_rotate %xor3A_215 by %roll3A_216 dim 0 : vector<128x128xi32>, i32 -> vector<128x128xi32>
    %roll3A_218 = arith.constant 8 : i32
    %roll3A_219 = tpu.dynamic_rotate %xor3A_215 by %roll3A_218 dim 0 : vector<128x128xi32>, i32 -> vector<128x128xi32>
    %select_n3A_220 = arith.select %eq3A_22, %roll3A_217, %roll3A_219 : vector<128x128xi1>, vector<128x128xi32>
    %roll3A_221 = arith.constant 120 : i32
    %roll3A_222 = tpu.dynamic_rotate %select_n3A_204 by %roll3A_221 dim 0 : vector<128x128xf32>, i32 -> vector<128x128xf32>
    %roll3A_223 = arith.constant 8 : i32
    %roll3A_224 = tpu.dynamic_rotate %select_n3A_204 by %roll3A_223 dim 0 : vector<128x128xf32>, i32 -> vector<128x128xf32>
    %select_n3A_225 = arith.select %eq3A_22, %roll3A_222, %roll3A_224 : vector<128x128xi1>, vector<128x128xf32>
    %min3A_226 = arith.minsi %xor3A_215, %select_n3A_220 : vector<128x128xi32>
    %max3A_227 = arith.maxsi %xor3A_215, %select_n3A_220 : vector<128x128xi32>
    %select_n3A_228 = arith.select %eq3A_22, %min3A_226, %max3A_227 : vector<128x128xi1>, vector<128x128xi32>
    %eq3A_229 = arith.cmpi eq, %select_n3A_228, %xor3A_215 : vector<128x128xi32>
    %select_n3A_230 = arith.select %eq3A_229, %select_n3A_204, %select_n3A_225 : vector<128x128xi1>, vector<128x128xf32>
    %roll3A_231 = arith.constant 124 : i32
    %roll3A_232 = tpu.dynamic_rotate %select_n3A_228 by %roll3A_231 dim 0 : vector<128x128xi32>, i32 -> vector<128x128xi32>
    %roll3A_233 = arith.constant 4 : i32
    %roll3A_234 = tpu.dynamic_rotate %select_n3A_228 by %roll3A_233 dim 0 : vector<128x128xi32>, i32 -> vector<128x128xi32>
    %select_n3A_235 = arith.select %eq3A_16, %roll3A_232, %roll3A_234 : vector<128x128xi1>, vector<128x128xi32>
    %roll3A_236 = arith.constant 124 : i32
    %roll3A_237 = tpu.dynamic_rotate %select_n3A_230 by %roll3A_236 dim 0 : vector<128x128xf32>, i32 -> vector<128x128xf32>
    %roll3A_238 = arith.constant 4 : i32
    %roll3A_239 = tpu.dynamic_rotate %select_n3A_230 by %roll3A_238 dim 0 : vector<128x128xf32>, i32 -> vector<128x128xf32>
    %select_n3A_240 = arith.select %eq3A_16, %roll3A_237, %roll3A_239 : vector<128x128xi1>, vector<128x128xf32>
    %min3A_241 = arith.minsi %select_n3A_228, %select_n3A_235 : vector<128x128xi32>
    %max3A_242 = arith.maxsi %select_n3A_228, %select_n3A_235 : vector<128x128xi32>
    %select_n3A_243 = arith.select %eq3A_16, %min3A_241, %max3A_242 : vector<128x128xi1>, vector<128x128xi32>
    %eq3A_244 = arith.cmpi eq, %select_n3A_243, %select_n3A_228 : vector<128x128xi32>
    %select_n3A_245 = arith.select %eq3A_244, %select_n3A_230, %select_n3A_240 : vector<128x128xi1>, vector<128x128xf32>
    %roll3A_246 = arith.constant 126 : i32
    %roll3A_247 = tpu.dynamic_rotate %select_n3A_243 by %roll3A_246 dim 0 : vector<128x128xi32>, i32 -> vector<128x128xi32>
    %roll3A_248 = arith.constant 2 : i32
    %roll3A_249 = tpu.dynamic_rotate %select_n3A_243 by %roll3A_248 dim 0 : vector<128x128xi32>, i32 -> vector<128x128xi32>
    %select_n3A_250 = arith.select %eq3A_10, %roll3A_247, %roll3A_249 : vector<128x128xi1>, vector<128x128xi32>
    %roll3A_251 = arith.constant 126 : i32
    %roll3A_252 = tpu.dynamic_rotate %select_n3A_245 by %roll3A_251 dim 0 : vector<128x128xf32>, i32 -> vector<128x128xf32>
    %roll3A_253 = arith.constant 2 : i32
    %roll3A_254 = tpu.dynamic_rotate %select_n3A_245 by %roll3A_253 dim 0 : vector<128x128xf32>, i32 -> vector<128x128xf32>
    %select_n3A_255 = arith.select %eq3A_10, %roll3A_252, %roll3A_254 : vector<128x128xi1>, vector<128x128xf32>
    %min3A_256 = arith.minsi %select_n3A_243, %select_n3A_250 : vector<128x128xi32>
    %max3A_257 = arith.maxsi %select_n3A_243, %select_n3A_250 : vector<128x128xi32>
    %select_n3A_258 = arith.select %eq3A_10, %min3A_256, %max3A_257 : vector<128x128xi1>, vector<128x128xi32>
    %eq3A_259 = arith.cmpi eq, %select_n3A_258, %select_n3A_243 : vector<128x128xi32>
    %select_n3A_260 = arith.select %eq3A_259, %select_n3A_245, %select_n3A_255 : vector<128x128xi1>, vector<128x128xf32>
    %roll3A_261 = arith.constant 127 : i32
    %roll3A_262 = tpu.dynamic_rotate %select_n3A_258 by %roll3A_261 dim 0 : vector<128x128xi32>, i32 -> vector<128x128xi32>
    %roll3A_263 = arith.constant 1 : i32
    %roll3A_264 = tpu.dynamic_rotate %select_n3A_258 by %roll3A_263 dim 0 : vector<128x128xi32>, i32 -> vector<128x128xi32>
    %select_n3A_265 = arith.select %eq3A_4, %roll3A_262, %roll3A_264 : vector<128x128xi1>, vector<128x128xi32>
    %roll3A_266 = arith.constant 127 : i32
    %roll3A_267 = tpu.dynamic_rotate %select_n3A_260 by %roll3A_266 dim 0 : vector<128x128xf32>, i32 -> vector<128x128xf32>
    %roll3A_268 = arith.constant 1 : i32
    %roll3A_269 = tpu.dynamic_rotate %select_n3A_260 by %roll3A_268 dim 0 : vector<128x128xf32>, i32 -> vector<128x128xf32>
    %select_n3A_270 = arith.select %eq3A_4, %roll3A_267, %roll3A_269 : vector<128x128xi1>, vector<128x128xf32>
    %min3A_271 = arith.minsi %select_n3A_258, %select_n3A_265 : vector<128x128xi32>
    %max3A_272 = arith.maxsi %select_n3A_258, %select_n3A_265 : vector<128x128xi32>
    %select_n3A_273 = arith.select %eq3A_4, %min3A_271, %max3A_272 : vector<128x128xi1>, vector<128x128xi32>
    %eq3A_274 = arith.cmpi eq, %select_n3A_273, %select_n3A_258 : vector<128x128xi32>
    %select_n3A_275 = arith.select %eq3A_274, %select_n3A_260, %select_n3A_270 : vector<128x128xi1>, vector<128x128xf32>
    %and3A_276 = arith.constant 32 : i32
    %and3A_277 = vector.broadcast %and3A_276 : i32 to vector<128x128xi32>
    %and3A_278 = arith.andi %iota3A, %and3A_277 : vector<128x128xi32>
    %shift_right_arithmetic3A_279 = arith.constant 5 : i32
    %shift_right_arithmetic3A_280 = vector.broadcast %shift_right_arithmetic3A_279 : i32 to vector<128x128xi32>
    %shift_right_arithmetic3A_281 = arith.shrsi %and3A_278, %shift_right_arithmetic3A_280 : vector<128x128xi32>
    %neg3A_282 = arith.constant 0 : i32
    %neg3A_283 = vector.broadcast %neg3A_282 : i32 to vector<128x128xi32>
    %neg3A_284 = arith.subi %neg3A_283, %shift_right_arithmetic3A_281 : vector<128x128xi32>
    %xor3A_285 = arith.xori %neg3A_284, %neg3A_213 : vector<128x128xi32>
    %xor3A_286 = arith.xori %select_n3A_273, %xor3A_285 : vector<128x128xi32>
    %roll3A_287 = arith.constant 112 : i32
    %roll3A_288 = tpu.dynamic_rotate %xor3A_286 by %roll3A_287 dim 0 : vector<128x128xi32>, i32 -> vector<128x128xi32>
    %roll3A_289 = arith.constant 16 : i32
    %roll3A_290 = tpu.dynamic_rotate %xor3A_286 by %roll3A_289 dim 0 : vector<128x128xi32>, i32 -> vector<128x128xi32>
    %select_n3A_291 = arith.select %eq3A_28, %roll3A_288, %roll3A_290 : vector<128x128xi1>, vector<128x128xi32>
    %roll3A_292 = arith.constant 112 : i32
    %roll3A_293 = tpu.dynamic_rotate %select_n3A_275 by %roll3A_292 dim 0 : vector<128x128xf32>, i32 -> vector<128x128xf32>
    %roll3A_294 = arith.constant 16 : i32
    %roll3A_295 = tpu.dynamic_rotate %select_n3A_275 by %roll3A_294 dim 0 : vector<128x128xf32>, i32 -> vector<128x128xf32>
    %select_n3A_296 = arith.select %eq3A_28, %roll3A_293, %roll3A_295 : vector<128x128xi1>, vector<128x128xf32>
    %min3A_297 = arith.minsi %xor3A_286, %select_n3A_291 : vector<128x128xi32>
    %max3A_298 = arith.maxsi %xor3A_286, %select_n3A_291 : vector<128x128xi32>
    %select_n3A_299 = arith.select %eq3A_28, %min3A_297, %max3A_298 : vector<128x128xi1>, vector<128x128xi32>
    %eq3A_300 = arith.cmpi eq, %select_n3A_299, %xor3A_286 : vector<128x128xi32>
    %select_n3A_301 = arith.select %eq3A_300, %select_n3A_275, %select_n3A_296 : vector<128x128xi1>, vector<128x128xf32>
    %roll3A_302 = arith.constant 120 : i32
    %roll3A_303 = tpu.dynamic_rotate %select_n3A_299 by %roll3A_302 dim 0 : vector<128x128xi32>, i32 -> vector<128x128xi32>
    %roll3A_304 = arith.constant 8 : i32
    %roll3A_305 = tpu.dynamic_rotate %select_n3A_299 by %roll3A_304 dim 0 : vector<128x128xi32>, i32 -> vector<128x128xi32>
    %select_n3A_306 = arith.select %eq3A_22, %roll3A_303, %roll3A_305 : vector<128x128xi1>, vector<128x128xi32>
    %roll3A_307 = arith.constant 120 : i32
    %roll3A_308 = tpu.dynamic_rotate %select_n3A_301 by %roll3A_307 dim 0 : vector<128x128xf32>, i32 -> vector<128x128xf32>
    %roll3A_309 = arith.constant 8 : i32
    %roll3A_310 = tpu.dynamic_rotate %select_n3A_301 by %roll3A_309 dim 0 : vector<128x128xf32>, i32 -> vector<128x128xf32>
    %select_n3A_311 = arith.select %eq3A_22, %roll3A_308, %roll3A_310 : vector<128x128xi1>, vector<128x128xf32>
    %min3A_312 = arith.minsi %select_n3A_299, %select_n3A_306 : vector<128x128xi32>
    %max3A_313 = arith.maxsi %select_n3A_299, %select_n3A_306 : vector<128x128xi32>
    %select_n3A_314 = arith.select %eq3A_22, %min3A_312, %max3A_313 : vector<128x128xi1>, vector<128x128xi32>
    %eq3A_315 = arith.cmpi eq, %select_n3A_314, %select_n3A_299 : vector<128x128xi32>
    %select_n3A_316 = arith.select %eq3A_315, %select_n3A_301, %select_n3A_311 : vector<128x128xi1>, vector<128x128xf32>
    %roll3A_317 = arith.constant 124 : i32
    %roll3A_318 = tpu.dynamic_rotate %select_n3A_314 by %roll3A_317 dim 0 : vector<128x128xi32>, i32 -> vector<128x128xi32>
    %roll3A_319 = arith.constant 4 : i32
    %roll3A_320 = tpu.dynamic_rotate %select_n3A_314 by %roll3A_319 dim 0 : vector<128x128xi32>, i32 -> vector<128x128xi32>
    %select_n3A_321 = arith.select %eq3A_16, %roll3A_318, %roll3A_320 : vector<128x128xi1>, vector<128x128xi32>
    %roll3A_322 = arith.constant 124 : i32
    %roll3A_323 = tpu.dynamic_rotate %select_n3A_316 by %roll3A_322 dim 0 : vector<128x128xf32>, i32 -> vector<128x128xf32>
    %roll3A_324 = arith.constant 4 : i32
    %roll3A_325 = tpu.dynamic_rotate %select_n3A_316 by %roll3A_324 dim 0 : vector<128x128xf32>, i32 -> vector<128x128xf32>
    %select_n3A_326 = arith.select %eq3A_16, %roll3A_323, %roll3A_325 : vector<128x128xi1>, vector<128x128xf32>
    %min3A_327 = arith.minsi %select_n3A_314, %select_n3A_321 : vector<128x128xi32>
    %max3A_328 = arith.maxsi %select_n3A_314, %select_n3A_321 : vector<128x128xi32>
    %select_n3A_329 = arith.select %eq3A_16, %min3A_327, %max3A_328 : vector<128x128xi1>, vector<128x128xi32>
    %eq3A_330 = arith.cmpi eq, %select_n3A_329, %select_n3A_314 : vector<128x128xi32>
    %select_n3A_331 = arith.select %eq3A_330, %select_n3A_316, %select_n3A_326 : vector<128x128xi1>, vector<128x128xf32>
    %roll3A_332 = arith.constant 126 : i32
    %roll3A_333 = tpu.dynamic_rotate %select_n3A_329 by %roll3A_332 dim 0 : vector<128x128xi32>, i32 -> vector<128x128xi32>
    %roll3A_334 = arith.constant 2 : i32
    %roll3A_335 = tpu.dynamic_rotate %select_n3A_329 by %roll3A_334 dim 0 : vector<128x128xi32>, i32 -> vector<128x128xi32>
    %select_n3A_336 = arith.select %eq3A_10, %roll3A_333, %roll3A_335 : vector<128x128xi1>, vector<128x128xi32>
    %roll3A_337 = arith.constant 126 : i32
    %roll3A_338 = tpu.dynamic_rotate %select_n3A_331 by %roll3A_337 dim 0 : vector<128x128xf32>, i32 -> vector<128x128xf32>
    %roll3A_339 = arith.constant 2 : i32
    %roll3A_340 = tpu.dynamic_rotate %select_n3A_331 by %roll3A_339 dim 0 : vector<128x128xf32>, i32 -> vector<128x128xf32>
    %select_n3A_341 = arith.select %eq3A_10, %roll3A_338, %roll3A_340 : vector<128x128xi1>, vector<128x128xf32>
    %min3A_342 = arith.minsi %select_n3A_329, %select_n3A_336 : vector<128x128xi32>
    %max3A_343 = arith.maxsi %select_n3A_329, %select_n3A_336 : vector<128x128xi32>
    %select_n3A_344 = arith.select %eq3A_10, %min3A_342, %max3A_343 : vector<128x128xi1>, vector<128x128xi32>
    %eq3A_345 = arith.cmpi eq, %select_n3A_344, %select_n3A_329 : vector<128x128xi32>
    %select_n3A_346 = arith.select %eq3A_345, %select_n3A_331, %select_n3A_341 : vector<128x128xi1>, vector<128x128xf32>
    %roll3A_347 = arith.constant 127 : i32
    %roll3A_348 = tpu.dynamic_rotate %select_n3A_344 by %roll3A_347 dim 0 : vector<128x128xi32>, i32 -> vector<128x128xi32>
    %roll3A_349 = arith.constant 1 : i32
    %roll3A_350 = tpu.dynamic_rotate %select_n3A_344 by %roll3A_349 dim 0 : vector<128x128xi32>, i32 -> vector<128x128xi32>
    %select_n3A_351 = arith.select %eq3A_4, %roll3A_348, %roll3A_350 : vector<128x128xi1>, vector<128x128xi32>
    %roll3A_352 = arith.constant 127 : i32
    %roll3A_353 = tpu.dynamic_rotate %select_n3A_346 by %roll3A_352 dim 0 : vector<128x128xf32>, i32 -> vector<128x128xf32>
    %roll3A_354 = arith.constant 1 : i32
    %roll3A_355 = tpu.dynamic_rotate %select_n3A_346 by %roll3A_354 dim 0 : vector<128x128xf32>, i32 -> vector<128x128xf32>
    %select_n3A_356 = arith.select %eq3A_4, %roll3A_353, %roll3A_355 : vector<128x128xi1>, vector<128x128xf32>
    %min3A_357 = arith.minsi %select_n3A_344, %select_n3A_351 : vector<128x128xi32>
    %max3A_358 = arith.maxsi %select_n3A_344, %select_n3A_351 : vector<128x128xi32>
    %select_n3A_359 = arith.select %eq3A_4, %min3A_357, %max3A_358 : vector<128x128xi1>, vector<128x128xi32>
    %eq3A_360 = arith.cmpi eq, %select_n3A_359, %select_n3A_344 : vector<128x128xi32>
    %select_n3A_361 = arith.select %eq3A_360, %select_n3A_346, %select_n3A_356 : vector<128x128xi1>, vector<128x128xf32>
    %and3A_362 = arith.constant 64 : i32
    %and3A_363 = vector.broadcast %and3A_362 : i32 to vector<128x128xi32>
    %and3A_364 = arith.andi %iota3A, %and3A_363 : vector<128x128xi32>
    %shift_right_arithmetic3A_365 = arith.constant 6 : i32
    %shift_right_arithmetic3A_366 = vector.broadcast %shift_right_arithmetic3A_365 : i32 to vector<128x128xi32>
    %shift_right_arithmetic3A_367 = arith.shrsi %and3A_364, %shift_right_arithmetic3A_366 : vector<128x128xi32>
    %neg3A_368 = arith.constant 0 : i32
    %neg3A_369 = vector.broadcast %neg3A_368 : i32 to vector<128x128xi32>
    %neg3A_370 = arith.subi %neg3A_369, %shift_right_arithmetic3A_367 : vector<128x128xi32>
    %xor3A_371 = arith.xori %neg3A_370, %neg3A_284 : vector<128x128xi32>
    %xor3A_372 = arith.xori %select_n3A_359, %xor3A_371 : vector<128x128xi32>
    %roll3A_373 = arith.constant 96 : i32
    %roll3A_374 = tpu.dynamic_rotate %xor3A_372 by %roll3A_373 dim 0 : vector<128x128xi32>, i32 -> vector<128x128xi32>
    %roll3A_375 = arith.constant 32 : i32
    %roll3A_376 = tpu.dynamic_rotate %xor3A_372 by %roll3A_375 dim 0 : vector<128x128xi32>, i32 -> vector<128x128xi32>
    %select_n3A_377 = arith.select %eq3A_34, %roll3A_374, %roll3A_376 : vector<128x128xi1>, vector<128x128xi32>
    %roll3A_378 = arith.constant 96 : i32
    %roll3A_379 = tpu.dynamic_rotate %select_n3A_361 by %roll3A_378 dim 0 : vector<128x128xf32>, i32 -> vector<128x128xf32>
    %roll3A_380 = arith.constant 32 : i32
    %roll3A_381 = tpu.dynamic_rotate %select_n3A_361 by %roll3A_380 dim 0 : vector<128x128xf32>, i32 -> vector<128x128xf32>
    %select_n3A_382 = arith.select %eq3A_34, %roll3A_379, %roll3A_381 : vector<128x128xi1>, vector<128x128xf32>
    %min3A_383 = arith.minsi %xor3A_372, %select_n3A_377 : vector<128x128xi32>
    %max3A_384 = arith.maxsi %xor3A_372, %select_n3A_377 : vector<128x128xi32>
    %select_n3A_385 = arith.select %eq3A_34, %min3A_383, %max3A_384 : vector<128x128xi1>, vector<128x128xi32>
    %eq3A_386 = arith.cmpi eq, %select_n3A_385, %xor3A_372 : vector<128x128xi32>
    %select_n3A_387 = arith.select %eq3A_386, %select_n3A_361, %select_n3A_382 : vector<128x128xi1>, vector<128x128xf32>
    %roll3A_388 = arith.constant 112 : i32
    %roll3A_389 = tpu.dynamic_rotate %select_n3A_385 by %roll3A_388 dim 0 : vector<128x128xi32>, i32 -> vector<128x128xi32>
    %roll3A_390 = arith.constant 16 : i32
    %roll3A_391 = tpu.dynamic_rotate %select_n3A_385 by %roll3A_390 dim 0 : vector<128x128xi32>, i32 -> vector<128x128xi32>
    %select_n3A_392 = arith.select %eq3A_28, %roll3A_389, %roll3A_391 : vector<128x128xi1>, vector<128x128xi32>
    %roll3A_393 = arith.constant 112 : i32
    %roll3A_394 = tpu.dynamic_rotate %select_n3A_387 by %roll3A_393 dim 0 : vector<128x128xf32>, i32 -> vector<128x128xf32>
    %roll3A_395 = arith.constant 16 : i32
    %roll3A_396 = tpu.dynamic_rotate %select_n3A_387 by %roll3A_395 dim 0 : vector<128x128xf32>, i32 -> vector<128x128xf32>
    %select_n3A_397 = arith.select %eq3A_28, %roll3A_394, %roll3A_396 : vector<128x128xi1>, vector<128x128xf32>
    %min3A_398 = arith.minsi %select_n3A_385, %select_n3A_392 : vector<128x128xi32>
    %max3A_399 = arith.maxsi %select_n3A_385, %select_n3A_392 : vector<128x128xi32>
    %select_n3A_400 = arith.select %eq3A_28, %min3A_398, %max3A_399 : vector<128x128xi1>, vector<128x128xi32>
    %eq3A_401 = arith.cmpi eq, %select_n3A_400, %select_n3A_385 : vector<128x128xi32>
    %select_n3A_402 = arith.select %eq3A_401, %select_n3A_387, %select_n3A_397 : vector<128x128xi1>, vector<128x128xf32>
    %roll3A_403 = arith.constant 120 : i32
    %roll3A_404 = tpu.dynamic_rotate %select_n3A_400 by %roll3A_403 dim 0 : vector<128x128xi32>, i32 -> vector<128x128xi32>
    %roll3A_405 = arith.constant 8 : i32
    %roll3A_406 = tpu.dynamic_rotate %select_n3A_400 by %roll3A_405 dim 0 : vector<128x128xi32>, i32 -> vector<128x128xi32>
    %select_n3A_407 = arith.select %eq3A_22, %roll3A_404, %roll3A_406 : vector<128x128xi1>, vector<128x128xi32>
    %roll3A_408 = arith.constant 120 : i32
    %roll3A_409 = tpu.dynamic_rotate %select_n3A_402 by %roll3A_408 dim 0 : vector<128x128xf32>, i32 -> vector<128x128xf32>
    %roll3A_410 = arith.constant 8 : i32
    %roll3A_411 = tpu.dynamic_rotate %select_n3A_402 by %roll3A_410 dim 0 : vector<128x128xf32>, i32 -> vector<128x128xf32>
    %select_n3A_412 = arith.select %eq3A_22, %roll3A_409, %roll3A_411 : vector<128x128xi1>, vector<128x128xf32>
    %min3A_413 = arith.minsi %select_n3A_400, %select_n3A_407 : vector<128x128xi32>
    %max3A_414 = arith.maxsi %select_n3A_400, %select_n3A_407 : vector<128x128xi32>
    %select_n3A_415 = arith.select %eq3A_22, %min3A_413, %max3A_414 : vector<128x128xi1>, vector<128x128xi32>
    %eq3A_416 = arith.cmpi eq, %select_n3A_415, %select_n3A_400 : vector<128x128xi32>
    %select_n3A_417 = arith.select %eq3A_416, %select_n3A_402, %select_n3A_412 : vector<128x128xi1>, vector<128x128xf32>
    %roll3A_418 = arith.constant 124 : i32
    %roll3A_419 = tpu.dynamic_rotate %select_n3A_415 by %roll3A_418 dim 0 : vector<128x128xi32>, i32 -> vector<128x128xi32>
    %roll3A_420 = arith.constant 4 : i32
    %roll3A_421 = tpu.dynamic_rotate %select_n3A_415 by %roll3A_420 dim 0 : vector<128x128xi32>, i32 -> vector<128x128xi32>
    %select_n3A_422 = arith.select %eq3A_16, %roll3A_419, %roll3A_421 : vector<128x128xi1>, vector<128x128xi32>
    %roll3A_423 = arith.constant 124 : i32
    %roll3A_424 = tpu.dynamic_rotate %select_n3A_417 by %roll3A_423 dim 0 : vector<128x128xf32>, i32 -> vector<128x128xf32>
    %roll3A_425 = arith.constant 4 : i32
    %roll3A_426 = tpu.dynamic_rotate %select_n3A_417 by %roll3A_425 dim 0 : vector<128x128xf32>, i32 -> vector<128x128xf32>
    %select_n3A_427 = arith.select %eq3A_16, %roll3A_424, %roll3A_426 : vector<128x128xi1>, vector<128x128xf32>
    %min3A_428 = arith.minsi %select_n3A_415, %select_n3A_422 : vector<128x128xi32>
    %max3A_429 = arith.maxsi %select_n3A_415, %select_n3A_422 : vector<128x128xi32>
    %select_n3A_430 = arith.select %eq3A_16, %min3A_428, %max3A_429 : vector<128x128xi1>, vector<128x128xi32>
    %eq3A_431 = arith.cmpi eq, %select_n3A_430, %select_n3A_415 : vector<128x128xi32>
    %select_n3A_432 = arith.select %eq3A_431, %select_n3A_417, %select_n3A_427 : vector<128x128xi1>, vector<128x128xf32>
    %roll3A_433 = arith.constant 126 : i32
    %roll3A_434 = tpu.dynamic_rotate %select_n3A_430 by %roll3A_433 dim 0 : vector<128x128xi32>, i32 -> vector<128x128xi32>
    %roll3A_435 = arith.constant 2 : i32
    %roll3A_436 = tpu.dynamic_rotate %select_n3A_430 by %roll3A_435 dim 0 : vector<128x128xi32>, i32 -> vector<128x128xi32>
    %select_n3A_437 = arith.select %eq3A_10, %roll3A_434, %roll3A_436 : vector<128x128xi1>, vector<128x128xi32>
    %roll3A_438 = arith.constant 126 : i32
    %roll3A_439 = tpu.dynamic_rotate %select_n3A_432 by %roll3A_438 dim 0 : vector<128x128xf32>, i32 -> vector<128x128xf32>
    %roll3A_440 = arith.constant 2 : i32
    %roll3A_441 = tpu.dynamic_rotate %select_n3A_432 by %roll3A_440 dim 0 : vector<128x128xf32>, i32 -> vector<128x128xf32>
    %select_n3A_442 = arith.select %eq3A_10, %roll3A_439, %roll3A_441 : vector<128x128xi1>, vector<128x128xf32>
    %min3A_443 = arith.minsi %select_n3A_430, %select_n3A_437 : vector<128x128xi32>
    %max3A_444 = arith.maxsi %select_n3A_430, %select_n3A_437 : vector<128x128xi32>
    %select_n3A_445 = arith.select %eq3A_10, %min3A_443, %max3A_444 : vector<128x128xi1>, vector<128x128xi32>
    %eq3A_446 = arith.cmpi eq, %select_n3A_445, %select_n3A_430 : vector<128x128xi32>
    %select_n3A_447 = arith.select %eq3A_446, %select_n3A_432, %select_n3A_442 : vector<128x128xi1>, vector<128x128xf32>
    %roll3A_448 = arith.constant 127 : i32
    %roll3A_449 = tpu.dynamic_rotate %select_n3A_445 by %roll3A_448 dim 0 : vector<128x128xi32>, i32 -> vector<128x128xi32>
    %roll3A_450 = arith.constant 1 : i32
    %roll3A_451 = tpu.dynamic_rotate %select_n3A_445 by %roll3A_450 dim 0 : vector<128x128xi32>, i32 -> vector<128x128xi32>
    %select_n3A_452 = arith.select %eq3A_4, %roll3A_449, %roll3A_451 : vector<128x128xi1>, vector<128x128xi32>
    %roll3A_453 = arith.constant 127 : i32
    %roll3A_454 = tpu.dynamic_rotate %select_n3A_447 by %roll3A_453 dim 0 : vector<128x128xf32>, i32 -> vector<128x128xf32>
    %roll3A_455 = arith.constant 1 : i32
    %roll3A_456 = tpu.dynamic_rotate %select_n3A_447 by %roll3A_455 dim 0 : vector<128x128xf32>, i32 -> vector<128x128xf32>
    %select_n3A_457 = arith.select %eq3A_4, %roll3A_454, %roll3A_456 : vector<128x128xi1>, vector<128x128xf32>
    %min3A_458 = arith.minsi %select_n3A_445, %select_n3A_452 : vector<128x128xi32>
    %max3A_459 = arith.maxsi %select_n3A_445, %select_n3A_452 : vector<128x128xi32>
    %select_n3A_460 = arith.select %eq3A_4, %min3A_458, %max3A_459 : vector<128x128xi1>, vector<128x128xi32>
    %eq3A_461 = arith.cmpi eq, %select_n3A_460, %select_n3A_445 : vector<128x128xi32>
    %select_n3A_462 = arith.select %eq3A_461, %select_n3A_447, %select_n3A_457 : vector<128x128xi1>, vector<128x128xf32>
    %and3A_463 = arith.constant 1 : i32
    %and3A_464 = vector.broadcast %and3A_463 : i32 to vector<128x128xi32>
    %and3A_465 = arith.andi %iota3A_0, %and3A_464 : vector<128x128xi32>
    %shift_right_arithmetic3A_466 = arith.constant 0 : i32
    %shift_right_arithmetic3A_467 = vector.broadcast %shift_right_arithmetic3A_466 : i32 to vector<128x128xi32>
    %shift_right_arithmetic3A_468 = arith.shrsi %and3A_465, %shift_right_arithmetic3A_467 : vector<128x128xi32>
    %neg3A_469 = arith.constant 0 : i32
    %neg3A_470 = vector.broadcast %neg3A_469 : i32 to vector<128x128xi32>
    %neg3A_471 = arith.subi %neg3A_470, %shift_right_arithmetic3A_468 : vector<128x128xi32>
    %xor3A_472 = arith.xori %neg3A_471, %neg3A_370 : vector<128x128xi32>
    %xor3A_473 = arith.xori %select_n3A_460, %xor3A_472 : vector<128x128xi32>
    %roll3A_474 = arith.constant 64 : i32
    %roll3A_475 = tpu.dynamic_rotate %xor3A_473 by %roll3A_474 dim 0 : vector<128x128xi32>, i32 -> vector<128x128xi32>
    %roll3A_476 = arith.constant 64 : i32
    %roll3A_477 = tpu.dynamic_rotate %xor3A_473 by %roll3A_476 dim 0 : vector<128x128xi32>, i32 -> vector<128x128xi32>
    %select_n3A_478 = arith.select %eq3A_40, %roll3A_475, %roll3A_477 : vector<128x128xi1>, vector<128x128xi32>
    %roll3A_479 = arith.constant 64 : i32
    %roll3A_480 = tpu.dynamic_rotate %select_n3A_462 by %roll3A_479 dim 0 : vector<128x128xf32>, i32 -> vector<128x128xf32>
    %roll3A_481 = arith.constant 64 : i32
    %roll3A_482 = tpu.dynamic_rotate %select_n3A_462 by %roll3A_481 dim 0 : vector<128x128xf32>, i32 -> vector<128x128xf32>
    %select_n3A_483 = arith.select %eq3A_40, %roll3A_480, %roll3A_482 : vector<128x128xi1>, vector<128x128xf32>
    %min3A_484 = arith.minsi %xor3A_473, %select_n3A_478 : vector<128x128xi32>
    %max3A_485 = arith.maxsi %xor3A_473, %select_n3A_478 : vector<128x128xi32>
    %select_n3A_486 = arith.select %eq3A_40, %min3A_484, %max3A_485 : vector<128x128xi1>, vector<128x128xi32>
    %eq3A_487 = arith.cmpi eq, %select_n3A_486, %xor3A_473 : vector<128x128xi32>
    %select_n3A_488 = arith.select %eq3A_487, %select_n3A_462, %select_n3A_483 : vector<128x128xi1>, vector<128x128xf32>
    %roll3A_489 = arith.constant 96 : i32
    %roll3A_490 = tpu.dynamic_rotate %select_n3A_486 by %roll3A_489 dim 0 : vector<128x128xi32>, i32 -> vector<128x128xi32>
    %roll3A_491 = arith.constant 32 : i32
    %roll3A_492 = tpu.dynamic_rotate %select_n3A_486 by %roll3A_491 dim 0 : vector<128x128xi32>, i32 -> vector<128x128xi32>
    %select_n3A_493 = arith.select %eq3A_34, %roll3A_490, %roll3A_492 : vector<128x128xi1>, vector<128x128xi32>
    %roll3A_494 = arith.constant 96 : i32
    %roll3A_495 = tpu.dynamic_rotate %select_n3A_488 by %roll3A_494 dim 0 : vector<128x128xf32>, i32 -> vector<128x128xf32>
    %roll3A_496 = arith.constant 32 : i32
    %roll3A_497 = tpu.dynamic_rotate %select_n3A_488 by %roll3A_496 dim 0 : vector<128x128xf32>, i32 -> vector<128x128xf32>
    %select_n3A_498 = arith.select %eq3A_34, %roll3A_495, %roll3A_497 : vector<128x128xi1>, vector<128x128xf32>
    %min3A_499 = arith.minsi %select_n3A_486, %select_n3A_493 : vector<128x128xi32>
    %max3A_500 = arith.maxsi %select_n3A_486, %select_n3A_493 : vector<128x128xi32>
    %select_n3A_501 = arith.select %eq3A_34, %min3A_499, %max3A_500 : vector<128x128xi1>, vector<128x128xi32>
    %eq3A_502 = arith.cmpi eq, %select_n3A_501, %select_n3A_486 : vector<128x128xi32>
    %select_n3A_503 = arith.select %eq3A_502, %select_n3A_488, %select_n3A_498 : vector<128x128xi1>, vector<128x128xf32>
    %roll3A_504 = arith.constant 112 : i32
    %roll3A_505 = tpu.dynamic_rotate %select_n3A_501 by %roll3A_504 dim 0 : vector<128x128xi32>, i32 -> vector<128x128xi32>
    %roll3A_506 = arith.constant 16 : i32
    %roll3A_507 = tpu.dynamic_rotate %select_n3A_501 by %roll3A_506 dim 0 : vector<128x128xi32>, i32 -> vector<128x128xi32>
    %select_n3A_508 = arith.select %eq3A_28, %roll3A_505, %roll3A_507 : vector<128x128xi1>, vector<128x128xi32>
    %roll3A_509 = arith.constant 112 : i32
    %roll3A_510 = tpu.dynamic_rotate %select_n3A_503 by %roll3A_509 dim 0 : vector<128x128xf32>, i32 -> vector<128x128xf32>
    %roll3A_511 = arith.constant 16 : i32
    %roll3A_512 = tpu.dynamic_rotate %select_n3A_503 by %roll3A_511 dim 0 : vector<128x128xf32>, i32 -> vector<128x128xf32>
    %select_n3A_513 = arith.select %eq3A_28, %roll3A_510, %roll3A_512 : vector<128x128xi1>, vector<128x128xf32>
    %min3A_514 = arith.minsi %select_n3A_501, %select_n3A_508 : vector<128x128xi32>
    %max3A_515 = arith.maxsi %select_n3A_501, %select_n3A_508 : vector<128x128xi32>
    %select_n3A_516 = arith.select %eq3A_28, %min3A_514, %max3A_515 : vector<128x128xi1>, vector<128x128xi32>
    %eq3A_517 = arith.cmpi eq, %select_n3A_516, %select_n3A_501 : vector<128x128xi32>
    %select_n3A_518 = arith.select %eq3A_517, %select_n3A_503, %select_n3A_513 : vector<128x128xi1>, vector<128x128xf32>
    %roll3A_519 = arith.constant 120 : i32
    %roll3A_520 = tpu.dynamic_rotate %select_n3A_516 by %roll3A_519 dim 0 : vector<128x128xi32>, i32 -> vector<128x128xi32>
    %roll3A_521 = arith.constant 8 : i32
    %roll3A_522 = tpu.dynamic_rotate %select_n3A_516 by %roll3A_521 dim 0 : vector<128x128xi32>, i32 -> vector<128x128xi32>
    %select_n3A_523 = arith.select %eq3A_22, %roll3A_520, %roll3A_522 : vector<128x128xi1>, vector<128x128xi32>
    %roll3A_524 = arith.constant 120 : i32
    %roll3A_525 = tpu.dynamic_rotate %select_n3A_518 by %roll3A_524 dim 0 : vector<128x128xf32>, i32 -> vector<128x128xf32>
    %roll3A_526 = arith.constant 8 : i32
    %roll3A_527 = tpu.dynamic_rotate %select_n3A_518 by %roll3A_526 dim 0 : vector<128x128xf32>, i32 -> vector<128x128xf32>
    %select_n3A_528 = arith.select %eq3A_22, %roll3A_525, %roll3A_527 : vector<128x128xi1>, vector<128x128xf32>
    %min3A_529 = arith.minsi %select_n3A_516, %select_n3A_523 : vector<128x128xi32>
    %max3A_530 = arith.maxsi %select_n3A_516, %select_n3A_523 : vector<128x128xi32>
    %select_n3A_531 = arith.select %eq3A_22, %min3A_529, %max3A_530 : vector<128x128xi1>, vector<128x128xi32>
    %eq3A_532 = arith.cmpi eq, %select_n3A_531, %select_n3A_516 : vector<128x128xi32>
    %select_n3A_533 = arith.select %eq3A_532, %select_n3A_518, %select_n3A_528 : vector<128x128xi1>, vector<128x128xf32>
    %roll3A_534 = arith.constant 124 : i32
    %roll3A_535 = tpu.dynamic_rotate %select_n3A_531 by %roll3A_534 dim 0 : vector<128x128xi32>, i32 -> vector<128x128xi32>
    %roll3A_536 = arith.constant 4 : i32
    %roll3A_537 = tpu.dynamic_rotate %select_n3A_531 by %roll3A_536 dim 0 : vector<128x128xi32>, i32 -> vector<128x128xi32>
    %select_n3A_538 = arith.select %eq3A_16, %roll3A_535, %roll3A_537 : vector<128x128xi1>, vector<128x128xi32>
    %roll3A_539 = arith.constant 124 : i32
    %roll3A_540 = tpu.dynamic_rotate %select_n3A_533 by %roll3A_539 dim 0 : vector<128x128xf32>, i32 -> vector<128x128xf32>
    %roll3A_541 = arith.constant 4 : i32
    %roll3A_542 = tpu.dynamic_rotate %select_n3A_533 by %roll3A_541 dim 0 : vector<128x128xf32>, i32 -> vector<128x128xf32>
    %select_n3A_543 = arith.select %eq3A_16, %roll3A_540, %roll3A_542 : vector<128x128xi1>, vector<128x128xf32>
    %min3A_544 = arith.minsi %select_n3A_531, %select_n3A_538 : vector<128x128xi32>
    %max3A_545 = arith.maxsi %select_n3A_531, %select_n3A_538 : vector<128x128xi32>
    %select_n3A_546 = arith.select %eq3A_16, %min3A_544, %max3A_545 : vector<128x128xi1>, vector<128x128xi32>
    %eq3A_547 = arith.cmpi eq, %select_n3A_546, %select_n3A_531 : vector<128x128xi32>
    %select_n3A_548 = arith.select %eq3A_547, %select_n3A_533, %select_n3A_543 : vector<128x128xi1>, vector<128x128xf32>
    %roll3A_549 = arith.constant 126 : i32
    %roll3A_550 = tpu.dynamic_rotate %select_n3A_546 by %roll3A_549 dim 0 : vector<128x128xi32>, i32 -> vector<128x128xi32>
    %roll3A_551 = arith.constant 2 : i32
    %roll3A_552 = tpu.dynamic_rotate %select_n3A_546 by %roll3A_551 dim 0 : vector<128x128xi32>, i32 -> vector<128x128xi32>
    %select_n3A_553 = arith.select %eq3A_10, %roll3A_550, %roll3A_552 : vector<128x128xi1>, vector<128x128xi32>
    %roll3A_554 = arith.constant 126 : i32
    %roll3A_555 = tpu.dynamic_rotate %select_n3A_548 by %roll3A_554 dim 0 : vector<128x128xf32>, i32 -> vector<128x128xf32>
    %roll3A_556 = arith.constant 2 : i32
    %roll3A_557 = tpu.dynamic_rotate %select_n3A_548 by %roll3A_556 dim 0 : vector<128x128xf32>, i32 -> vector<128x128xf32>
    %select_n3A_558 = arith.select %eq3A_10, %roll3A_555, %roll3A_557 : vector<128x128xi1>, vector<128x128xf32>
    %min3A_559 = arith.minsi %select_n3A_546, %select_n3A_553 : vector<128x128xi32>
    %max3A_560 = arith.maxsi %select_n3A_546, %select_n3A_553 : vector<128x128xi32>
    %select_n3A_561 = arith.select %eq3A_10, %min3A_559, %max3A_560 : vector<128x128xi1>, vector<128x128xi32>
    %eq3A_562 = arith.cmpi eq, %select_n3A_561, %select_n3A_546 : vector<128x128xi32>
    %select_n3A_563 = arith.select %eq3A_562, %select_n3A_548, %select_n3A_558 : vector<128x128xi1>, vector<128x128xf32>
    %roll3A_564 = arith.constant 127 : i32
    %roll3A_565 = tpu.dynamic_rotate %select_n3A_561 by %roll3A_564 dim 0 : vector<128x128xi32>, i32 -> vector<128x128xi32>
    %roll3A_566 = arith.constant 1 : i32
    %roll3A_567 = tpu.dynamic_rotate %select_n3A_561 by %roll3A_566 dim 0 : vector<128x128xi32>, i32 -> vector<128x128xi32>
    %select_n3A_568 = arith.select %eq3A_4, %roll3A_565, %roll3A_567 : vector<128x128xi1>, vector<128x128xi32>
    %roll3A_569 = arith.constant 127 : i32
    %roll3A_570 = tpu.dynamic_rotate %select_n3A_563 by %roll3A_569 dim 0 : vector<128x128xf32>, i32 -> vector<128x128xf32>
    %roll3A_571 = arith.constant 1 : i32
    %roll3A_572 = tpu.dynamic_rotate %select_n3A_563 by %roll3A_571 dim 0 : vector<128x128xf32>, i32 -> vector<128x128xf32>
    %select_n3A_573 = arith.select %eq3A_4, %roll3A_570, %roll3A_572 : vector<128x128xi1>, vector<128x128xf32>
    %min3A_574 = arith.minsi %select_n3A_561, %select_n3A_568 : vector<128x128xi32>
    %max3A_575 = arith.maxsi %select_n3A_561, %select_n3A_568 : vector<128x128xi32>
    %select_n3A_576 = arith.select %eq3A_4, %min3A_574, %max3A_575 : vector<128x128xi1>, vector<128x128xi32>
    %eq3A_577 = arith.cmpi eq, %select_n3A_576, %select_n3A_561 : vector<128x128xi32>
    %select_n3A_578 = arith.select %eq3A_577, %select_n3A_563, %select_n3A_573 : vector<128x128xi1>, vector<128x128xf32>
    %and3A_579 = arith.constant 2 : i32
    %and3A_580 = vector.broadcast %and3A_579 : i32 to vector<128x128xi32>
    %and3A_581 = arith.andi %iota3A_0, %and3A_580 : vector<128x128xi32>
    %shift_right_arithmetic3A_582 = arith.constant 1 : i32
    %shift_right_arithmetic3A_583 = vector.broadcast %shift_right_arithmetic3A_582 : i32 to vector<128x128xi32>
    %shift_right_arithmetic3A_584 = arith.shrsi %and3A_581, %shift_right_arithmetic3A_583 : vector<128x128xi32>
    %neg3A_585 = arith.constant 0 : i32
    %neg3A_586 = vector.broadcast %neg3A_585 : i32 to vector<128x128xi32>
    %neg3A_587 = arith.subi %neg3A_586, %shift_right_arithmetic3A_584 : vector<128x128xi32>
    %xor3A_588 = arith.xori %neg3A_587, %neg3A_471 : vector<128x128xi32>
    %xor3A_589 = arith.xori %select_n3A_576, %xor3A_588 : vector<128x128xi32>
    %roll3A_590 = arith.constant 127 : i32
    %roll3A_591 = tpu.dynamic_rotate %xor3A_589 by %roll3A_590 dim 1 : vector<128x128xi32>, i32 -> vector<128x128xi32>
    %roll3A_592 = arith.constant 1 : i32
    %roll3A_593 = tpu.dynamic_rotate %xor3A_589 by %roll3A_592 dim 1 : vector<128x128xi32>, i32 -> vector<128x128xi32>
    %select_n3A_594 = arith.select %eq3A_46, %roll3A_591, %roll3A_593 : vector<128x128xi1>, vector<128x128xi32>
    %roll3A_595 = arith.constant 127 : i32
    %roll3A_596 = tpu.dynamic_rotate %select_n3A_578 by %roll3A_595 dim 1 : vector<128x128xf32>, i32 -> vector<128x128xf32>
    %roll3A_597 = arith.constant 1 : i32
    %roll3A_598 = tpu.dynamic_rotate %select_n3A_578 by %roll3A_597 dim 1 : vector<128x128xf32>, i32 -> vector<128x128xf32>
    %select_n3A_599 = arith.select %eq3A_46, %roll3A_596, %roll3A_598 : vector<128x128xi1>, vector<128x128xf32>
    %min3A_600 = arith.minsi %xor3A_589, %select_n3A_594 : vector<128x128xi32>
    %max3A_601 = arith.maxsi %xor3A_589, %select_n3A_594 : vector<128x128xi32>
    %select_n3A_602 = arith.select %eq3A_46, %min3A_600, %max3A_601 : vector<128x128xi1>, vector<128x128xi32>
    %eq3A_603 = arith.cmpi eq, %select_n3A_602, %xor3A_589 : vector<128x128xi32>
    %select_n3A_604 = arith.select %eq3A_603, %select_n3A_578, %select_n3A_599 : vector<128x128xi1>, vector<128x128xf32>
    %roll3A_605 = arith.constant 64 : i32
    %roll3A_606 = tpu.dynamic_rotate %select_n3A_602 by %roll3A_605 dim 0 : vector<128x128xi32>, i32 -> vector<128x128xi32>
    %roll3A_607 = arith.constant 64 : i32
    %roll3A_608 = tpu.dynamic_rotate %select_n3A_602 by %roll3A_607 dim 0 : vector<128x128xi32>, i32 -> vector<128x128xi32>
    %select_n3A_609 = arith.select %eq3A_40, %roll3A_606, %roll3A_608 : vector<128x128xi1>, vector<128x128xi32>
    %roll3A_610 = arith.constant 64 : i32
    %roll3A_611 = tpu.dynamic_rotate %select_n3A_604 by %roll3A_610 dim 0 : vector<128x128xf32>, i32 -> vector<128x128xf32>
    %roll3A_612 = arith.constant 64 : i32
    %roll3A_613 = tpu.dynamic_rotate %select_n3A_604 by %roll3A_612 dim 0 : vector<128x128xf32>, i32 -> vector<128x128xf32>
    %select_n3A_614 = arith.select %eq3A_40, %roll3A_611, %roll3A_613 : vector<128x128xi1>, vector<128x128xf32>
    %min3A_615 = arith.minsi %select_n3A_602, %select_n3A_609 : vector<128x128xi32>
    %max3A_616 = arith.maxsi %select_n3A_602, %select_n3A_609 : vector<128x128xi32>
    %select_n3A_617 = arith.select %eq3A_40, %min3A_615, %max3A_616 : vector<128x128xi1>, vector<128x128xi32>
    %eq3A_618 = arith.cmpi eq, %select_n3A_617, %select_n3A_602 : vector<128x128xi32>
    %select_n3A_619 = arith.select %eq3A_618, %select_n3A_604, %select_n3A_614 : vector<128x128xi1>, vector<128x128xf32>
    %roll3A_620 = arith.constant 96 : i32
    %roll3A_621 = tpu.dynamic_rotate %select_n3A_617 by %roll3A_620 dim 0 : vector<128x128xi32>, i32 -> vector<128x128xi32>
    %roll3A_622 = arith.constant 32 : i32
    %roll3A_623 = tpu.dynamic_rotate %select_n3A_617 by %roll3A_622 dim 0 : vector<128x128xi32>, i32 -> vector<128x128xi32>
    %select_n3A_624 = arith.select %eq3A_34, %roll3A_621, %roll3A_623 : vector<128x128xi1>, vector<128x128xi32>
    %roll3A_625 = arith.constant 96 : i32
    %roll3A_626 = tpu.dynamic_rotate %select_n3A_619 by %roll3A_625 dim 0 : vector<128x128xf32>, i32 -> vector<128x128xf32>
    %roll3A_627 = arith.constant 32 : i32
    %roll3A_628 = tpu.dynamic_rotate %select_n3A_619 by %roll3A_627 dim 0 : vector<128x128xf32>, i32 -> vector<128x128xf32>
    %select_n3A_629 = arith.select %eq3A_34, %roll3A_626, %roll3A_628 : vector<128x128xi1>, vector<128x128xf32>
    %min3A_630 = arith.minsi %select_n3A_617, %select_n3A_624 : vector<128x128xi32>
    %max3A_631 = arith.maxsi %select_n3A_617, %select_n3A_624 : vector<128x128xi32>
    %select_n3A_632 = arith.select %eq3A_34, %min3A_630, %max3A_631 : vector<128x128xi1>, vector<128x128xi32>
    %eq3A_633 = arith.cmpi eq, %select_n3A_632, %select_n3A_617 : vector<128x128xi32>
    %select_n3A_634 = arith.select %eq3A_633, %select_n3A_619, %select_n3A_629 : vector<128x128xi1>, vector<128x128xf32>
    %roll3A_635 = arith.constant 112 : i32
    %roll3A_636 = tpu.dynamic_rotate %select_n3A_632 by %roll3A_635 dim 0 : vector<128x128xi32>, i32 -> vector<128x128xi32>
    %roll3A_637 = arith.constant 16 : i32
    %roll3A_638 = tpu.dynamic_rotate %select_n3A_632 by %roll3A_637 dim 0 : vector<128x128xi32>, i32 -> vector<128x128xi32>
    %select_n3A_639 = arith.select %eq3A_28, %roll3A_636, %roll3A_638 : vector<128x128xi1>, vector<128x128xi32>
    %roll3A_640 = arith.constant 112 : i32
    %roll3A_641 = tpu.dynamic_rotate %select_n3A_634 by %roll3A_640 dim 0 : vector<128x128xf32>, i32 -> vector<128x128xf32>
    %roll3A_642 = arith.constant 16 : i32
    %roll3A_643 = tpu.dynamic_rotate %select_n3A_634 by %roll3A_642 dim 0 : vector<128x128xf32>, i32 -> vector<128x128xf32>
    %select_n3A_644 = arith.select %eq3A_28, %roll3A_641, %roll3A_643 : vector<128x128xi1>, vector<128x128xf32>
    %min3A_645 = arith.minsi %select_n3A_632, %select_n3A_639 : vector<128x128xi32>
    %max3A_646 = arith.maxsi %select_n3A_632, %select_n3A_639 : vector<128x128xi32>
    %select_n3A_647 = arith.select %eq3A_28, %min3A_645, %max3A_646 : vector<128x128xi1>, vector<128x128xi32>
    %eq3A_648 = arith.cmpi eq, %select_n3A_647, %select_n3A_632 : vector<128x128xi32>
    %select_n3A_649 = arith.select %eq3A_648, %select_n3A_634, %select_n3A_644 : vector<128x128xi1>, vector<128x128xf32>
    %roll3A_650 = arith.constant 120 : i32
    %roll3A_651 = tpu.dynamic_rotate %select_n3A_647 by %roll3A_650 dim 0 : vector<128x128xi32>, i32 -> vector<128x128xi32>
    %roll3A_652 = arith.constant 8 : i32
    %roll3A_653 = tpu.dynamic_rotate %select_n3A_647 by %roll3A_652 dim 0 : vector<128x128xi32>, i32 -> vector<128x128xi32>
    %select_n3A_654 = arith.select %eq3A_22, %roll3A_651, %roll3A_653 : vector<128x128xi1>, vector<128x128xi32>
    %roll3A_655 = arith.constant 120 : i32
    %roll3A_656 = tpu.dynamic_rotate %select_n3A_649 by %roll3A_655 dim 0 : vector<128x128xf32>, i32 -> vector<128x128xf32>
    %roll3A_657 = arith.constant 8 : i32
    %roll3A_658 = tpu.dynamic_rotate %select_n3A_649 by %roll3A_657 dim 0 : vector<128x128xf32>, i32 -> vector<128x128xf32>
    %select_n3A_659 = arith.select %eq3A_22, %roll3A_656, %roll3A_658 : vector<128x128xi1>, vector<128x128xf32>
    %min3A_660 = arith.minsi %select_n3A_647, %select_n3A_654 : vector<128x128xi32>
    %max3A_661 = arith.maxsi %select_n3A_647, %select_n3A_654 : vector<128x128xi32>
    %select_n3A_662 = arith.select %eq3A_22, %min3A_660, %max3A_661 : vector<128x128xi1>, vector<128x128xi32>
    %eq3A_663 = arith.cmpi eq, %select_n3A_662, %select_n3A_647 : vector<128x128xi32>
    %select_n3A_664 = arith.select %eq3A_663, %select_n3A_649, %select_n3A_659 : vector<128x128xi1>, vector<128x128xf32>
    %roll3A_665 = arith.constant 124 : i32
    %roll3A_666 = tpu.dynamic_rotate %select_n3A_662 by %roll3A_665 dim 0 : vector<128x128xi32>, i32 -> vector<128x128xi32>
    %roll3A_667 = arith.constant 4 : i32
    %roll3A_668 = tpu.dynamic_rotate %select_n3A_662 by %roll3A_667 dim 0 : vector<128x128xi32>, i32 -> vector<128x128xi32>
    %select_n3A_669 = arith.select %eq3A_16, %roll3A_666, %roll3A_668 : vector<128x128xi1>, vector<128x128xi32>
    %roll3A_670 = arith.constant 124 : i32
    %roll3A_671 = tpu.dynamic_rotate %select_n3A_664 by %roll3A_670 dim 0 : vector<128x128xf32>, i32 -> vector<128x128xf32>
    %roll3A_672 = arith.constant 4 : i32
    %roll3A_673 = tpu.dynamic_rotate %select_n3A_664 by %roll3A_672 dim 0 : vector<128x128xf32>, i32 -> vector<128x128xf32>
    %select_n3A_674 = arith.select %eq3A_16, %roll3A_671, %roll3A_673 : vector<128x128xi1>, vector<128x128xf32>
    %min3A_675 = arith.minsi %select_n3A_662, %select_n3A_669 : vector<128x128xi32>
    %max3A_676 = arith.maxsi %select_n3A_662, %select_n3A_669 : vector<128x128xi32>
    %select_n3A_677 = arith.select %eq3A_16, %min3A_675, %max3A_676 : vector<128x128xi1>, vector<128x128xi32>
    %eq3A_678 = arith.cmpi eq, %select_n3A_677, %select_n3A_662 : vector<128x128xi32>
    %select_n3A_679 = arith.select %eq3A_678, %select_n3A_664, %select_n3A_674 : vector<128x128xi1>, vector<128x128xf32>
    %roll3A_680 = arith.constant 126 : i32
    %roll3A_681 = tpu.dynamic_rotate %select_n3A_677 by %roll3A_680 dim 0 : vector<128x128xi32>, i32 -> vector<128x128xi32>
    %roll3A_682 = arith.constant 2 : i32
    %roll3A_683 = tpu.dynamic_rotate %select_n3A_677 by %roll3A_682 dim 0 : vector<128x128xi32>, i32 -> vector<128x128xi32>
    %select_n3A_684 = arith.select %eq3A_10, %roll3A_681, %roll3A_683 : vector<128x128xi1>, vector<128x128xi32>
    %roll3A_685 = arith.constant 126 : i32
    %roll3A_686 = tpu.dynamic_rotate %select_n3A_679 by %roll3A_685 dim 0 : vector<128x128xf32>, i32 -> vector<128x128xf32>
    %roll3A_687 = arith.constant 2 : i32
    %roll3A_688 = tpu.dynamic_rotate %select_n3A_679 by %roll3A_687 dim 0 : vector<128x128xf32>, i32 -> vector<128x128xf32>
    %select_n3A_689 = arith.select %eq3A_10, %roll3A_686, %roll3A_688 : vector<128x128xi1>, vector<128x128xf32>
    %min3A_690 = arith.minsi %select_n3A_677, %select_n3A_684 : vector<128x128xi32>
    %max3A_691 = arith.maxsi %select_n3A_677, %select_n3A_684 : vector<128x128xi32>
    %select_n3A_692 = arith.select %eq3A_10, %min3A_690, %max3A_691 : vector<128x128xi1>, vector<128x128xi32>
    %eq3A_693 = arith.cmpi eq, %select_n3A_692, %select_n3A_677 : vector<128x128xi32>
    %select_n3A_694 = arith.select %eq3A_693, %select_n3A_679, %select_n3A_689 : vector<128x128xi1>, vector<128x128xf32>
    %roll3A_695 = arith.constant 127 : i32
    %roll3A_696 = tpu.dynamic_rotate %select_n3A_692 by %roll3A_695 dim 0 : vector<128x128xi32>, i32 -> vector<128x128xi32>
    %roll3A_697 = arith.constant 1 : i32
    %roll3A_698 = tpu.dynamic_rotate %select_n3A_692 by %roll3A_697 dim 0 : vector<128x128xi32>, i32 -> vector<128x128xi32>
    %select_n3A_699 = arith.select %eq3A_4, %roll3A_696, %roll3A_698 : vector<128x128xi1>, vector<128x128xi32>
    %roll3A_700 = arith.constant 127 : i32
    %roll3A_701 = tpu.dynamic_rotate %select_n3A_694 by %roll3A_700 dim 0 : vector<128x128xf32>, i32 -> vector<128x128xf32>
    %roll3A_702 = arith.constant 1 : i32
    %roll3A_703 = tpu.dynamic_rotate %select_n3A_694 by %roll3A_702 dim 0 : vector<128x128xf32>, i32 -> vector<128x128xf32>
    %select_n3A_704 = arith.select %eq3A_4, %roll3A_701, %roll3A_703 : vector<128x128xi1>, vector<128x128xf32>
    %min3A_705 = arith.minsi %select_n3A_692, %select_n3A_699 : vector<128x128xi32>
    %max3A_706 = arith.maxsi %select_n3A_692, %select_n3A_699 : vector<128x128xi32>
    %select_n3A_707 = arith.select %eq3A_4, %min3A_705, %max3A_706 : vector<128x128xi1>, vector<128x128xi32>
    %eq3A_708 = arith.cmpi eq, %select_n3A_707, %select_n3A_692 : vector<128x128xi32>
    %select_n3A_709 = arith.select %eq3A_708, %select_n3A_694, %select_n3A_704 : vector<128x128xi1>, vector<128x128xf32>
    %and3A_710 = arith.constant 4 : i32
    %and3A_711 = vector.broadcast %and3A_710 : i32 to vector<128x128xi32>
    %and3A_712 = arith.andi %iota3A_0, %and3A_711 : vector<128x128xi32>
    %shift_right_arithmetic3A_713 = arith.constant 2 : i32
    %shift_right_arithmetic3A_714 = vector.broadcast %shift_right_arithmetic3A_713 : i32 to vector<128x128xi32>
    %shift_right_arithmetic3A_715 = arith.shrsi %and3A_712, %shift_right_arithmetic3A_714 : vector<128x128xi32>
    %neg3A_716 = arith.constant 0 : i32
    %neg3A_717 = vector.broadcast %neg3A_716 : i32 to vector<128x128xi32>
    %neg3A_718 = arith.subi %neg3A_717, %shift_right_arithmetic3A_715 : vector<128x128xi32>
    %xor3A_719 = arith.xori %neg3A_718, %neg3A_587 : vector<128x128xi32>
    %xor3A_720 = arith.xori %select_n3A_707, %xor3A_719 : vector<128x128xi32>
    %roll3A_721 = arith.constant 126 : i32
    %roll3A_722 = tpu.dynamic_rotate %xor3A_720 by %roll3A_721 dim 1 : vector<128x128xi32>, i32 -> vector<128x128xi32>
    %roll3A_723 = arith.constant 2 : i32
    %roll3A_724 = tpu.dynamic_rotate %xor3A_720 by %roll3A_723 dim 1 : vector<128x128xi32>, i32 -> vector<128x128xi32>
    %select_n3A_725 = arith.select %eq3A_52, %roll3A_722, %roll3A_724 : vector<128x128xi1>, vector<128x128xi32>
    %roll3A_726 = arith.constant 126 : i32
    %roll3A_727 = tpu.dynamic_rotate %select_n3A_709 by %roll3A_726 dim 1 : vector<128x128xf32>, i32 -> vector<128x128xf32>
    %roll3A_728 = arith.constant 2 : i32
    %roll3A_729 = tpu.dynamic_rotate %select_n3A_709 by %roll3A_728 dim 1 : vector<128x128xf32>, i32 -> vector<128x128xf32>
    %select_n3A_730 = arith.select %eq3A_52, %roll3A_727, %roll3A_729 : vector<128x128xi1>, vector<128x128xf32>
    %min3A_731 = arith.minsi %xor3A_720, %select_n3A_725 : vector<128x128xi32>
    %max3A_732 = arith.maxsi %xor3A_720, %select_n3A_725 : vector<128x128xi32>
    %select_n3A_733 = arith.select %eq3A_52, %min3A_731, %max3A_732 : vector<128x128xi1>, vector<128x128xi32>
    %eq3A_734 = arith.cmpi eq, %select_n3A_733, %xor3A_720 : vector<128x128xi32>
    %select_n3A_735 = arith.select %eq3A_734, %select_n3A_709, %select_n3A_730 : vector<128x128xi1>, vector<128x128xf32>
    %roll3A_736 = arith.constant 127 : i32
    %roll3A_737 = tpu.dynamic_rotate %select_n3A_733 by %roll3A_736 dim 1 : vector<128x128xi32>, i32 -> vector<128x128xi32>
    %roll3A_738 = arith.constant 1 : i32
    %roll3A_739 = tpu.dynamic_rotate %select_n3A_733 by %roll3A_738 dim 1 : vector<128x128xi32>, i32 -> vector<128x128xi32>
    %select_n3A_740 = arith.select %eq3A_46, %roll3A_737, %roll3A_739 : vector<128x128xi1>, vector<128x128xi32>
    %roll3A_741 = arith.constant 127 : i32
    %roll3A_742 = tpu.dynamic_rotate %select_n3A_735 by %roll3A_741 dim 1 : vector<128x128xf32>, i32 -> vector<128x128xf32>
    %roll3A_743 = arith.constant 1 : i32
    %roll3A_744 = tpu.dynamic_rotate %select_n3A_735 by %roll3A_743 dim 1 : vector<128x128xf32>, i32 -> vector<128x128xf32>
    %select_n3A_745 = arith.select %eq3A_46, %roll3A_742, %roll3A_744 : vector<128x128xi1>, vector<128x128xf32>
    %min3A_746 = arith.minsi %select_n3A_733, %select_n3A_740 : vector<128x128xi32>
    %max3A_747 = arith.maxsi %select_n3A_733, %select_n3A_740 : vector<128x128xi32>
    %select_n3A_748 = arith.select %eq3A_46, %min3A_746, %max3A_747 : vector<128x128xi1>, vector<128x128xi32>
    %eq3A_749 = arith.cmpi eq, %select_n3A_748, %select_n3A_733 : vector<128x128xi32>
    %select_n3A_750 = arith.select %eq3A_749, %select_n3A_735, %select_n3A_745 : vector<128x128xi1>, vector<128x128xf32>
    %roll3A_751 = arith.constant 64 : i32
    %roll3A_752 = tpu.dynamic_rotate %select_n3A_748 by %roll3A_751 dim 0 : vector<128x128xi32>, i32 -> vector<128x128xi32>
    %roll3A_753 = arith.constant 64 : i32
    %roll3A_754 = tpu.dynamic_rotate %select_n3A_748 by %roll3A_753 dim 0 : vector<128x128xi32>, i32 -> vector<128x128xi32>
    %select_n3A_755 = arith.select %eq3A_40, %roll3A_752, %roll3A_754 : vector<128x128xi1>, vector<128x128xi32>
    %roll3A_756 = arith.constant 64 : i32
    %roll3A_757 = tpu.dynamic_rotate %select_n3A_750 by %roll3A_756 dim 0 : vector<128x128xf32>, i32 -> vector<128x128xf32>
    %roll3A_758 = arith.constant 64 : i32
    %roll3A_759 = tpu.dynamic_rotate %select_n3A_750 by %roll3A_758 dim 0 : vector<128x128xf32>, i32 -> vector<128x128xf32>
    %select_n3A_760 = arith.select %eq3A_40, %roll3A_757, %roll3A_759 : vector<128x128xi1>, vector<128x128xf32>
    %min3A_761 = arith.minsi %select_n3A_748, %select_n3A_755 : vector<128x128xi32>
    %max3A_762 = arith.maxsi %select_n3A_748, %select_n3A_755 : vector<128x128xi32>
    %select_n3A_763 = arith.select %eq3A_40, %min3A_761, %max3A_762 : vector<128x128xi1>, vector<128x128xi32>
    %eq3A_764 = arith.cmpi eq, %select_n3A_763, %select_n3A_748 : vector<128x128xi32>
    %select_n3A_765 = arith.select %eq3A_764, %select_n3A_750, %select_n3A_760 : vector<128x128xi1>, vector<128x128xf32>
    %roll3A_766 = arith.constant 96 : i32
    %roll3A_767 = tpu.dynamic_rotate %select_n3A_763 by %roll3A_766 dim 0 : vector<128x128xi32>, i32 -> vector<128x128xi32>
    %roll3A_768 = arith.constant 32 : i32
    %roll3A_769 = tpu.dynamic_rotate %select_n3A_763 by %roll3A_768 dim 0 : vector<128x128xi32>, i32 -> vector<128x128xi32>
    %select_n3A_770 = arith.select %eq3A_34, %roll3A_767, %roll3A_769 : vector<128x128xi1>, vector<128x128xi32>
    %roll3A_771 = arith.constant 96 : i32
    %roll3A_772 = tpu.dynamic_rotate %select_n3A_765 by %roll3A_771 dim 0 : vector<128x128xf32>, i32 -> vector<128x128xf32>
    %roll3A_773 = arith.constant 32 : i32
    %roll3A_774 = tpu.dynamic_rotate %select_n3A_765 by %roll3A_773 dim 0 : vector<128x128xf32>, i32 -> vector<128x128xf32>
    %select_n3A_775 = arith.select %eq3A_34, %roll3A_772, %roll3A_774 : vector<128x128xi1>, vector<128x128xf32>
    %min3A_776 = arith.minsi %select_n3A_763, %select_n3A_770 : vector<128x128xi32>
    %max3A_777 = arith.maxsi %select_n3A_763, %select_n3A_770 : vector<128x128xi32>
    %select_n3A_778 = arith.select %eq3A_34, %min3A_776, %max3A_777 : vector<128x128xi1>, vector<128x128xi32>
    %eq3A_779 = arith.cmpi eq, %select_n3A_778, %select_n3A_763 : vector<128x128xi32>
    %select_n3A_780 = arith.select %eq3A_779, %select_n3A_765, %select_n3A_775 : vector<128x128xi1>, vector<128x128xf32>
    %roll3A_781 = arith.constant 112 : i32
    %roll3A_782 = tpu.dynamic_rotate %select_n3A_778 by %roll3A_781 dim 0 : vector<128x128xi32>, i32 -> vector<128x128xi32>
    %roll3A_783 = arith.constant 16 : i32
    %roll3A_784 = tpu.dynamic_rotate %select_n3A_778 by %roll3A_783 dim 0 : vector<128x128xi32>, i32 -> vector<128x128xi32>
    %select_n3A_785 = arith.select %eq3A_28, %roll3A_782, %roll3A_784 : vector<128x128xi1>, vector<128x128xi32>
    %roll3A_786 = arith.constant 112 : i32
    %roll3A_787 = tpu.dynamic_rotate %select_n3A_780 by %roll3A_786 dim 0 : vector<128x128xf32>, i32 -> vector<128x128xf32>
    %roll3A_788 = arith.constant 16 : i32
    %roll3A_789 = tpu.dynamic_rotate %select_n3A_780 by %roll3A_788 dim 0 : vector<128x128xf32>, i32 -> vector<128x128xf32>
    %select_n3A_790 = arith.select %eq3A_28, %roll3A_787, %roll3A_789 : vector<128x128xi1>, vector<128x128xf32>
    %min3A_791 = arith.minsi %select_n3A_778, %select_n3A_785 : vector<128x128xi32>
    %max3A_792 = arith.maxsi %select_n3A_778, %select_n3A_785 : vector<128x128xi32>
    %select_n3A_793 = arith.select %eq3A_28, %min3A_791, %max3A_792 : vector<128x128xi1>, vector<128x128xi32>
    %eq3A_794 = arith.cmpi eq, %select_n3A_793, %select_n3A_778 : vector<128x128xi32>
    %select_n3A_795 = arith.select %eq3A_794, %select_n3A_780, %select_n3A_790 : vector<128x128xi1>, vector<128x128xf32>
    %roll3A_796 = arith.constant 120 : i32
    %roll3A_797 = tpu.dynamic_rotate %select_n3A_793 by %roll3A_796 dim 0 : vector<128x128xi32>, i32 -> vector<128x128xi32>
    %roll3A_798 = arith.constant 8 : i32
    %roll3A_799 = tpu.dynamic_rotate %select_n3A_793 by %roll3A_798 dim 0 : vector<128x128xi32>, i32 -> vector<128x128xi32>
    %select_n3A_800 = arith.select %eq3A_22, %roll3A_797, %roll3A_799 : vector<128x128xi1>, vector<128x128xi32>
    %roll3A_801 = arith.constant 120 : i32
    %roll3A_802 = tpu.dynamic_rotate %select_n3A_795 by %roll3A_801 dim 0 : vector<128x128xf32>, i32 -> vector<128x128xf32>
    %roll3A_803 = arith.constant 8 : i32
    %roll3A_804 = tpu.dynamic_rotate %select_n3A_795 by %roll3A_803 dim 0 : vector<128x128xf32>, i32 -> vector<128x128xf32>
    %select_n3A_805 = arith.select %eq3A_22, %roll3A_802, %roll3A_804 : vector<128x128xi1>, vector<128x128xf32>
    %min3A_806 = arith.minsi %select_n3A_793, %select_n3A_800 : vector<128x128xi32>
    %max3A_807 = arith.maxsi %select_n3A_793, %select_n3A_800 : vector<128x128xi32>
    %select_n3A_808 = arith.select %eq3A_22, %min3A_806, %max3A_807 : vector<128x128xi1>, vector<128x128xi32>
    %eq3A_809 = arith.cmpi eq, %select_n3A_808, %select_n3A_793 : vector<128x128xi32>
    %select_n3A_810 = arith.select %eq3A_809, %select_n3A_795, %select_n3A_805 : vector<128x128xi1>, vector<128x128xf32>
    %roll3A_811 = arith.constant 124 : i32
    %roll3A_812 = tpu.dynamic_rotate %select_n3A_808 by %roll3A_811 dim 0 : vector<128x128xi32>, i32 -> vector<128x128xi32>
    %roll3A_813 = arith.constant 4 : i32
    %roll3A_814 = tpu.dynamic_rotate %select_n3A_808 by %roll3A_813 dim 0 : vector<128x128xi32>, i32 -> vector<128x128xi32>
    %select_n3A_815 = arith.select %eq3A_16, %roll3A_812, %roll3A_814 : vector<128x128xi1>, vector<128x128xi32>
    %roll3A_816 = arith.constant 124 : i32
    %roll3A_817 = tpu.dynamic_rotate %select_n3A_810 by %roll3A_816 dim 0 : vector<128x128xf32>, i32 -> vector<128x128xf32>
    %roll3A_818 = arith.constant 4 : i32
    %roll3A_819 = tpu.dynamic_rotate %select_n3A_810 by %roll3A_818 dim 0 : vector<128x128xf32>, i32 -> vector<128x128xf32>
    %select_n3A_820 = arith.select %eq3A_16, %roll3A_817, %roll3A_819 : vector<128x128xi1>, vector<128x128xf32>
    %min3A_821 = arith.minsi %select_n3A_808, %select_n3A_815 : vector<128x128xi32>
    %max3A_822 = arith.maxsi %select_n3A_808, %select_n3A_815 : vector<128x128xi32>
    %select_n3A_823 = arith.select %eq3A_16, %min3A_821, %max3A_822 : vector<128x128xi1>, vector<128x128xi32>
    %eq3A_824 = arith.cmpi eq, %select_n3A_823, %select_n3A_808 : vector<128x128xi32>
    %select_n3A_825 = arith.select %eq3A_824, %select_n3A_810, %select_n3A_820 : vector<128x128xi1>, vector<128x128xf32>
    %roll3A_826 = arith.constant 126 : i32
    %roll3A_827 = tpu.dynamic_rotate %select_n3A_823 by %roll3A_826 dim 0 : vector<128x128xi32>, i32 -> vector<128x128xi32>
    %roll3A_828 = arith.constant 2 : i32
    %roll3A_829 = tpu.dynamic_rotate %select_n3A_823 by %roll3A_828 dim 0 : vector<128x128xi32>, i32 -> vector<128x128xi32>
    %select_n3A_830 = arith.select %eq3A_10, %roll3A_827, %roll3A_829 : vector<128x128xi1>, vector<128x128xi32>
    %roll3A_831 = arith.constant 126 : i32
    %roll3A_832 = tpu.dynamic_rotate %select_n3A_825 by %roll3A_831 dim 0 : vector<128x128xf32>, i32 -> vector<128x128xf32>
    %roll3A_833 = arith.constant 2 : i32
    %roll3A_834 = tpu.dynamic_rotate %select_n3A_825 by %roll3A_833 dim 0 : vector<128x128xf32>, i32 -> vector<128x128xf32>
    %select_n3A_835 = arith.select %eq3A_10, %roll3A_832, %roll3A_834 : vector<128x128xi1>, vector<128x128xf32>
    %min3A_836 = arith.minsi %select_n3A_823, %select_n3A_830 : vector<128x128xi32>
    %max3A_837 = arith.maxsi %select_n3A_823, %select_n3A_830 : vector<128x128xi32>
    %select_n3A_838 = arith.select %eq3A_10, %min3A_836, %max3A_837 : vector<128x128xi1>, vector<128x128xi32>
    %eq3A_839 = arith.cmpi eq, %select_n3A_838, %select_n3A_823 : vector<128x128xi32>
    %select_n3A_840 = arith.select %eq3A_839, %select_n3A_825, %select_n3A_835 : vector<128x128xi1>, vector<128x128xf32>
    %roll3A_841 = arith.constant 127 : i32
    %roll3A_842 = tpu.dynamic_rotate %select_n3A_838 by %roll3A_841 dim 0 : vector<128x128xi32>, i32 -> vector<128x128xi32>
    %roll3A_843 = arith.constant 1 : i32
    %roll3A_844 = tpu.dynamic_rotate %select_n3A_838 by %roll3A_843 dim 0 : vector<128x128xi32>, i32 -> vector<128x128xi32>
    %select_n3A_845 = arith.select %eq3A_4, %roll3A_842, %roll3A_844 : vector<128x128xi1>, vector<128x128xi32>
    %roll3A_846 = arith.constant 127 : i32
    %roll3A_847 = tpu.dynamic_rotate %select_n3A_840 by %roll3A_846 dim 0 : vector<128x128xf32>, i32 -> vector<128x128xf32>
    %roll3A_848 = arith.constant 1 : i32
    %roll3A_849 = tpu.dynamic_rotate %select_n3A_840 by %roll3A_848 dim 0 : vector<128x128xf32>, i32 -> vector<128x128xf32>
    %select_n3A_850 = arith.select %eq3A_4, %roll3A_847, %roll3A_849 : vector<128x128xi1>, vector<128x128xf32>
    %min3A_851 = arith.minsi %select_n3A_838, %select_n3A_845 : vector<128x128xi32>
    %max3A_852 = arith.maxsi %select_n3A_838, %select_n3A_845 : vector<128x128xi32>
    %select_n3A_853 = arith.select %eq3A_4, %min3A_851, %max3A_852 : vector<128x128xi1>, vector<128x128xi32>
    %eq3A_854 = arith.cmpi eq, %select_n3A_853, %select_n3A_838 : vector<128x128xi32>
    %select_n3A_855 = arith.select %eq3A_854, %select_n3A_840, %select_n3A_850 : vector<128x128xi1>, vector<128x128xf32>
    %and3A_856 = arith.constant 8 : i32
    %and3A_857 = vector.broadcast %and3A_856 : i32 to vector<128x128xi32>
    %and3A_858 = arith.andi %iota3A_0, %and3A_857 : vector<128x128xi32>
    %shift_right_arithmetic3A_859 = arith.constant 3 : i32
    %shift_right_arithmetic3A_860 = vector.broadcast %shift_right_arithmetic3A_859 : i32 to vector<128x128xi32>
    %shift_right_arithmetic3A_861 = arith.shrsi %and3A_858, %shift_right_arithmetic3A_860 : vector<128x128xi32>
    %neg3A_862 = arith.constant 0 : i32
    %neg3A_863 = vector.broadcast %neg3A_862 : i32 to vector<128x128xi32>
    %neg3A_864 = arith.subi %neg3A_863, %shift_right_arithmetic3A_861 : vector<128x128xi32>
    %xor3A_865 = arith.xori %neg3A_864, %neg3A_718 : vector<128x128xi32>
    %xor3A_866 = arith.xori %select_n3A_853, %xor3A_865 : vector<128x128xi32>
    %roll3A_867 = arith.constant 124 : i32
    %roll3A_868 = tpu.dynamic_rotate %xor3A_866 by %roll3A_867 dim 1 : vector<128x128xi32>, i32 -> vector<128x128xi32>
    %roll3A_869 = arith.constant 4 : i32
    %roll3A_870 = tpu.dynamic_rotate %xor3A_866 by %roll3A_869 dim 1 : vector<128x128xi32>, i32 -> vector<128x128xi32>
    %select_n3A_871 = arith.select %eq3A_58, %roll3A_868, %roll3A_870 : vector<128x128xi1>, vector<128x128xi32>
    %roll3A_872 = arith.constant 124 : i32
    %roll3A_873 = tpu.dynamic_rotate %select_n3A_855 by %roll3A_872 dim 1 : vector<128x128xf32>, i32 -> vector<128x128xf32>
    %roll3A_874 = arith.constant 4 : i32
    %roll3A_875 = tpu.dynamic_rotate %select_n3A_855 by %roll3A_874 dim 1 : vector<128x128xf32>, i32 -> vector<128x128xf32>
    %select_n3A_876 = arith.select %eq3A_58, %roll3A_873, %roll3A_875 : vector<128x128xi1>, vector<128x128xf32>
    %min3A_877 = arith.minsi %xor3A_866, %select_n3A_871 : vector<128x128xi32>
    %max3A_878 = arith.maxsi %xor3A_866, %select_n3A_871 : vector<128x128xi32>
    %select_n3A_879 = arith.select %eq3A_58, %min3A_877, %max3A_878 : vector<128x128xi1>, vector<128x128xi32>
    %eq3A_880 = arith.cmpi eq, %select_n3A_879, %xor3A_866 : vector<128x128xi32>
    %select_n3A_881 = arith.select %eq3A_880, %select_n3A_855, %select_n3A_876 : vector<128x128xi1>, vector<128x128xf32>
    %roll3A_882 = arith.constant 126 : i32
    %roll3A_883 = tpu.dynamic_rotate %select_n3A_879 by %roll3A_882 dim 1 : vector<128x128xi32>, i32 -> vector<128x128xi32>
    %roll3A_884 = arith.constant 2 : i32
    %roll3A_885 = tpu.dynamic_rotate %select_n3A_879 by %roll3A_884 dim 1 : vector<128x128xi32>, i32 -> vector<128x128xi32>
    %select_n3A_886 = arith.select %eq3A_52, %roll3A_883, %roll3A_885 : vector<128x128xi1>, vector<128x128xi32>
    %roll3A_887 = arith.constant 126 : i32
    %roll3A_888 = tpu.dynamic_rotate %select_n3A_881 by %roll3A_887 dim 1 : vector<128x128xf32>, i32 -> vector<128x128xf32>
    %roll3A_889 = arith.constant 2 : i32
    %roll3A_890 = tpu.dynamic_rotate %select_n3A_881 by %roll3A_889 dim 1 : vector<128x128xf32>, i32 -> vector<128x128xf32>
    %select_n3A_891 = arith.select %eq3A_52, %roll3A_888, %roll3A_890 : vector<128x128xi1>, vector<128x128xf32>
    %min3A_892 = arith.minsi %select_n3A_879, %select_n3A_886 : vector<128x128xi32>
    %max3A_893 = arith.maxsi %select_n3A_879, %select_n3A_886 : vector<128x128xi32>
    %select_n3A_894 = arith.select %eq3A_52, %min3A_892, %max3A_893 : vector<128x128xi1>, vector<128x128xi32>
    %eq3A_895 = arith.cmpi eq, %select_n3A_894, %select_n3A_879 : vector<128x128xi32>
    %select_n3A_896 = arith.select %eq3A_895, %select_n3A_881, %select_n3A_891 : vector<128x128xi1>, vector<128x128xf32>
    %roll3A_897 = arith.constant 127 : i32
    %roll3A_898 = tpu.dynamic_rotate %select_n3A_894 by %roll3A_897 dim 1 : vector<128x128xi32>, i32 -> vector<128x128xi32>
    %roll3A_899 = arith.constant 1 : i32
    %roll3A_900 = tpu.dynamic_rotate %select_n3A_894 by %roll3A_899 dim 1 : vector<128x128xi32>, i32 -> vector<128x128xi32>
    %select_n3A_901 = arith.select %eq3A_46, %roll3A_898, %roll3A_900 : vector<128x128xi1>, vector<128x128xi32>
    %roll3A_902 = arith.constant 127 : i32
    %roll3A_903 = tpu.dynamic_rotate %select_n3A_896 by %roll3A_902 dim 1 : vector<128x128xf32>, i32 -> vector<128x128xf32>
    %roll3A_904 = arith.constant 1 : i32
    %roll3A_905 = tpu.dynamic_rotate %select_n3A_896 by %roll3A_904 dim 1 : vector<128x128xf32>, i32 -> vector<128x128xf32>
    %select_n3A_906 = arith.select %eq3A_46, %roll3A_903, %roll3A_905 : vector<128x128xi1>, vector<128x128xf32>
    %min3A_907 = arith.minsi %select_n3A_894, %select_n3A_901 : vector<128x128xi32>
    %max3A_908 = arith.maxsi %select_n3A_894, %select_n3A_901 : vector<128x128xi32>
    %select_n3A_909 = arith.select %eq3A_46, %min3A_907, %max3A_908 : vector<128x128xi1>, vector<128x128xi32>
    %eq3A_910 = arith.cmpi eq, %select_n3A_909, %select_n3A_894 : vector<128x128xi32>
    %select_n3A_911 = arith.select %eq3A_910, %select_n3A_896, %select_n3A_906 : vector<128x128xi1>, vector<128x128xf32>
    %roll3A_912 = arith.constant 64 : i32
    %roll3A_913 = tpu.dynamic_rotate %select_n3A_909 by %roll3A_912 dim 0 : vector<128x128xi32>, i32 -> vector<128x128xi32>
    %roll3A_914 = arith.constant 64 : i32
    %roll3A_915 = tpu.dynamic_rotate %select_n3A_909 by %roll3A_914 dim 0 : vector<128x128xi32>, i32 -> vector<128x128xi32>
    %select_n3A_916 = arith.select %eq3A_40, %roll3A_913, %roll3A_915 : vector<128x128xi1>, vector<128x128xi32>
    %roll3A_917 = arith.constant 64 : i32
    %roll3A_918 = tpu.dynamic_rotate %select_n3A_911 by %roll3A_917 dim 0 : vector<128x128xf32>, i32 -> vector<128x128xf32>
    %roll3A_919 = arith.constant 64 : i32
    %roll3A_920 = tpu.dynamic_rotate %select_n3A_911 by %roll3A_919 dim 0 : vector<128x128xf32>, i32 -> vector<128x128xf32>
    %select_n3A_921 = arith.select %eq3A_40, %roll3A_918, %roll3A_920 : vector<128x128xi1>, vector<128x128xf32>
    %min3A_922 = arith.minsi %select_n3A_909, %select_n3A_916 : vector<128x128xi32>
    %max3A_923 = arith.maxsi %select_n3A_909, %select_n3A_916 : vector<128x128xi32>
    %select_n3A_924 = arith.select %eq3A_40, %min3A_922, %max3A_923 : vector<128x128xi1>, vector<128x128xi32>
    %eq3A_925 = arith.cmpi eq, %select_n3A_924, %select_n3A_909 : vector<128x128xi32>
    %select_n3A_926 = arith.select %eq3A_925, %select_n3A_911, %select_n3A_921 : vector<128x128xi1>, vector<128x128xf32>
    %roll3A_927 = arith.constant 96 : i32
    %roll3A_928 = tpu.dynamic_rotate %select_n3A_924 by %roll3A_927 dim 0 : vector<128x128xi32>, i32 -> vector<128x128xi32>
    %roll3A_929 = arith.constant 32 : i32
    %roll3A_930 = tpu.dynamic_rotate %select_n3A_924 by %roll3A_929 dim 0 : vector<128x128xi32>, i32 -> vector<128x128xi32>
    %select_n3A_931 = arith.select %eq3A_34, %roll3A_928, %roll3A_930 : vector<128x128xi1>, vector<128x128xi32>
    %roll3A_932 = arith.constant 96 : i32
    %roll3A_933 = tpu.dynamic_rotate %select_n3A_926 by %roll3A_932 dim 0 : vector<128x128xf32>, i32 -> vector<128x128xf32>
    %roll3A_934 = arith.constant 32 : i32
    %roll3A_935 = tpu.dynamic_rotate %select_n3A_926 by %roll3A_934 dim 0 : vector<128x128xf32>, i32 -> vector<128x128xf32>
    %select_n3A_936 = arith.select %eq3A_34, %roll3A_933, %roll3A_935 : vector<128x128xi1>, vector<128x128xf32>
    %min3A_937 = arith.minsi %select_n3A_924, %select_n3A_931 : vector<128x128xi32>
    %max3A_938 = arith.maxsi %select_n3A_924, %select_n3A_931 : vector<128x128xi32>
    %select_n3A_939 = arith.select %eq3A_34, %min3A_937, %max3A_938 : vector<128x128xi1>, vector<128x128xi32>
    %eq3A_940 = arith.cmpi eq, %select_n3A_939, %select_n3A_924 : vector<128x128xi32>
    %select_n3A_941 = arith.select %eq3A_940, %select_n3A_926, %select_n3A_936 : vector<128x128xi1>, vector<128x128xf32>
    %roll3A_942 = arith.constant 112 : i32
    %roll3A_943 = tpu.dynamic_rotate %select_n3A_939 by %roll3A_942 dim 0 : vector<128x128xi32>, i32 -> vector<128x128xi32>
    %roll3A_944 = arith.constant 16 : i32
    %roll3A_945 = tpu.dynamic_rotate %select_n3A_939 by %roll3A_944 dim 0 : vector<128x128xi32>, i32 -> vector<128x128xi32>
    %select_n3A_946 = arith.select %eq3A_28, %roll3A_943, %roll3A_945 : vector<128x128xi1>, vector<128x128xi32>
    %roll3A_947 = arith.constant 112 : i32
    %roll3A_948 = tpu.dynamic_rotate %select_n3A_941 by %roll3A_947 dim 0 : vector<128x128xf32>, i32 -> vector<128x128xf32>
    %roll3A_949 = arith.constant 16 : i32
    %roll3A_950 = tpu.dynamic_rotate %select_n3A_941 by %roll3A_949 dim 0 : vector<128x128xf32>, i32 -> vector<128x128xf32>
    %select_n3A_951 = arith.select %eq3A_28, %roll3A_948, %roll3A_950 : vector<128x128xi1>, vector<128x128xf32>
    %min3A_952 = arith.minsi %select_n3A_939, %select_n3A_946 : vector<128x128xi32>
    %max3A_953 = arith.maxsi %select_n3A_939, %select_n3A_946 : vector<128x128xi32>
    %select_n3A_954 = arith.select %eq3A_28, %min3A_952, %max3A_953 : vector<128x128xi1>, vector<128x128xi32>
    %eq3A_955 = arith.cmpi eq, %select_n3A_954, %select_n3A_939 : vector<128x128xi32>
    %select_n3A_956 = arith.select %eq3A_955, %select_n3A_941, %select_n3A_951 : vector<128x128xi1>, vector<128x128xf32>
    %roll3A_957 = arith.constant 120 : i32
    %roll3A_958 = tpu.dynamic_rotate %select_n3A_954 by %roll3A_957 dim 0 : vector<128x128xi32>, i32 -> vector<128x128xi32>
    %roll3A_959 = arith.constant 8 : i32
    %roll3A_960 = tpu.dynamic_rotate %select_n3A_954 by %roll3A_959 dim 0 : vector<128x128xi32>, i32 -> vector<128x128xi32>
    %select_n3A_961 = arith.select %eq3A_22, %roll3A_958, %roll3A_960 : vector<128x128xi1>, vector<128x128xi32>
    %roll3A_962 = arith.constant 120 : i32
    %roll3A_963 = tpu.dynamic_rotate %select_n3A_956 by %roll3A_962 dim 0 : vector<128x128xf32>, i32 -> vector<128x128xf32>
    %roll3A_964 = arith.constant 8 : i32
    %roll3A_965 = tpu.dynamic_rotate %select_n3A_956 by %roll3A_964 dim 0 : vector<128x128xf32>, i32 -> vector<128x128xf32>
    %select_n3A_966 = arith.select %eq3A_22, %roll3A_963, %roll3A_965 : vector<128x128xi1>, vector<128x128xf32>
    %min3A_967 = arith.minsi %select_n3A_954, %select_n3A_961 : vector<128x128xi32>
    %max3A_968 = arith.maxsi %select_n3A_954, %select_n3A_961 : vector<128x128xi32>
    %select_n3A_969 = arith.select %eq3A_22, %min3A_967, %max3A_968 : vector<128x128xi1>, vector<128x128xi32>
    %eq3A_970 = arith.cmpi eq, %select_n3A_969, %select_n3A_954 : vector<128x128xi32>
    %select_n3A_971 = arith.select %eq3A_970, %select_n3A_956, %select_n3A_966 : vector<128x128xi1>, vector<128x128xf32>
    %roll3A_972 = arith.constant 124 : i32
    %roll3A_973 = tpu.dynamic_rotate %select_n3A_969 by %roll3A_972 dim 0 : vector<128x128xi32>, i32 -> vector<128x128xi32>
    %roll3A_974 = arith.constant 4 : i32
    %roll3A_975 = tpu.dynamic_rotate %select_n3A_969 by %roll3A_974 dim 0 : vector<128x128xi32>, i32 -> vector<128x128xi32>
    %select_n3A_976 = arith.select %eq3A_16, %roll3A_973, %roll3A_975 : vector<128x128xi1>, vector<128x128xi32>
    %roll3A_977 = arith.constant 124 : i32
    %roll3A_978 = tpu.dynamic_rotate %select_n3A_971 by %roll3A_977 dim 0 : vector<128x128xf32>, i32 -> vector<128x128xf32>
    %roll3A_979 = arith.constant 4 : i32
    %roll3A_980 = tpu.dynamic_rotate %select_n3A_971 by %roll3A_979 dim 0 : vector<128x128xf32>, i32 -> vector<128x128xf32>
    %select_n3A_981 = arith.select %eq3A_16, %roll3A_978, %roll3A_980 : vector<128x128xi1>, vector<128x128xf32>
    %min3A_982 = arith.minsi %select_n3A_969, %select_n3A_976 : vector<128x128xi32>
    %max3A_983 = arith.maxsi %select_n3A_969, %select_n3A_976 : vector<128x128xi32>
    %select_n3A_984 = arith.select %eq3A_16, %min3A_982, %max3A_983 : vector<128x128xi1>, vector<128x128xi32>
    %eq3A_985 = arith.cmpi eq, %select_n3A_984, %select_n3A_969 : vector<128x128xi32>
    %select_n3A_986 = arith.select %eq3A_985, %select_n3A_971, %select_n3A_981 : vector<128x128xi1>, vector<128x128xf32>
    %roll3A_987 = arith.constant 126 : i32
    %roll3A_988 = tpu.dynamic_rotate %select_n3A_984 by %roll3A_987 dim 0 : vector<128x128xi32>, i32 -> vector<128x128xi32>
    %roll3A_989 = arith.constant 2 : i32
    %roll3A_990 = tpu.dynamic_rotate %select_n3A_984 by %roll3A_989 dim 0 : vector<128x128xi32>, i32 -> vector<128x128xi32>
    %select_n3A_991 = arith.select %eq3A_10, %roll3A_988, %roll3A_990 : vector<128x128xi1>, vector<128x128xi32>
    %roll3A_992 = arith.constant 126 : i32
    %roll3A_993 = tpu.dynamic_rotate %select_n3A_986 by %roll3A_992 dim 0 : vector<128x128xf32>, i32 -> vector<128x128xf32>
    %roll3A_994 = arith.constant 2 : i32
    %roll3A_995 = tpu.dynamic_rotate %select_n3A_986 by %roll3A_994 dim 0 : vector<128x128xf32>, i32 -> vector<128x128xf32>
    %select_n3A_996 = arith.select %eq3A_10, %roll3A_993, %roll3A_995 : vector<128x128xi1>, vector<128x128xf32>
    %min3A_997 = arith.minsi %select_n3A_984, %select_n3A_991 : vector<128x128xi32>
    %max3A_998 = arith.maxsi %select_n3A_984, %select_n3A_991 : vector<128x128xi32>
    %select_n3A_999 = arith.select %eq3A_10, %min3A_997, %max3A_998 : vector<128x128xi1>, vector<128x128xi32>
    %eq3A_1000 = arith.cmpi eq, %select_n3A_999, %select_n3A_984 : vector<128x128xi32>
    %select_n3A_1001 = arith.select %eq3A_1000, %select_n3A_986, %select_n3A_996 : vector<128x128xi1>, vector<128x128xf32>
    %roll3A_1002 = arith.constant 127 : i32
    %roll3A_1003 = tpu.dynamic_rotate %select_n3A_999 by %roll3A_1002 dim 0 : vector<128x128xi32>, i32 -> vector<128x128xi32>
    %roll3A_1004 = arith.constant 1 : i32
    %roll3A_1005 = tpu.dynamic_rotate %select_n3A_999 by %roll3A_1004 dim 0 : vector<128x128xi32>, i32 -> vector<128x128xi32>
    %select_n3A_1006 = arith.select %eq3A_4, %roll3A_1003, %roll3A_1005 : vector<128x128xi1>, vector<128x128xi32>
    %roll3A_1007 = arith.constant 127 : i32
    %roll3A_1008 = tpu.dynamic_rotate %select_n3A_1001 by %roll3A_1007 dim 0 : vector<128x128xf32>, i32 -> vector<128x128xf32>
    %roll3A_1009 = arith.constant 1 : i32
    %roll3A_1010 = tpu.dynamic_rotate %select_n3A_1001 by %roll3A_1009 dim 0 : vector<128x128xf32>, i32 -> vector<128x128xf32>
    %select_n3A_1011 = arith.select %eq3A_4, %roll3A_1008, %roll3A_1010 : vector<128x128xi1>, vector<128x128xf32>
    %min3A_1012 = arith.minsi %select_n3A_999, %select_n3A_1006 : vector<128x128xi32>
    %max3A_1013 = arith.maxsi %select_n3A_999, %select_n3A_1006 : vector<128x128xi32>
    %select_n3A_1014 = arith.select %eq3A_4, %min3A_1012, %max3A_1013 : vector<128x128xi1>, vector<128x128xi32>
    %eq3A_1015 = arith.cmpi eq, %select_n3A_1014, %select_n3A_999 : vector<128x128xi32>
    %select_n3A_1016 = arith.select %eq3A_1015, %select_n3A_1001, %select_n3A_1011 : vector<128x128xi1>, vector<128x128xf32>
    %and3A_1017 = arith.constant 16 : i32
    %and3A_1018 = vector.broadcast %and3A_1017 : i32 to vector<128x128xi32>
    %and3A_1019 = arith.andi %iota3A_0, %and3A_1018 : vector<128x128xi32>
    %shift_right_arithmetic3A_1020 = arith.constant 4 : i32
    %shift_right_arithmetic3A_1021 = vector.broadcast %shift_right_arithmetic3A_1020 : i32 to vector<128x128xi32>
    %shift_right_arithmetic3A_1022 = arith.shrsi %and3A_1019, %shift_right_arithmetic3A_1021 : vector<128x128xi32>
    %neg3A_1023 = arith.constant 0 : i32
    %neg3A_1024 = vector.broadcast %neg3A_1023 : i32 to vector<128x128xi32>
    %neg3A_1025 = arith.subi %neg3A_1024, %shift_right_arithmetic3A_1022 : vector<128x128xi32>
    %xor3A_1026 = arith.xori %neg3A_1025, %neg3A_864 : vector<128x128xi32>
    %xor3A_1027 = arith.xori %select_n3A_1014, %xor3A_1026 : vector<128x128xi32>
    %roll3A_1028 = arith.constant 120 : i32
    %roll3A_1029 = tpu.dynamic_rotate %xor3A_1027 by %roll3A_1028 dim 1 : vector<128x128xi32>, i32 -> vector<128x128xi32>
    %roll3A_1030 = arith.constant 8 : i32
    %roll3A_1031 = tpu.dynamic_rotate %xor3A_1027 by %roll3A_1030 dim 1 : vector<128x128xi32>, i32 -> vector<128x128xi32>
    %select_n3A_1032 = arith.select %eq3A_64, %roll3A_1029, %roll3A_1031 : vector<128x128xi1>, vector<128x128xi32>
    %roll3A_1033 = arith.constant 120 : i32
    %roll3A_1034 = tpu.dynamic_rotate %select_n3A_1016 by %roll3A_1033 dim 1 : vector<128x128xf32>, i32 -> vector<128x128xf32>
    %roll3A_1035 = arith.constant 8 : i32
    %roll3A_1036 = tpu.dynamic_rotate %select_n3A_1016 by %roll3A_1035 dim 1 : vector<128x128xf32>, i32 -> vector<128x128xf32>
    %select_n3A_1037 = arith.select %eq3A_64, %roll3A_1034, %roll3A_1036 : vector<128x128xi1>, vector<128x128xf32>
    %min3A_1038 = arith.minsi %xor3A_1027, %select_n3A_1032 : vector<128x128xi32>
    %max3A_1039 = arith.maxsi %xor3A_1027, %select_n3A_1032 : vector<128x128xi32>
    %select_n3A_1040 = arith.select %eq3A_64, %min3A_1038, %max3A_1039 : vector<128x128xi1>, vector<128x128xi32>
    %eq3A_1041 = arith.cmpi eq, %select_n3A_1040, %xor3A_1027 : vector<128x128xi32>
    %select_n3A_1042 = arith.select %eq3A_1041, %select_n3A_1016, %select_n3A_1037 : vector<128x128xi1>, vector<128x128xf32>
    %roll3A_1043 = arith.constant 124 : i32
    %roll3A_1044 = tpu.dynamic_rotate %select_n3A_1040 by %roll3A_1043 dim 1 : vector<128x128xi32>, i32 -> vector<128x128xi32>
    %roll3A_1045 = arith.constant 4 : i32
    %roll3A_1046 = tpu.dynamic_rotate %select_n3A_1040 by %roll3A_1045 dim 1 : vector<128x128xi32>, i32 -> vector<128x128xi32>
    %select_n3A_1047 = arith.select %eq3A_58, %roll3A_1044, %roll3A_1046 : vector<128x128xi1>, vector<128x128xi32>
    %roll3A_1048 = arith.constant 124 : i32
    %roll3A_1049 = tpu.dynamic_rotate %select_n3A_1042 by %roll3A_1048 dim 1 : vector<128x128xf32>, i32 -> vector<128x128xf32>
    %roll3A_1050 = arith.constant 4 : i32
    %roll3A_1051 = tpu.dynamic_rotate %select_n3A_1042 by %roll3A_1050 dim 1 : vector<128x128xf32>, i32 -> vector<128x128xf32>
    %select_n3A_1052 = arith.select %eq3A_58, %roll3A_1049, %roll3A_1051 : vector<128x128xi1>, vector<128x128xf32>
    %min3A_1053 = arith.minsi %select_n3A_1040, %select_n3A_1047 : vector<128x128xi32>
    %max3A_1054 = arith.maxsi %select_n3A_1040, %select_n3A_1047 : vector<128x128xi32>
    %select_n3A_1055 = arith.select %eq3A_58, %min3A_1053, %max3A_1054 : vector<128x128xi1>, vector<128x128xi32>
    %eq3A_1056 = arith.cmpi eq, %select_n3A_1055, %select_n3A_1040 : vector<128x128xi32>
    %select_n3A_1057 = arith.select %eq3A_1056, %select_n3A_1042, %select_n3A_1052 : vector<128x128xi1>, vector<128x128xf32>
    %roll3A_1058 = arith.constant 126 : i32
    %roll3A_1059 = tpu.dynamic_rotate %select_n3A_1055 by %roll3A_1058 dim 1 : vector<128x128xi32>, i32 -> vector<128x128xi32>
    %roll3A_1060 = arith.constant 2 : i32
    %roll3A_1061 = tpu.dynamic_rotate %select_n3A_1055 by %roll3A_1060 dim 1 : vector<128x128xi32>, i32 -> vector<128x128xi32>
    %select_n3A_1062 = arith.select %eq3A_52, %roll3A_1059, %roll3A_1061 : vector<128x128xi1>, vector<128x128xi32>
    %roll3A_1063 = arith.constant 126 : i32
    %roll3A_1064 = tpu.dynamic_rotate %select_n3A_1057 by %roll3A_1063 dim 1 : vector<128x128xf32>, i32 -> vector<128x128xf32>
    %roll3A_1065 = arith.constant 2 : i32
    %roll3A_1066 = tpu.dynamic_rotate %select_n3A_1057 by %roll3A_1065 dim 1 : vector<128x128xf32>, i32 -> vector<128x128xf32>
    %select_n3A_1067 = arith.select %eq3A_52, %roll3A_1064, %roll3A_1066 : vector<128x128xi1>, vector<128x128xf32>
    %min3A_1068 = arith.minsi %select_n3A_1055, %select_n3A_1062 : vector<128x128xi32>
    %max3A_1069 = arith.maxsi %select_n3A_1055, %select_n3A_1062 : vector<128x128xi32>
    %select_n3A_1070 = arith.select %eq3A_52, %min3A_1068, %max3A_1069 : vector<128x128xi1>, vector<128x128xi32>
    %eq3A_1071 = arith.cmpi eq, %select_n3A_1070, %select_n3A_1055 : vector<128x128xi32>
    %select_n3A_1072 = arith.select %eq3A_1071, %select_n3A_1057, %select_n3A_1067 : vector<128x128xi1>, vector<128x128xf32>
    %roll3A_1073 = arith.constant 127 : i32
    %roll3A_1074 = tpu.dynamic_rotate %select_n3A_1070 by %roll3A_1073 dim 1 : vector<128x128xi32>, i32 -> vector<128x128xi32>
    %roll3A_1075 = arith.constant 1 : i32
    %roll3A_1076 = tpu.dynamic_rotate %select_n3A_1070 by %roll3A_1075 dim 1 : vector<128x128xi32>, i32 -> vector<128x128xi32>
    %select_n3A_1077 = arith.select %eq3A_46, %roll3A_1074, %roll3A_1076 : vector<128x128xi1>, vector<128x128xi32>
    %roll3A_1078 = arith.constant 127 : i32
    %roll3A_1079 = tpu.dynamic_rotate %select_n3A_1072 by %roll3A_1078 dim 1 : vector<128x128xf32>, i32 -> vector<128x128xf32>
    %roll3A_1080 = arith.constant 1 : i32
    %roll3A_1081 = tpu.dynamic_rotate %select_n3A_1072 by %roll3A_1080 dim 1 : vector<128x128xf32>, i32 -> vector<128x128xf32>
    %select_n3A_1082 = arith.select %eq3A_46, %roll3A_1079, %roll3A_1081 : vector<128x128xi1>, vector<128x128xf32>
    %min3A_1083 = arith.minsi %select_n3A_1070, %select_n3A_1077 : vector<128x128xi32>
    %max3A_1084 = arith.maxsi %select_n3A_1070, %select_n3A_1077 : vector<128x128xi32>
    %select_n3A_1085 = arith.select %eq3A_46, %min3A_1083, %max3A_1084 : vector<128x128xi1>, vector<128x128xi32>
    %eq3A_1086 = arith.cmpi eq, %select_n3A_1085, %select_n3A_1070 : vector<128x128xi32>
    %select_n3A_1087 = arith.select %eq3A_1086, %select_n3A_1072, %select_n3A_1082 : vector<128x128xi1>, vector<128x128xf32>
    %roll3A_1088 = arith.constant 64 : i32
    %roll3A_1089 = tpu.dynamic_rotate %select_n3A_1085 by %roll3A_1088 dim 0 : vector<128x128xi32>, i32 -> vector<128x128xi32>
    %roll3A_1090 = arith.constant 64 : i32
    %roll3A_1091 = tpu.dynamic_rotate %select_n3A_1085 by %roll3A_1090 dim 0 : vector<128x128xi32>, i32 -> vector<128x128xi32>
    %select_n3A_1092 = arith.select %eq3A_40, %roll3A_1089, %roll3A_1091 : vector<128x128xi1>, vector<128x128xi32>
    %roll3A_1093 = arith.constant 64 : i32
    %roll3A_1094 = tpu.dynamic_rotate %select_n3A_1087 by %roll3A_1093 dim 0 : vector<128x128xf32>, i32 -> vector<128x128xf32>
    %roll3A_1095 = arith.constant 64 : i32
    %roll3A_1096 = tpu.dynamic_rotate %select_n3A_1087 by %roll3A_1095 dim 0 : vector<128x128xf32>, i32 -> vector<128x128xf32>
    %select_n3A_1097 = arith.select %eq3A_40, %roll3A_1094, %roll3A_1096 : vector<128x128xi1>, vector<128x128xf32>
    %min3A_1098 = arith.minsi %select_n3A_1085, %select_n3A_1092 : vector<128x128xi32>
    %max3A_1099 = arith.maxsi %select_n3A_1085, %select_n3A_1092 : vector<128x128xi32>
    %select_n3A_1100 = arith.select %eq3A_40, %min3A_1098, %max3A_1099 : vector<128x128xi1>, vector<128x128xi32>
    %eq3A_1101 = arith.cmpi eq, %select_n3A_1100, %select_n3A_1085 : vector<128x128xi32>
    %select_n3A_1102 = arith.select %eq3A_1101, %select_n3A_1087, %select_n3A_1097 : vector<128x128xi1>, vector<128x128xf32>
    %roll3A_1103 = arith.constant 96 : i32
    %roll3A_1104 = tpu.dynamic_rotate %select_n3A_1100 by %roll3A_1103 dim 0 : vector<128x128xi32>, i32 -> vector<128x128xi32>
    %roll3A_1105 = arith.constant 32 : i32
    %roll3A_1106 = tpu.dynamic_rotate %select_n3A_1100 by %roll3A_1105 dim 0 : vector<128x128xi32>, i32 -> vector<128x128xi32>
    %select_n3A_1107 = arith.select %eq3A_34, %roll3A_1104, %roll3A_1106 : vector<128x128xi1>, vector<128x128xi32>
    %roll3A_1108 = arith.constant 96 : i32
    %roll3A_1109 = tpu.dynamic_rotate %select_n3A_1102 by %roll3A_1108 dim 0 : vector<128x128xf32>, i32 -> vector<128x128xf32>
    %roll3A_1110 = arith.constant 32 : i32
    %roll3A_1111 = tpu.dynamic_rotate %select_n3A_1102 by %roll3A_1110 dim 0 : vector<128x128xf32>, i32 -> vector<128x128xf32>
    %select_n3A_1112 = arith.select %eq3A_34, %roll3A_1109, %roll3A_1111 : vector<128x128xi1>, vector<128x128xf32>
    %min3A_1113 = arith.minsi %select_n3A_1100, %select_n3A_1107 : vector<128x128xi32>
    %max3A_1114 = arith.maxsi %select_n3A_1100, %select_n3A_1107 : vector<128x128xi32>
    %select_n3A_1115 = arith.select %eq3A_34, %min3A_1113, %max3A_1114 : vector<128x128xi1>, vector<128x128xi32>
    %eq3A_1116 = arith.cmpi eq, %select_n3A_1115, %select_n3A_1100 : vector<128x128xi32>
    %select_n3A_1117 = arith.select %eq3A_1116, %select_n3A_1102, %select_n3A_1112 : vector<128x128xi1>, vector<128x128xf32>
    %roll3A_1118 = arith.constant 112 : i32
    %roll3A_1119 = tpu.dynamic_rotate %select_n3A_1115 by %roll3A_1118 dim 0 : vector<128x128xi32>, i32 -> vector<128x128xi32>
    %roll3A_1120 = arith.constant 16 : i32
    %roll3A_1121 = tpu.dynamic_rotate %select_n3A_1115 by %roll3A_1120 dim 0 : vector<128x128xi32>, i32 -> vector<128x128xi32>
    %select_n3A_1122 = arith.select %eq3A_28, %roll3A_1119, %roll3A_1121 : vector<128x128xi1>, vector<128x128xi32>
    %roll3A_1123 = arith.constant 112 : i32
    %roll3A_1124 = tpu.dynamic_rotate %select_n3A_1117 by %roll3A_1123 dim 0 : vector<128x128xf32>, i32 -> vector<128x128xf32>
    %roll3A_1125 = arith.constant 16 : i32
    %roll3A_1126 = tpu.dynamic_rotate %select_n3A_1117 by %roll3A_1125 dim 0 : vector<128x128xf32>, i32 -> vector<128x128xf32>
    %select_n3A_1127 = arith.select %eq3A_28, %roll3A_1124, %roll3A_1126 : vector<128x128xi1>, vector<128x128xf32>
    %min3A_1128 = arith.minsi %select_n3A_1115, %select_n3A_1122 : vector<128x128xi32>
    %max3A_1129 = arith.maxsi %select_n3A_1115, %select_n3A_1122 : vector<128x128xi32>
    %select_n3A_1130 = arith.select %eq3A_28, %min3A_1128, %max3A_1129 : vector<128x128xi1>, vector<128x128xi32>
    %eq3A_1131 = arith.cmpi eq, %select_n3A_1130, %select_n3A_1115 : vector<128x128xi32>
    %select_n3A_1132 = arith.select %eq3A_1131, %select_n3A_1117, %select_n3A_1127 : vector<128x128xi1>, vector<128x128xf32>
    %roll3A_1133 = arith.constant 120 : i32
    %roll3A_1134 = tpu.dynamic_rotate %select_n3A_1130 by %roll3A_1133 dim 0 : vector<128x128xi32>, i32 -> vector<128x128xi32>
    %roll3A_1135 = arith.constant 8 : i32
    %roll3A_1136 = tpu.dynamic_rotate %select_n3A_1130 by %roll3A_1135 dim 0 : vector<128x128xi32>, i32 -> vector<128x128xi32>
    %select_n3A_1137 = arith.select %eq3A_22, %roll3A_1134, %roll3A_1136 : vector<128x128xi1>, vector<128x128xi32>
    %roll3A_1138 = arith.constant 120 : i32
    %roll3A_1139 = tpu.dynamic_rotate %select_n3A_1132 by %roll3A_1138 dim 0 : vector<128x128xf32>, i32 -> vector<128x128xf32>
    %roll3A_1140 = arith.constant 8 : i32
    %roll3A_1141 = tpu.dynamic_rotate %select_n3A_1132 by %roll3A_1140 dim 0 : vector<128x128xf32>, i32 -> vector<128x128xf32>
    %select_n3A_1142 = arith.select %eq3A_22, %roll3A_1139, %roll3A_1141 : vector<128x128xi1>, vector<128x128xf32>
    %min3A_1143 = arith.minsi %select_n3A_1130, %select_n3A_1137 : vector<128x128xi32>
    %max3A_1144 = arith.maxsi %select_n3A_1130, %select_n3A_1137 : vector<128x128xi32>
    %select_n3A_1145 = arith.select %eq3A_22, %min3A_1143, %max3A_1144 : vector<128x128xi1>, vector<128x128xi32>
    %eq3A_1146 = arith.cmpi eq, %select_n3A_1145, %select_n3A_1130 : vector<128x128xi32>
    %select_n3A_1147 = arith.select %eq3A_1146, %select_n3A_1132, %select_n3A_1142 : vector<128x128xi1>, vector<128x128xf32>
    %roll3A_1148 = arith.constant 124 : i32
    %roll3A_1149 = tpu.dynamic_rotate %select_n3A_1145 by %roll3A_1148 dim 0 : vector<128x128xi32>, i32 -> vector<128x128xi32>
    %roll3A_1150 = arith.constant 4 : i32
    %roll3A_1151 = tpu.dynamic_rotate %select_n3A_1145 by %roll3A_1150 dim 0 : vector<128x128xi32>, i32 -> vector<128x128xi32>
    %select_n3A_1152 = arith.select %eq3A_16, %roll3A_1149, %roll3A_1151 : vector<128x128xi1>, vector<128x128xi32>
    %roll3A_1153 = arith.constant 124 : i32
    %roll3A_1154 = tpu.dynamic_rotate %select_n3A_1147 by %roll3A_1153 dim 0 : vector<128x128xf32>, i32 -> vector<128x128xf32>
    %roll3A_1155 = arith.constant 4 : i32
    %roll3A_1156 = tpu.dynamic_rotate %select_n3A_1147 by %roll3A_1155 dim 0 : vector<128x128xf32>, i32 -> vector<128x128xf32>
    %select_n3A_1157 = arith.select %eq3A_16, %roll3A_1154, %roll3A_1156 : vector<128x128xi1>, vector<128x128xf32>
    %min3A_1158 = arith.minsi %select_n3A_1145, %select_n3A_1152 : vector<128x128xi32>
    %max3A_1159 = arith.maxsi %select_n3A_1145, %select_n3A_1152 : vector<128x128xi32>
    %select_n3A_1160 = arith.select %eq3A_16, %min3A_1158, %max3A_1159 : vector<128x128xi1>, vector<128x128xi32>
    %eq3A_1161 = arith.cmpi eq, %select_n3A_1160, %select_n3A_1145 : vector<128x128xi32>
    %select_n3A_1162 = arith.select %eq3A_1161, %select_n3A_1147, %select_n3A_1157 : vector<128x128xi1>, vector<128x128xf32>
    %roll3A_1163 = arith.constant 126 : i32
    %roll3A_1164 = tpu.dynamic_rotate %select_n3A_1160 by %roll3A_1163 dim 0 : vector<128x128xi32>, i32 -> vector<128x128xi32>
    %roll3A_1165 = arith.constant 2 : i32
    %roll3A_1166 = tpu.dynamic_rotate %select_n3A_1160 by %roll3A_1165 dim 0 : vector<128x128xi32>, i32 -> vector<128x128xi32>
    %select_n3A_1167 = arith.select %eq3A_10, %roll3A_1164, %roll3A_1166 : vector<128x128xi1>, vector<128x128xi32>
    %roll3A_1168 = arith.constant 126 : i32
    %roll3A_1169 = tpu.dynamic_rotate %select_n3A_1162 by %roll3A_1168 dim 0 : vector<128x128xf32>, i32 -> vector<128x128xf32>
    %roll3A_1170 = arith.constant 2 : i32
    %roll3A_1171 = tpu.dynamic_rotate %select_n3A_1162 by %roll3A_1170 dim 0 : vector<128x128xf32>, i32 -> vector<128x128xf32>
    %select_n3A_1172 = arith.select %eq3A_10, %roll3A_1169, %roll3A_1171 : vector<128x128xi1>, vector<128x128xf32>
    %min3A_1173 = arith.minsi %select_n3A_1160, %select_n3A_1167 : vector<128x128xi32>
    %max3A_1174 = arith.maxsi %select_n3A_1160, %select_n3A_1167 : vector<128x128xi32>
    %select_n3A_1175 = arith.select %eq3A_10, %min3A_1173, %max3A_1174 : vector<128x128xi1>, vector<128x128xi32>
    %eq3A_1176 = arith.cmpi eq, %select_n3A_1175, %select_n3A_1160 : vector<128x128xi32>
    %select_n3A_1177 = arith.select %eq3A_1176, %select_n3A_1162, %select_n3A_1172 : vector<128x128xi1>, vector<128x128xf32>
    %roll3A_1178 = arith.constant 127 : i32
    %roll3A_1179 = tpu.dynamic_rotate %select_n3A_1175 by %roll3A_1178 dim 0 : vector<128x128xi32>, i32 -> vector<128x128xi32>
    %roll3A_1180 = arith.constant 1 : i32
    %roll3A_1181 = tpu.dynamic_rotate %select_n3A_1175 by %roll3A_1180 dim 0 : vector<128x128xi32>, i32 -> vector<128x128xi32>
    %select_n3A_1182 = arith.select %eq3A_4, %roll3A_1179, %roll3A_1181 : vector<128x128xi1>, vector<128x128xi32>
    %roll3A_1183 = arith.constant 127 : i32
    %roll3A_1184 = tpu.dynamic_rotate %select_n3A_1177 by %roll3A_1183 dim 0 : vector<128x128xf32>, i32 -> vector<128x128xf32>
    %roll3A_1185 = arith.constant 1 : i32
    %roll3A_1186 = tpu.dynamic_rotate %select_n3A_1177 by %roll3A_1185 dim 0 : vector<128x128xf32>, i32 -> vector<128x128xf32>
    %select_n3A_1187 = arith.select %eq3A_4, %roll3A_1184, %roll3A_1186 : vector<128x128xi1>, vector<128x128xf32>
    %min3A_1188 = arith.minsi %select_n3A_1175, %select_n3A_1182 : vector<128x128xi32>
    %max3A_1189 = arith.maxsi %select_n3A_1175, %select_n3A_1182 : vector<128x128xi32>
    %select_n3A_1190 = arith.select %eq3A_4, %min3A_1188, %max3A_1189 : vector<128x128xi1>, vector<128x128xi32>
    %eq3A_1191 = arith.cmpi eq, %select_n3A_1190, %select_n3A_1175 : vector<128x128xi32>
    %select_n3A_1192 = arith.select %eq3A_1191, %select_n3A_1177, %select_n3A_1187 : vector<128x128xi1>, vector<128x128xf32>
    %and3A_1193 = arith.constant 32 : i32
    %and3A_1194 = vector.broadcast %and3A_1193 : i32 to vector<128x128xi32>
    %and3A_1195 = arith.andi %iota3A_0, %and3A_1194 : vector<128x128xi32>
    %shift_right_arithmetic3A_1196 = arith.constant 5 : i32
    %shift_right_arithmetic3A_1197 = vector.broadcast %shift_right_arithmetic3A_1196 : i32 to vector<128x128xi32>
    %shift_right_arithmetic3A_1198 = arith.shrsi %and3A_1195, %shift_right_arithmetic3A_1197 : vector<128x128xi32>
    %neg3A_1199 = arith.constant 0 : i32
    %neg3A_1200 = vector.broadcast %neg3A_1199 : i32 to vector<128x128xi32>
    %neg3A_1201 = arith.subi %neg3A_1200, %shift_right_arithmetic3A_1198 : vector<128x128xi32>
    %xor3A_1202 = arith.xori %neg3A_1201, %neg3A_1025 : vector<128x128xi32>
    %xor3A_1203 = arith.xori %select_n3A_1190, %xor3A_1202 : vector<128x128xi32>
    %roll3A_1204 = arith.constant 112 : i32
    %roll3A_1205 = tpu.dynamic_rotate %xor3A_1203 by %roll3A_1204 dim 1 : vector<128x128xi32>, i32 -> vector<128x128xi32>
    %roll3A_1206 = arith.constant 16 : i32
    %roll3A_1207 = tpu.dynamic_rotate %xor3A_1203 by %roll3A_1206 dim 1 : vector<128x128xi32>, i32 -> vector<128x128xi32>
    %select_n3A_1208 = arith.select %eq3A_70, %roll3A_1205, %roll3A_1207 : vector<128x128xi1>, vector<128x128xi32>
    %roll3A_1209 = arith.constant 112 : i32
    %roll3A_1210 = tpu.dynamic_rotate %select_n3A_1192 by %roll3A_1209 dim 1 : vector<128x128xf32>, i32 -> vector<128x128xf32>
    %roll3A_1211 = arith.constant 16 : i32
    %roll3A_1212 = tpu.dynamic_rotate %select_n3A_1192 by %roll3A_1211 dim 1 : vector<128x128xf32>, i32 -> vector<128x128xf32>
    %select_n3A_1213 = arith.select %eq3A_70, %roll3A_1210, %roll3A_1212 : vector<128x128xi1>, vector<128x128xf32>
    %min3A_1214 = arith.minsi %xor3A_1203, %select_n3A_1208 : vector<128x128xi32>
    %max3A_1215 = arith.maxsi %xor3A_1203, %select_n3A_1208 : vector<128x128xi32>
    %select_n3A_1216 = arith.select %eq3A_70, %min3A_1214, %max3A_1215 : vector<128x128xi1>, vector<128x128xi32>
    %eq3A_1217 = arith.cmpi eq, %select_n3A_1216, %xor3A_1203 : vector<128x128xi32>
    %select_n3A_1218 = arith.select %eq3A_1217, %select_n3A_1192, %select_n3A_1213 : vector<128x128xi1>, vector<128x128xf32>
    %roll3A_1219 = arith.constant 120 : i32
    %roll3A_1220 = tpu.dynamic_rotate %select_n3A_1216 by %roll3A_1219 dim 1 : vector<128x128xi32>, i32 -> vector<128x128xi32>
    %roll3A_1221 = arith.constant 8 : i32
    %roll3A_1222 = tpu.dynamic_rotate %select_n3A_1216 by %roll3A_1221 dim 1 : vector<128x128xi32>, i32 -> vector<128x128xi32>
    %select_n3A_1223 = arith.select %eq3A_64, %roll3A_1220, %roll3A_1222 : vector<128x128xi1>, vector<128x128xi32>
    %roll3A_1224 = arith.constant 120 : i32
    %roll3A_1225 = tpu.dynamic_rotate %select_n3A_1218 by %roll3A_1224 dim 1 : vector<128x128xf32>, i32 -> vector<128x128xf32>
    %roll3A_1226 = arith.constant 8 : i32
    %roll3A_1227 = tpu.dynamic_rotate %select_n3A_1218 by %roll3A_1226 dim 1 : vector<128x128xf32>, i32 -> vector<128x128xf32>
    %select_n3A_1228 = arith.select %eq3A_64, %roll3A_1225, %roll3A_1227 : vector<128x128xi1>, vector<128x128xf32>
    %min3A_1229 = arith.minsi %select_n3A_1216, %select_n3A_1223 : vector<128x128xi32>
    %max3A_1230 = arith.maxsi %select_n3A_1216, %select_n3A_1223 : vector<128x128xi32>
    %select_n3A_1231 = arith.select %eq3A_64, %min3A_1229, %max3A_1230 : vector<128x128xi1>, vector<128x128xi32>
    %eq3A_1232 = arith.cmpi eq, %select_n3A_1231, %select_n3A_1216 : vector<128x128xi32>
    %select_n3A_1233 = arith.select %eq3A_1232, %select_n3A_1218, %select_n3A_1228 : vector<128x128xi1>, vector<128x128xf32>
    %roll3A_1234 = arith.constant 124 : i32
    %roll3A_1235 = tpu.dynamic_rotate %select_n3A_1231 by %roll3A_1234 dim 1 : vector<128x128xi32>, i32 -> vector<128x128xi32>
    %roll3A_1236 = arith.constant 4 : i32
    %roll3A_1237 = tpu.dynamic_rotate %select_n3A_1231 by %roll3A_1236 dim 1 : vector<128x128xi32>, i32 -> vector<128x128xi32>
    %select_n3A_1238 = arith.select %eq3A_58, %roll3A_1235, %roll3A_1237 : vector<128x128xi1>, vector<128x128xi32>
    %roll3A_1239 = arith.constant 124 : i32
    %roll3A_1240 = tpu.dynamic_rotate %select_n3A_1233 by %roll3A_1239 dim 1 : vector<128x128xf32>, i32 -> vector<128x128xf32>
    %roll3A_1241 = arith.constant 4 : i32
    %roll3A_1242 = tpu.dynamic_rotate %select_n3A_1233 by %roll3A_1241 dim 1 : vector<128x128xf32>, i32 -> vector<128x128xf32>
    %select_n3A_1243 = arith.select %eq3A_58, %roll3A_1240, %roll3A_1242 : vector<128x128xi1>, vector<128x128xf32>
    %min3A_1244 = arith.minsi %select_n3A_1231, %select_n3A_1238 : vector<128x128xi32>
    %max3A_1245 = arith.maxsi %select_n3A_1231, %select_n3A_1238 : vector<128x128xi32>
    %select_n3A_1246 = arith.select %eq3A_58, %min3A_1244, %max3A_1245 : vector<128x128xi1>, vector<128x128xi32>
    %eq3A_1247 = arith.cmpi eq, %select_n3A_1246, %select_n3A_1231 : vector<128x128xi32>
    %select_n3A_1248 = arith.select %eq3A_1247, %select_n3A_1233, %select_n3A_1243 : vector<128x128xi1>, vector<128x128xf32>
    %roll3A_1249 = arith.constant 126 : i32
    %roll3A_1250 = tpu.dynamic_rotate %select_n3A_1246 by %roll3A_1249 dim 1 : vector<128x128xi32>, i32 -> vector<128x128xi32>
    %roll3A_1251 = arith.constant 2 : i32
    %roll3A_1252 = tpu.dynamic_rotate %select_n3A_1246 by %roll3A_1251 dim 1 : vector<128x128xi32>, i32 -> vector<128x128xi32>
    %select_n3A_1253 = arith.select %eq3A_52, %roll3A_1250, %roll3A_1252 : vector<128x128xi1>, vector<128x128xi32>
    %roll3A_1254 = arith.constant 126 : i32
    %roll3A_1255 = tpu.dynamic_rotate %select_n3A_1248 by %roll3A_1254 dim 1 : vector<128x128xf32>, i32 -> vector<128x128xf32>
    %roll3A_1256 = arith.constant 2 : i32
    %roll3A_1257 = tpu.dynamic_rotate %select_n3A_1248 by %roll3A_1256 dim 1 : vector<128x128xf32>, i32 -> vector<128x128xf32>
    %select_n3A_1258 = arith.select %eq3A_52, %roll3A_1255, %roll3A_1257 : vector<128x128xi1>, vector<128x128xf32>
    %min3A_1259 = arith.minsi %select_n3A_1246, %select_n3A_1253 : vector<128x128xi32>
    %max3A_1260 = arith.maxsi %select_n3A_1246, %select_n3A_1253 : vector<128x128xi32>
    %select_n3A_1261 = arith.select %eq3A_52, %min3A_1259, %max3A_1260 : vector<128x128xi1>, vector<128x128xi32>
    %eq3A_1262 = arith.cmpi eq, %select_n3A_1261, %select_n3A_1246 : vector<128x128xi32>
    %select_n3A_1263 = arith.select %eq3A_1262, %select_n3A_1248, %select_n3A_1258 : vector<128x128xi1>, vector<128x128xf32>
    %roll3A_1264 = arith.constant 127 : i32
    %roll3A_1265 = tpu.dynamic_rotate %select_n3A_1261 by %roll3A_1264 dim 1 : vector<128x128xi32>, i32 -> vector<128x128xi32>
    %roll3A_1266 = arith.constant 1 : i32
    %roll3A_1267 = tpu.dynamic_rotate %select_n3A_1261 by %roll3A_1266 dim 1 : vector<128x128xi32>, i32 -> vector<128x128xi32>
    %select_n3A_1268 = arith.select %eq3A_46, %roll3A_1265, %roll3A_1267 : vector<128x128xi1>, vector<128x128xi32>
    %roll3A_1269 = arith.constant 127 : i32
    %roll3A_1270 = tpu.dynamic_rotate %select_n3A_1263 by %roll3A_1269 dim 1 : vector<128x128xf32>, i32 -> vector<128x128xf32>
    %roll3A_1271 = arith.constant 1 : i32
    %roll3A_1272 = tpu.dynamic_rotate %select_n3A_1263 by %roll3A_1271 dim 1 : vector<128x128xf32>, i32 -> vector<128x128xf32>
    %select_n3A_1273 = arith.select %eq3A_46, %roll3A_1270, %roll3A_1272 : vector<128x128xi1>, vector<128x128xf32>
    %min3A_1274 = arith.minsi %select_n3A_1261, %select_n3A_1268 : vector<128x128xi32>
    %max3A_1275 = arith.maxsi %select_n3A_1261, %select_n3A_1268 : vector<128x128xi32>
    %select_n3A_1276 = arith.select %eq3A_46, %min3A_1274, %max3A_1275 : vector<128x128xi1>, vector<128x128xi32>
    %eq3A_1277 = arith.cmpi eq, %select_n3A_1276, %select_n3A_1261 : vector<128x128xi32>
    %select_n3A_1278 = arith.select %eq3A_1277, %select_n3A_1263, %select_n3A_1273 : vector<128x128xi1>, vector<128x128xf32>
    %roll3A_1279 = arith.constant 64 : i32
    %roll3A_1280 = tpu.dynamic_rotate %select_n3A_1276 by %roll3A_1279 dim 0 : vector<128x128xi32>, i32 -> vector<128x128xi32>
    %roll3A_1281 = arith.constant 64 : i32
    %roll3A_1282 = tpu.dynamic_rotate %select_n3A_1276 by %roll3A_1281 dim 0 : vector<128x128xi32>, i32 -> vector<128x128xi32>
    %select_n3A_1283 = arith.select %eq3A_40, %roll3A_1280, %roll3A_1282 : vector<128x128xi1>, vector<128x128xi32>
    %roll3A_1284 = arith.constant 64 : i32
    %roll3A_1285 = tpu.dynamic_rotate %select_n3A_1278 by %roll3A_1284 dim 0 : vector<128x128xf32>, i32 -> vector<128x128xf32>
    %roll3A_1286 = arith.constant 64 : i32
    %roll3A_1287 = tpu.dynamic_rotate %select_n3A_1278 by %roll3A_1286 dim 0 : vector<128x128xf32>, i32 -> vector<128x128xf32>
    %select_n3A_1288 = arith.select %eq3A_40, %roll3A_1285, %roll3A_1287 : vector<128x128xi1>, vector<128x128xf32>
    %min3A_1289 = arith.minsi %select_n3A_1276, %select_n3A_1283 : vector<128x128xi32>
    %max3A_1290 = arith.maxsi %select_n3A_1276, %select_n3A_1283 : vector<128x128xi32>
    %select_n3A_1291 = arith.select %eq3A_40, %min3A_1289, %max3A_1290 : vector<128x128xi1>, vector<128x128xi32>
    %eq3A_1292 = arith.cmpi eq, %select_n3A_1291, %select_n3A_1276 : vector<128x128xi32>
    %select_n3A_1293 = arith.select %eq3A_1292, %select_n3A_1278, %select_n3A_1288 : vector<128x128xi1>, vector<128x128xf32>
    %roll3A_1294 = arith.constant 96 : i32
    %roll3A_1295 = tpu.dynamic_rotate %select_n3A_1291 by %roll3A_1294 dim 0 : vector<128x128xi32>, i32 -> vector<128x128xi32>
    %roll3A_1296 = arith.constant 32 : i32
    %roll3A_1297 = tpu.dynamic_rotate %select_n3A_1291 by %roll3A_1296 dim 0 : vector<128x128xi32>, i32 -> vector<128x128xi32>
    %select_n3A_1298 = arith.select %eq3A_34, %roll3A_1295, %roll3A_1297 : vector<128x128xi1>, vector<128x128xi32>
    %roll3A_1299 = arith.constant 96 : i32
    %roll3A_1300 = tpu.dynamic_rotate %select_n3A_1293 by %roll3A_1299 dim 0 : vector<128x128xf32>, i32 -> vector<128x128xf32>
    %roll3A_1301 = arith.constant 32 : i32
    %roll3A_1302 = tpu.dynamic_rotate %select_n3A_1293 by %roll3A_1301 dim 0 : vector<128x128xf32>, i32 -> vector<128x128xf32>
    %select_n3A_1303 = arith.select %eq3A_34, %roll3A_1300, %roll3A_1302 : vector<128x128xi1>, vector<128x128xf32>
    %min3A_1304 = arith.minsi %select_n3A_1291, %select_n3A_1298 : vector<128x128xi32>
    %max3A_1305 = arith.maxsi %select_n3A_1291, %select_n3A_1298 : vector<128x128xi32>
    %select_n3A_1306 = arith.select %eq3A_34, %min3A_1304, %max3A_1305 : vector<128x128xi1>, vector<128x128xi32>
    %eq3A_1307 = arith.cmpi eq, %select_n3A_1306, %select_n3A_1291 : vector<128x128xi32>
    %select_n3A_1308 = arith.select %eq3A_1307, %select_n3A_1293, %select_n3A_1303 : vector<128x128xi1>, vector<128x128xf32>
    %roll3A_1309 = arith.constant 112 : i32
    %roll3A_1310 = tpu.dynamic_rotate %select_n3A_1306 by %roll3A_1309 dim 0 : vector<128x128xi32>, i32 -> vector<128x128xi32>
    %roll3A_1311 = arith.constant 16 : i32
    %roll3A_1312 = tpu.dynamic_rotate %select_n3A_1306 by %roll3A_1311 dim 0 : vector<128x128xi32>, i32 -> vector<128x128xi32>
    %select_n3A_1313 = arith.select %eq3A_28, %roll3A_1310, %roll3A_1312 : vector<128x128xi1>, vector<128x128xi32>
    %roll3A_1314 = arith.constant 112 : i32
    %roll3A_1315 = tpu.dynamic_rotate %select_n3A_1308 by %roll3A_1314 dim 0 : vector<128x128xf32>, i32 -> vector<128x128xf32>
    %roll3A_1316 = arith.constant 16 : i32
    %roll3A_1317 = tpu.dynamic_rotate %select_n3A_1308 by %roll3A_1316 dim 0 : vector<128x128xf32>, i32 -> vector<128x128xf32>
    %select_n3A_1318 = arith.select %eq3A_28, %roll3A_1315, %roll3A_1317 : vector<128x128xi1>, vector<128x128xf32>
    %min3A_1319 = arith.minsi %select_n3A_1306, %select_n3A_1313 : vector<128x128xi32>
    %max3A_1320 = arith.maxsi %select_n3A_1306, %select_n3A_1313 : vector<128x128xi32>
    %select_n3A_1321 = arith.select %eq3A_28, %min3A_1319, %max3A_1320 : vector<128x128xi1>, vector<128x128xi32>
    %eq3A_1322 = arith.cmpi eq, %select_n3A_1321, %select_n3A_1306 : vector<128x128xi32>
    %select_n3A_1323 = arith.select %eq3A_1322, %select_n3A_1308, %select_n3A_1318 : vector<128x128xi1>, vector<128x128xf32>
    %roll3A_1324 = arith.constant 120 : i32
    %roll3A_1325 = tpu.dynamic_rotate %select_n3A_1321 by %roll3A_1324 dim 0 : vector<128x128xi32>, i32 -> vector<128x128xi32>
    %roll3A_1326 = arith.constant 8 : i32
    %roll3A_1327 = tpu.dynamic_rotate %select_n3A_1321 by %roll3A_1326 dim 0 : vector<128x128xi32>, i32 -> vector<128x128xi32>
    %select_n3A_1328 = arith.select %eq3A_22, %roll3A_1325, %roll3A_1327 : vector<128x128xi1>, vector<128x128xi32>
    %roll3A_1329 = arith.constant 120 : i32
    %roll3A_1330 = tpu.dynamic_rotate %select_n3A_1323 by %roll3A_1329 dim 0 : vector<128x128xf32>, i32 -> vector<128x128xf32>
    %roll3A_1331 = arith.constant 8 : i32
    %roll3A_1332 = tpu.dynamic_rotate %select_n3A_1323 by %roll3A_1331 dim 0 : vector<128x128xf32>, i32 -> vector<128x128xf32>
    %select_n3A_1333 = arith.select %eq3A_22, %roll3A_1330, %roll3A_1332 : vector<128x128xi1>, vector<128x128xf32>
    %min3A_1334 = arith.minsi %select_n3A_1321, %select_n3A_1328 : vector<128x128xi32>
    %max3A_1335 = arith.maxsi %select_n3A_1321, %select_n3A_1328 : vector<128x128xi32>
    %select_n3A_1336 = arith.select %eq3A_22, %min3A_1334, %max3A_1335 : vector<128x128xi1>, vector<128x128xi32>
    %eq3A_1337 = arith.cmpi eq, %select_n3A_1336, %select_n3A_1321 : vector<128x128xi32>
    %select_n3A_1338 = arith.select %eq3A_1337, %select_n3A_1323, %select_n3A_1333 : vector<128x128xi1>, vector<128x128xf32>
    %roll3A_1339 = arith.constant 124 : i32
    %roll3A_1340 = tpu.dynamic_rotate %select_n3A_1336 by %roll3A_1339 dim 0 : vector<128x128xi32>, i32 -> vector<128x128xi32>
    %roll3A_1341 = arith.constant 4 : i32
    %roll3A_1342 = tpu.dynamic_rotate %select_n3A_1336 by %roll3A_1341 dim 0 : vector<128x128xi32>, i32 -> vector<128x128xi32>
    %select_n3A_1343 = arith.select %eq3A_16, %roll3A_1340, %roll3A_1342 : vector<128x128xi1>, vector<128x128xi32>
    %roll3A_1344 = arith.constant 124 : i32
    %roll3A_1345 = tpu.dynamic_rotate %select_n3A_1338 by %roll3A_1344 dim 0 : vector<128x128xf32>, i32 -> vector<128x128xf32>
    %roll3A_1346 = arith.constant 4 : i32
    %roll3A_1347 = tpu.dynamic_rotate %select_n3A_1338 by %roll3A_1346 dim 0 : vector<128x128xf32>, i32 -> vector<128x128xf32>
    %select_n3A_1348 = arith.select %eq3A_16, %roll3A_1345, %roll3A_1347 : vector<128x128xi1>, vector<128x128xf32>
    %min3A_1349 = arith.minsi %select_n3A_1336, %select_n3A_1343 : vector<128x128xi32>
    %max3A_1350 = arith.maxsi %select_n3A_1336, %select_n3A_1343 : vector<128x128xi32>
    %select_n3A_1351 = arith.select %eq3A_16, %min3A_1349, %max3A_1350 : vector<128x128xi1>, vector<128x128xi32>
    %eq3A_1352 = arith.cmpi eq, %select_n3A_1351, %select_n3A_1336 : vector<128x128xi32>
    %select_n3A_1353 = arith.select %eq3A_1352, %select_n3A_1338, %select_n3A_1348 : vector<128x128xi1>, vector<128x128xf32>
    %roll3A_1354 = arith.constant 126 : i32
    %roll3A_1355 = tpu.dynamic_rotate %select_n3A_1351 by %roll3A_1354 dim 0 : vector<128x128xi32>, i32 -> vector<128x128xi32>
    %roll3A_1356 = arith.constant 2 : i32
    %roll3A_1357 = tpu.dynamic_rotate %select_n3A_1351 by %roll3A_1356 dim 0 : vector<128x128xi32>, i32 -> vector<128x128xi32>
    %select_n3A_1358 = arith.select %eq3A_10, %roll3A_1355, %roll3A_1357 : vector<128x128xi1>, vector<128x128xi32>
    %roll3A_1359 = arith.constant 126 : i32
    %roll3A_1360 = tpu.dynamic_rotate %select_n3A_1353 by %roll3A_1359 dim 0 : vector<128x128xf32>, i32 -> vector<128x128xf32>
    %roll3A_1361 = arith.constant 2 : i32
    %roll3A_1362 = tpu.dynamic_rotate %select_n3A_1353 by %roll3A_1361 dim 0 : vector<128x128xf32>, i32 -> vector<128x128xf32>
    %select_n3A_1363 = arith.select %eq3A_10, %roll3A_1360, %roll3A_1362 : vector<128x128xi1>, vector<128x128xf32>
    %min3A_1364 = arith.minsi %select_n3A_1351, %select_n3A_1358 : vector<128x128xi32>
    %max3A_1365 = arith.maxsi %select_n3A_1351, %select_n3A_1358 : vector<128x128xi32>
    %select_n3A_1366 = arith.select %eq3A_10, %min3A_1364, %max3A_1365 : vector<128x128xi1>, vector<128x128xi32>
    %eq3A_1367 = arith.cmpi eq, %select_n3A_1366, %select_n3A_1351 : vector<128x128xi32>
    %select_n3A_1368 = arith.select %eq3A_1367, %select_n3A_1353, %select_n3A_1363 : vector<128x128xi1>, vector<128x128xf32>
    %roll3A_1369 = arith.constant 127 : i32
    %roll3A_1370 = tpu.dynamic_rotate %select_n3A_1366 by %roll3A_1369 dim 0 : vector<128x128xi32>, i32 -> vector<128x128xi32>
    %roll3A_1371 = arith.constant 1 : i32
    %roll3A_1372 = tpu.dynamic_rotate %select_n3A_1366 by %roll3A_1371 dim 0 : vector<128x128xi32>, i32 -> vector<128x128xi32>
    %select_n3A_1373 = arith.select %eq3A_4, %roll3A_1370, %roll3A_1372 : vector<128x128xi1>, vector<128x128xi32>
    %roll3A_1374 = arith.constant 127 : i32
    %roll3A_1375 = tpu.dynamic_rotate %select_n3A_1368 by %roll3A_1374 dim 0 : vector<128x128xf32>, i32 -> vector<128x128xf32>
    %roll3A_1376 = arith.constant 1 : i32
    %roll3A_1377 = tpu.dynamic_rotate %select_n3A_1368 by %roll3A_1376 dim 0 : vector<128x128xf32>, i32 -> vector<128x128xf32>
    %select_n3A_1378 = arith.select %eq3A_4, %roll3A_1375, %roll3A_1377 : vector<128x128xi1>, vector<128x128xf32>
    %min3A_1379 = arith.minsi %select_n3A_1366, %select_n3A_1373 : vector<128x128xi32>
    %max3A_1380 = arith.maxsi %select_n3A_1366, %select_n3A_1373 : vector<128x128xi32>
    %select_n3A_1381 = arith.select %eq3A_4, %min3A_1379, %max3A_1380 : vector<128x128xi1>, vector<128x128xi32>
    %eq3A_1382 = arith.cmpi eq, %select_n3A_1381, %select_n3A_1366 : vector<128x128xi32>
    %select_n3A_1383 = arith.select %eq3A_1382, %select_n3A_1368, %select_n3A_1378 : vector<128x128xi1>, vector<128x128xf32>
    %and3A_1384 = arith.constant 64 : i32
    %and3A_1385 = vector.broadcast %and3A_1384 : i32 to vector<128x128xi32>
    %and3A_1386 = arith.andi %iota3A_0, %and3A_1385 : vector<128x128xi32>
    %shift_right_arithmetic3A_1387 = arith.constant 6 : i32
    %shift_right_arithmetic3A_1388 = vector.broadcast %shift_right_arithmetic3A_1387 : i32 to vector<128x128xi32>
    %shift_right_arithmetic3A_1389 = arith.shrsi %and3A_1386, %shift_right_arithmetic3A_1388 : vector<128x128xi32>
    %neg3A_1390 = arith.constant 0 : i32
    %neg3A_1391 = vector.broadcast %neg3A_1390 : i32 to vector<128x128xi32>
    %neg3A_1392 = arith.subi %neg3A_1391, %shift_right_arithmetic3A_1389 : vector<128x128xi32>
    %xor3A_1393 = arith.xori %neg3A_1392, %neg3A_1201 : vector<128x128xi32>
    %xor3A_1394 = arith.xori %select_n3A_1381, %xor3A_1393 : vector<128x128xi32>
    %roll3A_1395 = arith.constant 96 : i32
    %roll3A_1396 = tpu.dynamic_rotate %xor3A_1394 by %roll3A_1395 dim 1 : vector<128x128xi32>, i32 -> vector<128x128xi32>
    %roll3A_1397 = arith.constant 32 : i32
    %roll3A_1398 = tpu.dynamic_rotate %xor3A_1394 by %roll3A_1397 dim 1 : vector<128x128xi32>, i32 -> vector<128x128xi32>
    %select_n3A_1399 = arith.select %eq3A_76, %roll3A_1396, %roll3A_1398 : vector<128x128xi1>, vector<128x128xi32>
    %roll3A_1400 = arith.constant 96 : i32
    %roll3A_1401 = tpu.dynamic_rotate %select_n3A_1383 by %roll3A_1400 dim 1 : vector<128x128xf32>, i32 -> vector<128x128xf32>
    %roll3A_1402 = arith.constant 32 : i32
    %roll3A_1403 = tpu.dynamic_rotate %select_n3A_1383 by %roll3A_1402 dim 1 : vector<128x128xf32>, i32 -> vector<128x128xf32>
    %select_n3A_1404 = arith.select %eq3A_76, %roll3A_1401, %roll3A_1403 : vector<128x128xi1>, vector<128x128xf32>
    %min3A_1405 = arith.minsi %xor3A_1394, %select_n3A_1399 : vector<128x128xi32>
    %max3A_1406 = arith.maxsi %xor3A_1394, %select_n3A_1399 : vector<128x128xi32>
    %select_n3A_1407 = arith.select %eq3A_76, %min3A_1405, %max3A_1406 : vector<128x128xi1>, vector<128x128xi32>
    %eq3A_1408 = arith.cmpi eq, %select_n3A_1407, %xor3A_1394 : vector<128x128xi32>
    %select_n3A_1409 = arith.select %eq3A_1408, %select_n3A_1383, %select_n3A_1404 : vector<128x128xi1>, vector<128x128xf32>
    %roll3A_1410 = arith.constant 112 : i32
    %roll3A_1411 = tpu.dynamic_rotate %select_n3A_1407 by %roll3A_1410 dim 1 : vector<128x128xi32>, i32 -> vector<128x128xi32>
    %roll3A_1412 = arith.constant 16 : i32
    %roll3A_1413 = tpu.dynamic_rotate %select_n3A_1407 by %roll3A_1412 dim 1 : vector<128x128xi32>, i32 -> vector<128x128xi32>
    %select_n3A_1414 = arith.select %eq3A_70, %roll3A_1411, %roll3A_1413 : vector<128x128xi1>, vector<128x128xi32>
    %roll3A_1415 = arith.constant 112 : i32
    %roll3A_1416 = tpu.dynamic_rotate %select_n3A_1409 by %roll3A_1415 dim 1 : vector<128x128xf32>, i32 -> vector<128x128xf32>
    %roll3A_1417 = arith.constant 16 : i32
    %roll3A_1418 = tpu.dynamic_rotate %select_n3A_1409 by %roll3A_1417 dim 1 : vector<128x128xf32>, i32 -> vector<128x128xf32>
    %select_n3A_1419 = arith.select %eq3A_70, %roll3A_1416, %roll3A_1418 : vector<128x128xi1>, vector<128x128xf32>
    %min3A_1420 = arith.minsi %select_n3A_1407, %select_n3A_1414 : vector<128x128xi32>
    %max3A_1421 = arith.maxsi %select_n3A_1407, %select_n3A_1414 : vector<128x128xi32>
    %select_n3A_1422 = arith.select %eq3A_70, %min3A_1420, %max3A_1421 : vector<128x128xi1>, vector<128x128xi32>
    %eq3A_1423 = arith.cmpi eq, %select_n3A_1422, %select_n3A_1407 : vector<128x128xi32>
    %select_n3A_1424 = arith.select %eq3A_1423, %select_n3A_1409, %select_n3A_1419 : vector<128x128xi1>, vector<128x128xf32>
    %roll3A_1425 = arith.constant 120 : i32
    %roll3A_1426 = tpu.dynamic_rotate %select_n3A_1422 by %roll3A_1425 dim 1 : vector<128x128xi32>, i32 -> vector<128x128xi32>
    %roll3A_1427 = arith.constant 8 : i32
    %roll3A_1428 = tpu.dynamic_rotate %select_n3A_1422 by %roll3A_1427 dim 1 : vector<128x128xi32>, i32 -> vector<128x128xi32>
    %select_n3A_1429 = arith.select %eq3A_64, %roll3A_1426, %roll3A_1428 : vector<128x128xi1>, vector<128x128xi32>
    %roll3A_1430 = arith.constant 120 : i32
    %roll3A_1431 = tpu.dynamic_rotate %select_n3A_1424 by %roll3A_1430 dim 1 : vector<128x128xf32>, i32 -> vector<128x128xf32>
    %roll3A_1432 = arith.constant 8 : i32
    %roll3A_1433 = tpu.dynamic_rotate %select_n3A_1424 by %roll3A_1432 dim 1 : vector<128x128xf32>, i32 -> vector<128x128xf32>
    %select_n3A_1434 = arith.select %eq3A_64, %roll3A_1431, %roll3A_1433 : vector<128x128xi1>, vector<128x128xf32>
    %min3A_1435 = arith.minsi %select_n3A_1422, %select_n3A_1429 : vector<128x128xi32>
    %max3A_1436 = arith.maxsi %select_n3A_1422, %select_n3A_1429 : vector<128x128xi32>
    %select_n3A_1437 = arith.select %eq3A_64, %min3A_1435, %max3A_1436 : vector<128x128xi1>, vector<128x128xi32>
    %eq3A_1438 = arith.cmpi eq, %select_n3A_1437, %select_n3A_1422 : vector<128x128xi32>
    %select_n3A_1439 = arith.select %eq3A_1438, %select_n3A_1424, %select_n3A_1434 : vector<128x128xi1>, vector<128x128xf32>
    %roll3A_1440 = arith.constant 124 : i32
    %roll3A_1441 = tpu.dynamic_rotate %select_n3A_1437 by %roll3A_1440 dim 1 : vector<128x128xi32>, i32 -> vector<128x128xi32>
    %roll3A_1442 = arith.constant 4 : i32
    %roll3A_1443 = tpu.dynamic_rotate %select_n3A_1437 by %roll3A_1442 dim 1 : vector<128x128xi32>, i32 -> vector<128x128xi32>
    %select_n3A_1444 = arith.select %eq3A_58, %roll3A_1441, %roll3A_1443 : vector<128x128xi1>, vector<128x128xi32>
    %roll3A_1445 = arith.constant 124 : i32
    %roll3A_1446 = tpu.dynamic_rotate %select_n3A_1439 by %roll3A_1445 dim 1 : vector<128x128xf32>, i32 -> vector<128x128xf32>
    %roll3A_1447 = arith.constant 4 : i32
    %roll3A_1448 = tpu.dynamic_rotate %select_n3A_1439 by %roll3A_1447 dim 1 : vector<128x128xf32>, i32 -> vector<128x128xf32>
    %select_n3A_1449 = arith.select %eq3A_58, %roll3A_1446, %roll3A_1448 : vector<128x128xi1>, vector<128x128xf32>
    %min3A_1450 = arith.minsi %select_n3A_1437, %select_n3A_1444 : vector<128x128xi32>
    %max3A_1451 = arith.maxsi %select_n3A_1437, %select_n3A_1444 : vector<128x128xi32>
    %select_n3A_1452 = arith.select %eq3A_58, %min3A_1450, %max3A_1451 : vector<128x128xi1>, vector<128x128xi32>
    %eq3A_1453 = arith.cmpi eq, %select_n3A_1452, %select_n3A_1437 : vector<128x128xi32>
    %select_n3A_1454 = arith.select %eq3A_1453, %select_n3A_1439, %select_n3A_1449 : vector<128x128xi1>, vector<128x128xf32>
    %roll3A_1455 = arith.constant 126 : i32
    %roll3A_1456 = tpu.dynamic_rotate %select_n3A_1452 by %roll3A_1455 dim 1 : vector<128x128xi32>, i32 -> vector<128x128xi32>
    %roll3A_1457 = arith.constant 2 : i32
    %roll3A_1458 = tpu.dynamic_rotate %select_n3A_1452 by %roll3A_1457 dim 1 : vector<128x128xi32>, i32 -> vector<128x128xi32>
    %select_n3A_1459 = arith.select %eq3A_52, %roll3A_1456, %roll3A_1458 : vector<128x128xi1>, vector<128x128xi32>
    %roll3A_1460 = arith.constant 126 : i32
    %roll3A_1461 = tpu.dynamic_rotate %select_n3A_1454 by %roll3A_1460 dim 1 : vector<128x128xf32>, i32 -> vector<128x128xf32>
    %roll3A_1462 = arith.constant 2 : i32
    %roll3A_1463 = tpu.dynamic_rotate %select_n3A_1454 by %roll3A_1462 dim 1 : vector<128x128xf32>, i32 -> vector<128x128xf32>
    %select_n3A_1464 = arith.select %eq3A_52, %roll3A_1461, %roll3A_1463 : vector<128x128xi1>, vector<128x128xf32>
    %min3A_1465 = arith.minsi %select_n3A_1452, %select_n3A_1459 : vector<128x128xi32>
    %max3A_1466 = arith.maxsi %select_n3A_1452, %select_n3A_1459 : vector<128x128xi32>
    %select_n3A_1467 = arith.select %eq3A_52, %min3A_1465, %max3A_1466 : vector<128x128xi1>, vector<128x128xi32>
    %eq3A_1468 = arith.cmpi eq, %select_n3A_1467, %select_n3A_1452 : vector<128x128xi32>
    %select_n3A_1469 = arith.select %eq3A_1468, %select_n3A_1454, %select_n3A_1464 : vector<128x128xi1>, vector<128x128xf32>
    %roll3A_1470 = arith.constant 127 : i32
    %roll3A_1471 = tpu.dynamic_rotate %select_n3A_1467 by %roll3A_1470 dim 1 : vector<128x128xi32>, i32 -> vector<128x128xi32>
    %roll3A_1472 = arith.constant 1 : i32
    %roll3A_1473 = tpu.dynamic_rotate %select_n3A_1467 by %roll3A_1472 dim 1 : vector<128x128xi32>, i32 -> vector<128x128xi32>
    %select_n3A_1474 = arith.select %eq3A_46, %roll3A_1471, %roll3A_1473 : vector<128x128xi1>, vector<128x128xi32>
    %roll3A_1475 = arith.constant 127 : i32
    %roll3A_1476 = tpu.dynamic_rotate %select_n3A_1469 by %roll3A_1475 dim 1 : vector<128x128xf32>, i32 -> vector<128x128xf32>
    %roll3A_1477 = arith.constant 1 : i32
    %roll3A_1478 = tpu.dynamic_rotate %select_n3A_1469 by %roll3A_1477 dim 1 : vector<128x128xf32>, i32 -> vector<128x128xf32>
    %select_n3A_1479 = arith.select %eq3A_46, %roll3A_1476, %roll3A_1478 : vector<128x128xi1>, vector<128x128xf32>
    %min3A_1480 = arith.minsi %select_n3A_1467, %select_n3A_1474 : vector<128x128xi32>
    %max3A_1481 = arith.maxsi %select_n3A_1467, %select_n3A_1474 : vector<128x128xi32>
    %select_n3A_1482 = arith.select %eq3A_46, %min3A_1480, %max3A_1481 : vector<128x128xi1>, vector<128x128xi32>
    %eq3A_1483 = arith.cmpi eq, %select_n3A_1482, %select_n3A_1467 : vector<128x128xi32>
    %select_n3A_1484 = arith.select %eq3A_1483, %select_n3A_1469, %select_n3A_1479 : vector<128x128xi1>, vector<128x128xf32>
    %roll3A_1485 = arith.constant 64 : i32
    %roll3A_1486 = tpu.dynamic_rotate %select_n3A_1482 by %roll3A_1485 dim 0 : vector<128x128xi32>, i32 -> vector<128x128xi32>
    %roll3A_1487 = arith.constant 64 : i32
    %roll3A_1488 = tpu.dynamic_rotate %select_n3A_1482 by %roll3A_1487 dim 0 : vector<128x128xi32>, i32 -> vector<128x128xi32>
    %select_n3A_1489 = arith.select %eq3A_40, %roll3A_1486, %roll3A_1488 : vector<128x128xi1>, vector<128x128xi32>
    %roll3A_1490 = arith.constant 64 : i32
    %roll3A_1491 = tpu.dynamic_rotate %select_n3A_1484 by %roll3A_1490 dim 0 : vector<128x128xf32>, i32 -> vector<128x128xf32>
    %roll3A_1492 = arith.constant 64 : i32
    %roll3A_1493 = tpu.dynamic_rotate %select_n3A_1484 by %roll3A_1492 dim 0 : vector<128x128xf32>, i32 -> vector<128x128xf32>
    %select_n3A_1494 = arith.select %eq3A_40, %roll3A_1491, %roll3A_1493 : vector<128x128xi1>, vector<128x128xf32>
    %min3A_1495 = arith.minsi %select_n3A_1482, %select_n3A_1489 : vector<128x128xi32>
    %max3A_1496 = arith.maxsi %select_n3A_1482, %select_n3A_1489 : vector<128x128xi32>
    %select_n3A_1497 = arith.select %eq3A_40, %min3A_1495, %max3A_1496 : vector<128x128xi1>, vector<128x128xi32>
    %eq3A_1498 = arith.cmpi eq, %select_n3A_1497, %select_n3A_1482 : vector<128x128xi32>
    %select_n3A_1499 = arith.select %eq3A_1498, %select_n3A_1484, %select_n3A_1494 : vector<128x128xi1>, vector<128x128xf32>
    %roll3A_1500 = arith.constant 96 : i32
    %roll3A_1501 = tpu.dynamic_rotate %select_n3A_1497 by %roll3A_1500 dim 0 : vector<128x128xi32>, i32 -> vector<128x128xi32>
    %roll3A_1502 = arith.constant 32 : i32
    %roll3A_1503 = tpu.dynamic_rotate %select_n3A_1497 by %roll3A_1502 dim 0 : vector<128x128xi32>, i32 -> vector<128x128xi32>
    %select_n3A_1504 = arith.select %eq3A_34, %roll3A_1501, %roll3A_1503 : vector<128x128xi1>, vector<128x128xi32>
    %roll3A_1505 = arith.constant 96 : i32
    %roll3A_1506 = tpu.dynamic_rotate %select_n3A_1499 by %roll3A_1505 dim 0 : vector<128x128xf32>, i32 -> vector<128x128xf32>
    %roll3A_1507 = arith.constant 32 : i32
    %roll3A_1508 = tpu.dynamic_rotate %select_n3A_1499 by %roll3A_1507 dim 0 : vector<128x128xf32>, i32 -> vector<128x128xf32>
    %select_n3A_1509 = arith.select %eq3A_34, %roll3A_1506, %roll3A_1508 : vector<128x128xi1>, vector<128x128xf32>
    %min3A_1510 = arith.minsi %select_n3A_1497, %select_n3A_1504 : vector<128x128xi32>
    %max3A_1511 = arith.maxsi %select_n3A_1497, %select_n3A_1504 : vector<128x128xi32>
    %select_n3A_1512 = arith.select %eq3A_34, %min3A_1510, %max3A_1511 : vector<128x128xi1>, vector<128x128xi32>
    %eq3A_1513 = arith.cmpi eq, %select_n3A_1512, %select_n3A_1497 : vector<128x128xi32>
    %select_n3A_1514 = arith.select %eq3A_1513, %select_n3A_1499, %select_n3A_1509 : vector<128x128xi1>, vector<128x128xf32>
    %roll3A_1515 = arith.constant 112 : i32
    %roll3A_1516 = tpu.dynamic_rotate %select_n3A_1512 by %roll3A_1515 dim 0 : vector<128x128xi32>, i32 -> vector<128x128xi32>
    %roll3A_1517 = arith.constant 16 : i32
    %roll3A_1518 = tpu.dynamic_rotate %select_n3A_1512 by %roll3A_1517 dim 0 : vector<128x128xi32>, i32 -> vector<128x128xi32>
    %select_n3A_1519 = arith.select %eq3A_28, %roll3A_1516, %roll3A_1518 : vector<128x128xi1>, vector<128x128xi32>
    %roll3A_1520 = arith.constant 112 : i32
    %roll3A_1521 = tpu.dynamic_rotate %select_n3A_1514 by %roll3A_1520 dim 0 : vector<128x128xf32>, i32 -> vector<128x128xf32>
    %roll3A_1522 = arith.constant 16 : i32
    %roll3A_1523 = tpu.dynamic_rotate %select_n3A_1514 by %roll3A_1522 dim 0 : vector<128x128xf32>, i32 -> vector<128x128xf32>
    %select_n3A_1524 = arith.select %eq3A_28, %roll3A_1521, %roll3A_1523 : vector<128x128xi1>, vector<128x128xf32>
    %min3A_1525 = arith.minsi %select_n3A_1512, %select_n3A_1519 : vector<128x128xi32>
    %max3A_1526 = arith.maxsi %select_n3A_1512, %select_n3A_1519 : vector<128x128xi32>
    %select_n3A_1527 = arith.select %eq3A_28, %min3A_1525, %max3A_1526 : vector<128x128xi1>, vector<128x128xi32>
    %eq3A_1528 = arith.cmpi eq, %select_n3A_1527, %select_n3A_1512 : vector<128x128xi32>
    %select_n3A_1529 = arith.select %eq3A_1528, %select_n3A_1514, %select_n3A_1524 : vector<128x128xi1>, vector<128x128xf32>
    %roll3A_1530 = arith.constant 120 : i32
    %roll3A_1531 = tpu.dynamic_rotate %select_n3A_1527 by %roll3A_1530 dim 0 : vector<128x128xi32>, i32 -> vector<128x128xi32>
    %roll3A_1532 = arith.constant 8 : i32
    %roll3A_1533 = tpu.dynamic_rotate %select_n3A_1527 by %roll3A_1532 dim 0 : vector<128x128xi32>, i32 -> vector<128x128xi32>
    %select_n3A_1534 = arith.select %eq3A_22, %roll3A_1531, %roll3A_1533 : vector<128x128xi1>, vector<128x128xi32>
    %roll3A_1535 = arith.constant 120 : i32
    %roll3A_1536 = tpu.dynamic_rotate %select_n3A_1529 by %roll3A_1535 dim 0 : vector<128x128xf32>, i32 -> vector<128x128xf32>
    %roll3A_1537 = arith.constant 8 : i32
    %roll3A_1538 = tpu.dynamic_rotate %select_n3A_1529 by %roll3A_1537 dim 0 : vector<128x128xf32>, i32 -> vector<128x128xf32>
    %select_n3A_1539 = arith.select %eq3A_22, %roll3A_1536, %roll3A_1538 : vector<128x128xi1>, vector<128x128xf32>
    %min3A_1540 = arith.minsi %select_n3A_1527, %select_n3A_1534 : vector<128x128xi32>
    %max3A_1541 = arith.maxsi %select_n3A_1527, %select_n3A_1534 : vector<128x128xi32>
    %select_n3A_1542 = arith.select %eq3A_22, %min3A_1540, %max3A_1541 : vector<128x128xi1>, vector<128x128xi32>
    %eq3A_1543 = arith.cmpi eq, %select_n3A_1542, %select_n3A_1527 : vector<128x128xi32>
    %select_n3A_1544 = arith.select %eq3A_1543, %select_n3A_1529, %select_n3A_1539 : vector<128x128xi1>, vector<128x128xf32>
    %roll3A_1545 = arith.constant 124 : i32
    %roll3A_1546 = tpu.dynamic_rotate %select_n3A_1542 by %roll3A_1545 dim 0 : vector<128x128xi32>, i32 -> vector<128x128xi32>
    %roll3A_1547 = arith.constant 4 : i32
    %roll3A_1548 = tpu.dynamic_rotate %select_n3A_1542 by %roll3A_1547 dim 0 : vector<128x128xi32>, i32 -> vector<128x128xi32>
    %select_n3A_1549 = arith.select %eq3A_16, %roll3A_1546, %roll3A_1548 : vector<128x128xi1>, vector<128x128xi32>
    %roll3A_1550 = arith.constant 124 : i32
    %roll3A_1551 = tpu.dynamic_rotate %select_n3A_1544 by %roll3A_1550 dim 0 : vector<128x128xf32>, i32 -> vector<128x128xf32>
    %roll3A_1552 = arith.constant 4 : i32
    %roll3A_1553 = tpu.dynamic_rotate %select_n3A_1544 by %roll3A_1552 dim 0 : vector<128x128xf32>, i32 -> vector<128x128xf32>
    %select_n3A_1554 = arith.select %eq3A_16, %roll3A_1551, %roll3A_1553 : vector<128x128xi1>, vector<128x128xf32>
    %min3A_1555 = arith.minsi %select_n3A_1542, %select_n3A_1549 : vector<128x128xi32>
    %max3A_1556 = arith.maxsi %select_n3A_1542, %select_n3A_1549 : vector<128x128xi32>
    %select_n3A_1557 = arith.select %eq3A_16, %min3A_1555, %max3A_1556 : vector<128x128xi1>, vector<128x128xi32>
    %eq3A_1558 = arith.cmpi eq, %select_n3A_1557, %select_n3A_1542 : vector<128x128xi32>
    %select_n3A_1559 = arith.select %eq3A_1558, %select_n3A_1544, %select_n3A_1554 : vector<128x128xi1>, vector<128x128xf32>
    %roll3A_1560 = arith.constant 126 : i32
    %roll3A_1561 = tpu.dynamic_rotate %select_n3A_1557 by %roll3A_1560 dim 0 : vector<128x128xi32>, i32 -> vector<128x128xi32>
    %roll3A_1562 = arith.constant 2 : i32
    %roll3A_1563 = tpu.dynamic_rotate %select_n3A_1557 by %roll3A_1562 dim 0 : vector<128x128xi32>, i32 -> vector<128x128xi32>
    %select_n3A_1564 = arith.select %eq3A_10, %roll3A_1561, %roll3A_1563 : vector<128x128xi1>, vector<128x128xi32>
    %roll3A_1565 = arith.constant 126 : i32
    %roll3A_1566 = tpu.dynamic_rotate %select_n3A_1559 by %roll3A_1565 dim 0 : vector<128x128xf32>, i32 -> vector<128x128xf32>
    %roll3A_1567 = arith.constant 2 : i32
    %roll3A_1568 = tpu.dynamic_rotate %select_n3A_1559 by %roll3A_1567 dim 0 : vector<128x128xf32>, i32 -> vector<128x128xf32>
    %select_n3A_1569 = arith.select %eq3A_10, %roll3A_1566, %roll3A_1568 : vector<128x128xi1>, vector<128x128xf32>
    %min3A_1570 = arith.minsi %select_n3A_1557, %select_n3A_1564 : vector<128x128xi32>
    %max3A_1571 = arith.maxsi %select_n3A_1557, %select_n3A_1564 : vector<128x128xi32>
    %select_n3A_1572 = arith.select %eq3A_10, %min3A_1570, %max3A_1571 : vector<128x128xi1>, vector<128x128xi32>
    %eq3A_1573 = arith.cmpi eq, %select_n3A_1572, %select_n3A_1557 : vector<128x128xi32>
    %select_n3A_1574 = arith.select %eq3A_1573, %select_n3A_1559, %select_n3A_1569 : vector<128x128xi1>, vector<128x128xf32>
    %roll3A_1575 = arith.constant 127 : i32
    %roll3A_1576 = tpu.dynamic_rotate %select_n3A_1572 by %roll3A_1575 dim 0 : vector<128x128xi32>, i32 -> vector<128x128xi32>
    %roll3A_1577 = arith.constant 1 : i32
    %roll3A_1578 = tpu.dynamic_rotate %select_n3A_1572 by %roll3A_1577 dim 0 : vector<128x128xi32>, i32 -> vector<128x128xi32>
    %select_n3A_1579 = arith.select %eq3A_4, %roll3A_1576, %roll3A_1578 : vector<128x128xi1>, vector<128x128xi32>
    %roll3A_1580 = arith.constant 127 : i32
    %roll3A_1581 = tpu.dynamic_rotate %select_n3A_1574 by %roll3A_1580 dim 0 : vector<128x128xf32>, i32 -> vector<128x128xf32>
    %roll3A_1582 = arith.constant 1 : i32
    %roll3A_1583 = tpu.dynamic_rotate %select_n3A_1574 by %roll3A_1582 dim 0 : vector<128x128xf32>, i32 -> vector<128x128xf32>
    %select_n3A_1584 = arith.select %eq3A_4, %roll3A_1581, %roll3A_1583 : vector<128x128xi1>, vector<128x128xf32>
    %min3A_1585 = arith.minsi %select_n3A_1572, %select_n3A_1579 : vector<128x128xi32>
    %max3A_1586 = arith.maxsi %select_n3A_1572, %select_n3A_1579 : vector<128x128xi32>
    %select_n3A_1587 = arith.select %eq3A_4, %min3A_1585, %max3A_1586 : vector<128x128xi1>, vector<128x128xi32>
    %eq3A_1588 = arith.cmpi eq, %select_n3A_1587, %select_n3A_1572 : vector<128x128xi32>
    %select_n3A_1589 = arith.select %eq3A_1588, %select_n3A_1574, %select_n3A_1584 : vector<128x128xi1>, vector<128x128xf32>
    %broadcast_in_dim3A_1590 = arith.constant 0 : i32
    %broadcast_in_dim3A_1591 = vector.broadcast %broadcast_in_dim3A_1590 : i32 to vector<128x128xi32>
    %xor3A_1592 = arith.xori %broadcast_in_dim3A_1591, %neg3A_1392 : vector<128x128xi32>
    %xor3A_1593 = arith.xori %select_n3A_1587, %xor3A_1592 : vector<128x128xi32>
    %roll3A_1594 = arith.constant 64 : i32
    %roll3A_1595 = tpu.dynamic_rotate %xor3A_1593 by %roll3A_1594 dim 1 : vector<128x128xi32>, i32 -> vector<128x128xi32>
    %roll3A_1596 = arith.constant 64 : i32
    %roll3A_1597 = tpu.dynamic_rotate %xor3A_1593 by %roll3A_1596 dim 1 : vector<128x128xi32>, i32 -> vector<128x128xi32>
    %select_n3A_1598 = arith.select %eq3A_82, %roll3A_1595, %roll3A_1597 : vector<128x128xi1>, vector<128x128xi32>
    %roll3A_1599 = arith.constant 64 : i32
    %roll3A_1600 = tpu.dynamic_rotate %select_n3A_1589 by %roll3A_1599 dim 1 : vector<128x128xf32>, i32 -> vector<128x128xf32>
    %roll3A_1601 = arith.constant 64 : i32
    %roll3A_1602 = tpu.dynamic_rotate %select_n3A_1589 by %roll3A_1601 dim 1 : vector<128x128xf32>, i32 -> vector<128x128xf32>
    %select_n3A_1603 = arith.select %eq3A_82, %roll3A_1600, %roll3A_1602 : vector<128x128xi1>, vector<128x128xf32>
    %min3A_1604 = arith.minsi %xor3A_1593, %select_n3A_1598 : vector<128x128xi32>
    %max3A_1605 = arith.maxsi %xor3A_1593, %select_n3A_1598 : vector<128x128xi32>
    %select_n3A_1606 = arith.select %eq3A_82, %min3A_1604, %max3A_1605 : vector<128x128xi1>, vector<128x128xi32>
    %eq3A_1607 = arith.cmpi eq, %select_n3A_1606, %xor3A_1593 : vector<128x128xi32>
    %select_n3A_1608 = arith.select %eq3A_1607, %select_n3A_1589, %select_n3A_1603 : vector<128x128xi1>, vector<128x128xf32>
    %roll3A_1609 = arith.constant 96 : i32
    %roll3A_1610 = tpu.dynamic_rotate %select_n3A_1606 by %roll3A_1609 dim 1 : vector<128x128xi32>, i32 -> vector<128x128xi32>
    %roll3A_1611 = arith.constant 32 : i32
    %roll3A_1612 = tpu.dynamic_rotate %select_n3A_1606 by %roll3A_1611 dim 1 : vector<128x128xi32>, i32 -> vector<128x128xi32>
    %select_n3A_1613 = arith.select %eq3A_76, %roll3A_1610, %roll3A_1612 : vector<128x128xi1>, vector<128x128xi32>
    %roll3A_1614 = arith.constant 96 : i32
    %roll3A_1615 = tpu.dynamic_rotate %select_n3A_1608 by %roll3A_1614 dim 1 : vector<128x128xf32>, i32 -> vector<128x128xf32>
    %roll3A_1616 = arith.constant 32 : i32
    %roll3A_1617 = tpu.dynamic_rotate %select_n3A_1608 by %roll3A_1616 dim 1 : vector<128x128xf32>, i32 -> vector<128x128xf32>
    %select_n3A_1618 = arith.select %eq3A_76, %roll3A_1615, %roll3A_1617 : vector<128x128xi1>, vector<128x128xf32>
    %min3A_1619 = arith.minsi %select_n3A_1606, %select_n3A_1613 : vector<128x128xi32>
    %max3A_1620 = arith.maxsi %select_n3A_1606, %select_n3A_1613 : vector<128x128xi32>
    %select_n3A_1621 = arith.select %eq3A_76, %min3A_1619, %max3A_1620 : vector<128x128xi1>, vector<128x128xi32>
    %eq3A_1622 = arith.cmpi eq, %select_n3A_1621, %select_n3A_1606 : vector<128x128xi32>
    %select_n3A_1623 = arith.select %eq3A_1622, %select_n3A_1608, %select_n3A_1618 : vector<128x128xi1>, vector<128x128xf32>
    %roll3A_1624 = arith.constant 112 : i32
    %roll3A_1625 = tpu.dynamic_rotate %select_n3A_1621 by %roll3A_1624 dim 1 : vector<128x128xi32>, i32 -> vector<128x128xi32>
    %roll3A_1626 = arith.constant 16 : i32
    %roll3A_1627 = tpu.dynamic_rotate %select_n3A_1621 by %roll3A_1626 dim 1 : vector<128x128xi32>, i32 -> vector<128x128xi32>
    %select_n3A_1628 = arith.select %eq3A_70, %roll3A_1625, %roll3A_1627 : vector<128x128xi1>, vector<128x128xi32>
    %roll3A_1629 = arith.constant 112 : i32
    %roll3A_1630 = tpu.dynamic_rotate %select_n3A_1623 by %roll3A_1629 dim 1 : vector<128x128xf32>, i32 -> vector<128x128xf32>
    %roll3A_1631 = arith.constant 16 : i32
    %roll3A_1632 = tpu.dynamic_rotate %select_n3A_1623 by %roll3A_1631 dim 1 : vector<128x128xf32>, i32 -> vector<128x128xf32>
    %select_n3A_1633 = arith.select %eq3A_70, %roll3A_1630, %roll3A_1632 : vector<128x128xi1>, vector<128x128xf32>
    %min3A_1634 = arith.minsi %select_n3A_1621, %select_n3A_1628 : vector<128x128xi32>
    %max3A_1635 = arith.maxsi %select_n3A_1621, %select_n3A_1628 : vector<128x128xi32>
    %select_n3A_1636 = arith.select %eq3A_70, %min3A_1634, %max3A_1635 : vector<128x128xi1>, vector<128x128xi32>
    %eq3A_1637 = arith.cmpi eq, %select_n3A_1636, %select_n3A_1621 : vector<128x128xi32>
    %select_n3A_1638 = arith.select %eq3A_1637, %select_n3A_1623, %select_n3A_1633 : vector<128x128xi1>, vector<128x128xf32>
    %roll3A_1639 = arith.constant 120 : i32
    %roll3A_1640 = tpu.dynamic_rotate %select_n3A_1636 by %roll3A_1639 dim 1 : vector<128x128xi32>, i32 -> vector<128x128xi32>
    %roll3A_1641 = arith.constant 8 : i32
    %roll3A_1642 = tpu.dynamic_rotate %select_n3A_1636 by %roll3A_1641 dim 1 : vector<128x128xi32>, i32 -> vector<128x128xi32>
    %select_n3A_1643 = arith.select %eq3A_64, %roll3A_1640, %roll3A_1642 : vector<128x128xi1>, vector<128x128xi32>
    %roll3A_1644 = arith.constant 120 : i32
    %roll3A_1645 = tpu.dynamic_rotate %select_n3A_1638 by %roll3A_1644 dim 1 : vector<128x128xf32>, i32 -> vector<128x128xf32>
    %roll3A_1646 = arith.constant 8 : i32
    %roll3A_1647 = tpu.dynamic_rotate %select_n3A_1638 by %roll3A_1646 dim 1 : vector<128x128xf32>, i32 -> vector<128x128xf32>
    %select_n3A_1648 = arith.select %eq3A_64, %roll3A_1645, %roll3A_1647 : vector<128x128xi1>, vector<128x128xf32>
    %min3A_1649 = arith.minsi %select_n3A_1636, %select_n3A_1643 : vector<128x128xi32>
    %max3A_1650 = arith.maxsi %select_n3A_1636, %select_n3A_1643 : vector<128x128xi32>
    %select_n3A_1651 = arith.select %eq3A_64, %min3A_1649, %max3A_1650 : vector<128x128xi1>, vector<128x128xi32>
    %eq3A_1652 = arith.cmpi eq, %select_n3A_1651, %select_n3A_1636 : vector<128x128xi32>
    %select_n3A_1653 = arith.select %eq3A_1652, %select_n3A_1638, %select_n3A_1648 : vector<128x128xi1>, vector<128x128xf32>
    %roll3A_1654 = arith.constant 124 : i32
    %roll3A_1655 = tpu.dynamic_rotate %select_n3A_1651 by %roll3A_1654 dim 1 : vector<128x128xi32>, i32 -> vector<128x128xi32>
    %roll3A_1656 = arith.constant 4 : i32
    %roll3A_1657 = tpu.dynamic_rotate %select_n3A_1651 by %roll3A_1656 dim 1 : vector<128x128xi32>, i32 -> vector<128x128xi32>
    %select_n3A_1658 = arith.select %eq3A_58, %roll3A_1655, %roll3A_1657 : vector<128x128xi1>, vector<128x128xi32>
    %roll3A_1659 = arith.constant 124 : i32
    %roll3A_1660 = tpu.dynamic_rotate %select_n3A_1653 by %roll3A_1659 dim 1 : vector<128x128xf32>, i32 -> vector<128x128xf32>
    %roll3A_1661 = arith.constant 4 : i32
    %roll3A_1662 = tpu.dynamic_rotate %select_n3A_1653 by %roll3A_1661 dim 1 : vector<128x128xf32>, i32 -> vector<128x128xf32>
    %select_n3A_1663 = arith.select %eq3A_58, %roll3A_1660, %roll3A_1662 : vector<128x128xi1>, vector<128x128xf32>
    %min3A_1664 = arith.minsi %select_n3A_1651, %select_n3A_1658 : vector<128x128xi32>
    %max3A_1665 = arith.maxsi %select_n3A_1651, %select_n3A_1658 : vector<128x128xi32>
    %select_n3A_1666 = arith.select %eq3A_58, %min3A_1664, %max3A_1665 : vector<128x128xi1>, vector<128x128xi32>
    %eq3A_1667 = arith.cmpi eq, %select_n3A_1666, %select_n3A_1651 : vector<128x128xi32>
    %select_n3A_1668 = arith.select %eq3A_1667, %select_n3A_1653, %select_n3A_1663 : vector<128x128xi1>, vector<128x128xf32>
    %roll3A_1669 = arith.constant 126 : i32
    %roll3A_1670 = tpu.dynamic_rotate %select_n3A_1666 by %roll3A_1669 dim 1 : vector<128x128xi32>, i32 -> vector<128x128xi32>
    %roll3A_1671 = arith.constant 2 : i32
    %roll3A_1672 = tpu.dynamic_rotate %select_n3A_1666 by %roll3A_1671 dim 1 : vector<128x128xi32>, i32 -> vector<128x128xi32>
    %select_n3A_1673 = arith.select %eq3A_52, %roll3A_1670, %roll3A_1672 : vector<128x128xi1>, vector<128x128xi32>
    %roll3A_1674 = arith.constant 126 : i32
    %roll3A_1675 = tpu.dynamic_rotate %select_n3A_1668 by %roll3A_1674 dim 1 : vector<128x128xf32>, i32 -> vector<128x128xf32>
    %roll3A_1676 = arith.constant 2 : i32
    %roll3A_1677 = tpu.dynamic_rotate %select_n3A_1668 by %roll3A_1676 dim 1 : vector<128x128xf32>, i32 -> vector<128x128xf32>
    %select_n3A_1678 = arith.select %eq3A_52, %roll3A_1675, %roll3A_1677 : vector<128x128xi1>, vector<128x128xf32>
    %min3A_1679 = arith.minsi %select_n3A_1666, %select_n3A_1673 : vector<128x128xi32>
    %max3A_1680 = arith.maxsi %select_n3A_1666, %select_n3A_1673 : vector<128x128xi32>
    %select_n3A_1681 = arith.select %eq3A_52, %min3A_1679, %max3A_1680 : vector<128x128xi1>, vector<128x128xi32>
    %eq3A_1682 = arith.cmpi eq, %select_n3A_1681, %select_n3A_1666 : vector<128x128xi32>
    %select_n3A_1683 = arith.select %eq3A_1682, %select_n3A_1668, %select_n3A_1678 : vector<128x128xi1>, vector<128x128xf32>
    %roll3A_1684 = arith.constant 127 : i32
    %roll3A_1685 = tpu.dynamic_rotate %select_n3A_1681 by %roll3A_1684 dim 1 : vector<128x128xi32>, i32 -> vector<128x128xi32>
    %roll3A_1686 = arith.constant 1 : i32
    %roll3A_1687 = tpu.dynamic_rotate %select_n3A_1681 by %roll3A_1686 dim 1 : vector<128x128xi32>, i32 -> vector<128x128xi32>
    %select_n3A_1688 = arith.select %eq3A_46, %roll3A_1685, %roll3A_1687 : vector<128x128xi1>, vector<128x128xi32>
    %roll3A_1689 = arith.constant 127 : i32
    %roll3A_1690 = tpu.dynamic_rotate %select_n3A_1683 by %roll3A_1689 dim 1 : vector<128x128xf32>, i32 -> vector<128x128xf32>
    %roll3A_1691 = arith.constant 1 : i32
    %roll3A_1692 = tpu.dynamic_rotate %select_n3A_1683 by %roll3A_1691 dim 1 : vector<128x128xf32>, i32 -> vector<128x128xf32>
    %select_n3A_1693 = arith.select %eq3A_46, %roll3A_1690, %roll3A_1692 : vector<128x128xi1>, vector<128x128xf32>
    %min3A_1694 = arith.minsi %select_n3A_1681, %select_n3A_1688 : vector<128x128xi32>
    %max3A_1695 = arith.maxsi %select_n3A_1681, %select_n3A_1688 : vector<128x128xi32>
    %select_n3A_1696 = arith.select %eq3A_46, %min3A_1694, %max3A_1695 : vector<128x128xi1>, vector<128x128xi32>
    %eq3A_1697 = arith.cmpi eq, %select_n3A_1696, %select_n3A_1681 : vector<128x128xi32>
    %select_n3A_1698 = arith.select %eq3A_1697, %select_n3A_1683, %select_n3A_1693 : vector<128x128xi1>, vector<128x128xf32>
    %roll3A_1699 = arith.constant 64 : i32
    %roll3A_1700 = tpu.dynamic_rotate %select_n3A_1696 by %roll3A_1699 dim 0 : vector<128x128xi32>, i32 -> vector<128x128xi32>
    %roll3A_1701 = arith.constant 64 : i32
    %roll3A_1702 = tpu.dynamic_rotate %select_n3A_1696 by %roll3A_1701 dim 0 : vector<128x128xi32>, i32 -> vector<128x128xi32>
    %select_n3A_1703 = arith.select %eq3A_40, %roll3A_1700, %roll3A_1702 : vector<128x128xi1>, vector<128x128xi32>
    %roll3A_1704 = arith.constant 64 : i32
    %roll3A_1705 = tpu.dynamic_rotate %select_n3A_1698 by %roll3A_1704 dim 0 : vector<128x128xf32>, i32 -> vector<128x128xf32>
    %roll3A_1706 = arith.constant 64 : i32
    %roll3A_1707 = tpu.dynamic_rotate %select_n3A_1698 by %roll3A_1706 dim 0 : vector<128x128xf32>, i32 -> vector<128x128xf32>
    %select_n3A_1708 = arith.select %eq3A_40, %roll3A_1705, %roll3A_1707 : vector<128x128xi1>, vector<128x128xf32>
    %min3A_1709 = arith.minsi %select_n3A_1696, %select_n3A_1703 : vector<128x128xi32>
    %max3A_1710 = arith.maxsi %select_n3A_1696, %select_n3A_1703 : vector<128x128xi32>
    %select_n3A_1711 = arith.select %eq3A_40, %min3A_1709, %max3A_1710 : vector<128x128xi1>, vector<128x128xi32>
    %eq3A_1712 = arith.cmpi eq, %select_n3A_1711, %select_n3A_1696 : vector<128x128xi32>
    %select_n3A_1713 = arith.select %eq3A_1712, %select_n3A_1698, %select_n3A_1708 : vector<128x128xi1>, vector<128x128xf32>
    %roll3A_1714 = arith.constant 96 : i32
    %roll3A_1715 = tpu.dynamic_rotate %select_n3A_1711 by %roll3A_1714 dim 0 : vector<128x128xi32>, i32 -> vector<128x128xi32>
    %roll3A_1716 = arith.constant 32 : i32
    %roll3A_1717 = tpu.dynamic_rotate %select_n3A_1711 by %roll3A_1716 dim 0 : vector<128x128xi32>, i32 -> vector<128x128xi32>
    %select_n3A_1718 = arith.select %eq3A_34, %roll3A_1715, %roll3A_1717 : vector<128x128xi1>, vector<128x128xi32>
    %roll3A_1719 = arith.constant 96 : i32
    %roll3A_1720 = tpu.dynamic_rotate %select_n3A_1713 by %roll3A_1719 dim 0 : vector<128x128xf32>, i32 -> vector<128x128xf32>
    %roll3A_1721 = arith.constant 32 : i32
    %roll3A_1722 = tpu.dynamic_rotate %select_n3A_1713 by %roll3A_1721 dim 0 : vector<128x128xf32>, i32 -> vector<128x128xf32>
    %select_n3A_1723 = arith.select %eq3A_34, %roll3A_1720, %roll3A_1722 : vector<128x128xi1>, vector<128x128xf32>
    %min3A_1724 = arith.minsi %select_n3A_1711, %select_n3A_1718 : vector<128x128xi32>
    %max3A_1725 = arith.maxsi %select_n3A_1711, %select_n3A_1718 : vector<128x128xi32>
    %select_n3A_1726 = arith.select %eq3A_34, %min3A_1724, %max3A_1725 : vector<128x128xi1>, vector<128x128xi32>
    %eq3A_1727 = arith.cmpi eq, %select_n3A_1726, %select_n3A_1711 : vector<128x128xi32>
    %select_n3A_1728 = arith.select %eq3A_1727, %select_n3A_1713, %select_n3A_1723 : vector<128x128xi1>, vector<128x128xf32>
    %roll3A_1729 = arith.constant 112 : i32
    %roll3A_1730 = tpu.dynamic_rotate %select_n3A_1726 by %roll3A_1729 dim 0 : vector<128x128xi32>, i32 -> vector<128x128xi32>
    %roll3A_1731 = arith.constant 16 : i32
    %roll3A_1732 = tpu.dynamic_rotate %select_n3A_1726 by %roll3A_1731 dim 0 : vector<128x128xi32>, i32 -> vector<128x128xi32>
    %select_n3A_1733 = arith.select %eq3A_28, %roll3A_1730, %roll3A_1732 : vector<128x128xi1>, vector<128x128xi32>
    %roll3A_1734 = arith.constant 112 : i32
    %roll3A_1735 = tpu.dynamic_rotate %select_n3A_1728 by %roll3A_1734 dim 0 : vector<128x128xf32>, i32 -> vector<128x128xf32>
    %roll3A_1736 = arith.constant 16 : i32
    %roll3A_1737 = tpu.dynamic_rotate %select_n3A_1728 by %roll3A_1736 dim 0 : vector<128x128xf32>, i32 -> vector<128x128xf32>
    %select_n3A_1738 = arith.select %eq3A_28, %roll3A_1735, %roll3A_1737 : vector<128x128xi1>, vector<128x128xf32>
    %min3A_1739 = arith.minsi %select_n3A_1726, %select_n3A_1733 : vector<128x128xi32>
    %max3A_1740 = arith.maxsi %select_n3A_1726, %select_n3A_1733 : vector<128x128xi32>
    %select_n3A_1741 = arith.select %eq3A_28, %min3A_1739, %max3A_1740 : vector<128x128xi1>, vector<128x128xi32>
    %eq3A_1742 = arith.cmpi eq, %select_n3A_1741, %select_n3A_1726 : vector<128x128xi32>
    %select_n3A_1743 = arith.select %eq3A_1742, %select_n3A_1728, %select_n3A_1738 : vector<128x128xi1>, vector<128x128xf32>
    %roll3A_1744 = arith.constant 120 : i32
    %roll3A_1745 = tpu.dynamic_rotate %select_n3A_1741 by %roll3A_1744 dim 0 : vector<128x128xi32>, i32 -> vector<128x128xi32>
    %roll3A_1746 = arith.constant 8 : i32
    %roll3A_1747 = tpu.dynamic_rotate %select_n3A_1741 by %roll3A_1746 dim 0 : vector<128x128xi32>, i32 -> vector<128x128xi32>
    %select_n3A_1748 = arith.select %eq3A_22, %roll3A_1745, %roll3A_1747 : vector<128x128xi1>, vector<128x128xi32>
    %roll3A_1749 = arith.constant 120 : i32
    %roll3A_1750 = tpu.dynamic_rotate %select_n3A_1743 by %roll3A_1749 dim 0 : vector<128x128xf32>, i32 -> vector<128x128xf32>
    %roll3A_1751 = arith.constant 8 : i32
    %roll3A_1752 = tpu.dynamic_rotate %select_n3A_1743 by %roll3A_1751 dim 0 : vector<128x128xf32>, i32 -> vector<128x128xf32>
    %select_n3A_1753 = arith.select %eq3A_22, %roll3A_1750, %roll3A_1752 : vector<128x128xi1>, vector<128x128xf32>
    %min3A_1754 = arith.minsi %select_n3A_1741, %select_n3A_1748 : vector<128x128xi32>
    %max3A_1755 = arith.maxsi %select_n3A_1741, %select_n3A_1748 : vector<128x128xi32>
    %select_n3A_1756 = arith.select %eq3A_22, %min3A_1754, %max3A_1755 : vector<128x128xi1>, vector<128x128xi32>
    %eq3A_1757 = arith.cmpi eq, %select_n3A_1756, %select_n3A_1741 : vector<128x128xi32>
    %select_n3A_1758 = arith.select %eq3A_1757, %select_n3A_1743, %select_n3A_1753 : vector<128x128xi1>, vector<128x128xf32>
    %roll3A_1759 = arith.constant 124 : i32
    %roll3A_1760 = tpu.dynamic_rotate %select_n3A_1756 by %roll3A_1759 dim 0 : vector<128x128xi32>, i32 -> vector<128x128xi32>
    %roll3A_1761 = arith.constant 4 : i32
    %roll3A_1762 = tpu.dynamic_rotate %select_n3A_1756 by %roll3A_1761 dim 0 : vector<128x128xi32>, i32 -> vector<128x128xi32>
    %select_n3A_1763 = arith.select %eq3A_16, %roll3A_1760, %roll3A_1762 : vector<128x128xi1>, vector<128x128xi32>
    %roll3A_1764 = arith.constant 124 : i32
    %roll3A_1765 = tpu.dynamic_rotate %select_n3A_1758 by %roll3A_1764 dim 0 : vector<128x128xf32>, i32 -> vector<128x128xf32>
    %roll3A_1766 = arith.constant 4 : i32
    %roll3A_1767 = tpu.dynamic_rotate %select_n3A_1758 by %roll3A_1766 dim 0 : vector<128x128xf32>, i32 -> vector<128x128xf32>
    %select_n3A_1768 = arith.select %eq3A_16, %roll3A_1765, %roll3A_1767 : vector<128x128xi1>, vector<128x128xf32>
    %min3A_1769 = arith.minsi %select_n3A_1756, %select_n3A_1763 : vector<128x128xi32>
    %max3A_1770 = arith.maxsi %select_n3A_1756, %select_n3A_1763 : vector<128x128xi32>
    %select_n3A_1771 = arith.select %eq3A_16, %min3A_1769, %max3A_1770 : vector<128x128xi1>, vector<128x128xi32>
    %eq3A_1772 = arith.cmpi eq, %select_n3A_1771, %select_n3A_1756 : vector<128x128xi32>
    %select_n3A_1773 = arith.select %eq3A_1772, %select_n3A_1758, %select_n3A_1768 : vector<128x128xi1>, vector<128x128xf32>
    %roll3A_1774 = arith.constant 126 : i32
    %roll3A_1775 = tpu.dynamic_rotate %select_n3A_1771 by %roll3A_1774 dim 0 : vector<128x128xi32>, i32 -> vector<128x128xi32>
    %roll3A_1776 = arith.constant 2 : i32
    %roll3A_1777 = tpu.dynamic_rotate %select_n3A_1771 by %roll3A_1776 dim 0 : vector<128x128xi32>, i32 -> vector<128x128xi32>
    %select_n3A_1778 = arith.select %eq3A_10, %roll3A_1775, %roll3A_1777 : vector<128x128xi1>, vector<128x128xi32>
    %roll3A_1779 = arith.constant 126 : i32
    %roll3A_1780 = tpu.dynamic_rotate %select_n3A_1773 by %roll3A_1779 dim 0 : vector<128x128xf32>, i32 -> vector<128x128xf32>
    %roll3A_1781 = arith.constant 2 : i32
    %roll3A_1782 = tpu.dynamic_rotate %select_n3A_1773 by %roll3A_1781 dim 0 : vector<128x128xf32>, i32 -> vector<128x128xf32>
    %select_n3A_1783 = arith.select %eq3A_10, %roll3A_1780, %roll3A_1782 : vector<128x128xi1>, vector<128x128xf32>
    %min3A_1784 = arith.minsi %select_n3A_1771, %select_n3A_1778 : vector<128x128xi32>
    %max3A_1785 = arith.maxsi %select_n3A_1771, %select_n3A_1778 : vector<128x128xi32>
    %select_n3A_1786 = arith.select %eq3A_10, %min3A_1784, %max3A_1785 : vector<128x128xi1>, vector<128x128xi32>
    %eq3A_1787 = arith.cmpi eq, %select_n3A_1786, %select_n3A_1771 : vector<128x128xi32>
    %select_n3A_1788 = arith.select %eq3A_1787, %select_n3A_1773, %select_n3A_1783 : vector<128x128xi1>, vector<128x128xf32>
    %roll3A_1789 = arith.constant 127 : i32
    %roll3A_1790 = tpu.dynamic_rotate %select_n3A_1786 by %roll3A_1789 dim 0 : vector<128x128xi32>, i32 -> vector<128x128xi32>
    %roll3A_1791 = arith.constant 1 : i32
    %roll3A_1792 = tpu.dynamic_rotate %select_n3A_1786 by %roll3A_1791 dim 0 : vector<128x128xi32>, i32 -> vector<128x128xi32>
    %select_n3A_1793 = arith.select %eq3A_4, %roll3A_1790, %roll3A_1792 : vector<128x128xi1>, vector<128x128xi32>
    %roll3A_1794 = arith.constant 127 : i32
    %roll3A_1795 = tpu.dynamic_rotate %select_n3A_1788 by %roll3A_1794 dim 0 : vector<128x128xf32>, i32 -> vector<128x128xf32>
    %roll3A_1796 = arith.constant 1 : i32
    %roll3A_1797 = tpu.dynamic_rotate %select_n3A_1788 by %roll3A_1796 dim 0 : vector<128x128xf32>, i32 -> vector<128x128xf32>
    %select_n3A_1798 = arith.select %eq3A_4, %roll3A_1795, %roll3A_1797 : vector<128x128xi1>, vector<128x128xf32>
    %min3A_1799 = arith.minsi %select_n3A_1786, %select_n3A_1793 : vector<128x128xi32>
    %max3A_1800 = arith.maxsi %select_n3A_1786, %select_n3A_1793 : vector<128x128xi32>
    %select_n3A_1801 = arith.select %eq3A_4, %min3A_1799, %max3A_1800 : vector<128x128xi1>, vector<128x128xi32>
    %eq3A_1802 = arith.cmpi eq, %select_n3A_1801, %select_n3A_1786 : vector<128x128xi32>
    %select_n3A_1803 = arith.select %eq3A_1802, %select_n3A_1788, %select_n3A_1798 : vector<128x128xi1>, vector<128x128xf32>
    %reduce_max3A = vector.shape_cast %select_n3A_1803 : vector<128x128xf32> to vector<1x128x128xf32>
    %reduce_max3A_1804 = arith.constant dense<0xFF800000> : vector<1xf32>
    %reduce_max3A_1805 = vector.multi_reduction <maximumf>, %reduce_max3A, %reduce_max3A_1804 [1, 2] : vector<1x128x128xf32> to vector<1xf32>
    %reduce_max3A_1806 = vector.shape_cast %reduce_max3A_1805 : vector<1xf32> to vector<1x1x1xf32>
    %reduce_max3A_1807 = vector.extract %reduce_max3A_1806[0, 0, 0] : f32 from vector<1x1x1xf32>
    %reduce_sum3A = vector.shape_cast %select_n3A_1803 : vector<128x128xf32> to vector<1x128x128xf32>
    %reduce_sum3A_1808 = arith.constant dense<0.000000e+00> : vector<1xf32>
    %reduce_sum3A_1809 = vector.multi_reduction <add>, %reduce_sum3A, %reduce_sum3A_1808 [1, 2] : vector<1x128x128xf32> to vector<1xf32>
    %reduce_sum3A_1810 = vector.shape_cast %reduce_sum3A_1809 : vector<1xf32> to vector<1x1x1xf32>
    %reduce_sum3A_1811 = vector.extract %reduce_sum3A_1810[0, 0, 0] : f32 from vector<1x1x1xf32>
    %mul3A = arith.constant 1.638400e+04 : f32
    %mul3A_1812 = arith.mulf %mul3A, %reduce_max3A_1807 : f32
    %sub3A = arith.subf %reduce_sum3A_1811, %mul3A_1812 : f32
    %sub3A_1813 = vector.broadcast %reduce_max3A_1807 : f32 to vector<128x128xf32>
    %sub3A_1814 = arith.subf %select_n3A_1803, %sub3A_1813 : vector<128x128xf32>
    %exp3A = math.exp %sub3A_1814 : vector<128x128xf32>
    %get3A_1815 = arith.constant 0 : index
    %get3A_1816 = arith.constant 0 : index
    %get3A_1817 = vector.load %arg2[%get3A_1815, %get3A_1816] : memref<128x128xf32, #tpu.memory_space<vmem>>, vector<128x128xf32>
    %dot_general3A = arith.constant dense<0.000000e+00> : vector<128x128xf32>
    %dot_general3A_1818 = tpu.matmul %get3A_1817, %exp3A, %dot_general3A {dimension_numbers = #tpu.dot_dimension_numbers<[1], [0], [0], [1], [0, 0, 1, 1], [], []>, transpose_lhs_hint = false} : vector<128x128xf32>, vector<128x128xf32>, vector<128x128xf32> -> vector<128x128xf32>
    %reduce_sum3A_1819 = arith.constant dense<0.000000e+00> : vector<128xf32>
    %reduce_sum3A_1820 = vector.multi_reduction <add>, %exp3A, %reduce_sum3A_1819 [0] : vector<128x128xf32> to vector<128xf32>
    %broadcast_in_dim3A_1821 = vector.shape_cast %reduce_sum3A_1820 : vector<128xf32> to vector<1x128xf32>
    %get3A_1822 = arith.constant 0 : index
    %get3A_1823 = arith.constant 0 : index
    %get3A_1824 = vector.load %arg3[%get3A_1822, %get3A_1823] : memref<128x128xf32, #tpu.memory_space<vmem>>, vector<128x128xf32>
    %dot_general3A_1825 = arith.constant dense<0.000000e+00> : vector<1x128xf32>
    %dot_general3A_1826 = tpu.matmul %broadcast_in_dim3A_1821, %get3A_1824, %dot_general3A_1825 {dimension_numbers = #tpu.dot_dimension_numbers<[1], [0], [0], [1], [0, 0, 1, 1], [], []>, transpose_lhs_hint = false} : vector<1x128xf32>, vector<128x128xf32>, vector<1x128xf32> -> vector<1x128xf32>
    %add3A = vector.broadcast %dot_general3A_1826 : vector<1x128xf32> to vector<128x128xf32>
    %add3A_1827 = arith.addf %dot_general3A_1818, %add3A : vector<128x128xf32>
    %log3A = math.log %add3A_1827 : vector<128x128xf32>
    %reduce_sum3A_1828 = vector.shape_cast %log3A : vector<128x128xf32> to vector<1x128x128xf32>
    %reduce_sum3A_1829 = arith.constant dense<0.000000e+00> : vector<1xf32>
    %reduce_sum3A_1830 = vector.multi_reduction <add>, %reduce_sum3A_1828, %reduce_sum3A_1829 [1, 2] : vector<1x128x128xf32> to vector<1xf32>
    %reduce_sum3A_1831 = vector.shape_cast %reduce_sum3A_1830 : vector<1xf32> to vector<1x1x1xf32>
    %reduce_sum3A_1832 = vector.extract %reduce_sum3A_1831[0, 0, 0] : f32 from vector<1x1x1xf32>
    %broadcast_in_dim3A_1833 = vector.broadcast %reduce_sum3A_1832 : f32 to vector<1x1xf32>
    %sub3A_1834 = vector.broadcast %sub3A : f32 to vector<1x1xf32>
    %sub3A_1835 = arith.subf %broadcast_in_dim3A_1833, %sub3A_1834 : vector<1x1xf32>
    %div3A = arith.constant 1.638400e+04 : f32
    %div3A_1836 = vector.broadcast %div3A : f32 to vector<1x1xf32>
    %div3A_1837 = arith.divf %sub3A_1835, %div3A_1836 : vector<1x1xf32>
    %swap3A = arith.constant 0 : index
    %swap3A_1838 = arith.constant 0 : index
    %swap3A_1839 = vector.load %arg4[%swap3A, %swap3A_1838] : memref<1x1xf32, #tpu.memory_space<vmem>>, vector<1x1xf32>
    tpu.vector_store %arg4[%swap3A, %swap3A_1838], %div3A_1837 {strides = array<i32>} : memref<1x1xf32, #tpu.memory_space<vmem>>, vector<1x1xf32>,
    return
  }
}

</mosaic_0001>

<sc_bundles>
// kernel: kernel.4.cloned.1.call-start
scs
__scs_entry_jumppad:
0x0: {  	(pc) =	sbr.rel $0x88, $3  }
0x1: {  	(tag) =	ssettag $0x0;
	lr =	simm.s32 $0x1  }
0x2: {  	[smem:$0x3F9F] =	sst lr;
	_ =	strace $0xD0000000  }
0x3: {  	_ = 	snop  }
0x4: {  	_ = 	snop  }
0x5: {  	_ = 	snop  }
0x6: {  	_ = 	snop  }
0x7: {  	_ = 	snop  }
__scs_overlays_trampoline_lowered:
0x8: {  	[smem:$0x3FAE] =	sst s0  }
0x9: {  	[smem:$0x3FAF] =	sst s1  }
0xa: {  	[smem:$0x3FB0] =	sst s2  }
0xb: {  	[smem:$0x3FB1] =	sst s3  }
0xc: {  	[smem:$0x3FB2] =	sst s4  }
0xd: {  	[smem:$0x3FB3] =	sst s5  }
0xe: {  	[smem:$0x3FB4] =	sst s6  }
0xf: {  	[smem:$0x3FB5] =	sst s7  }
0x10: {  	[smem:$0x3FB6] =	sst s8  }
0x11: {  	[smem:$0x3FB7] =	sst s9;
	s0 =	simm.s32 @!p0 $0x0  }
0x12: {  	s1 =	sld [smem:$0x3F9D];
	s0 =	simm.s32 @p0 $0x1  }
0x13: {  	[smem:$0x3FB8] =	sst s0;
	s0 =	simm.s32 @!p1 $0x0  }
0x14: {  	s2 =	sld [smem:$0x3F9C];
	s0 =	simm.s32 @p1 $0x1  }
0x15: {  	[smem:$0x3FB9] =	sst s0;
	s0 =	simm.s32 @!p2 $0x0  }
0x16: {  	s3 =	sld [smem:$0x3FDB];
	s0 =	simm.s32 @p2 $0x1  }
0x17: {  	s4 =	simm.s32 $0x1BF5;
	[smem:$0x3FBB] =	sst s0  }
0x18: {  	s0 =	sld [smem:$0x3F9E];
	_ =	swait.ge [sflag:s4], $0x0  }
0x19: {  	s7 =	sld [smem:$0x3F9F]  }
0x1a: {  	s8 =	sadd.s32 $0xFFFFE003, lr  }
0x1b: {  	s9 =	sadd.s32 $0xFFFFFEF7, lr;
	s5 =	simm.s32 $0xFFFFFFFF;
	p2 =	slt.u32 s8, $0xFFFFF086  }
0x1c: {  	p1 =	slt.u32 s9, $0xF7A;
	s5 =	simm.s32 @!p2 $0x0  }
0x1d: {  	s5 =	simm.s32 @p1 $0x1;
	p0 =	seq.s32 s7, s2  }
0x1e: {  	s7 =	smul.u32 @!p0 $0xF7A, s2;
	p2 =	seq.s32 @!p0 s5, $0x0  }
0x1f: {  	s9 =	smul.u32 $0xF7A, s1;
	s8 =	simm.s32 @!p0 $0x1BF5;
	p2 =	por !p2, p0  }
0x20: {  	[sflag:s8] =	ssyncset.s32 @!p0 $0xFFFFF086;
	s6 =	sadd.s32 @!p0 s3, s7;
	s7 =	simm.s32 @!p0 $0x108  }
0x21: {  	s3 =	sadd.s32 s3, s9;
	s6 =	sadd.s32 @!p0 $0x88, s6;
	s7 =	simm.s32 @p2 $0x1082  }
0x22: {  	[simem:s7], [sflag:s8] =	dma.local @!p0 [hbm:s6], $0xF7A  }
0x23: {  	s9 =	sor.u32 $0xD0000000, s2;
	s6 =	simm.s32 $0x108;
	_ =	swait.ge @!p0 [sflag:s8], $0x0  }
0x24: {  	s3 =	sadd.s32 $0x88, s3;
	s6 =	simm.s32 @!p1 $0x1082;
	[sflag:s4] =	ssyncset.s32 $0xFFFFF086  }
0x25: {  	[simem:s6], [sflag:s4] =	dma.local [hbm:s3], $0xF7A  }
0x26: {  	[smem:$0x3F9F] =	sst s1;
	(tag) =	ssettag s2;
	_ =	strace s9  }
0x27: {  	s1 =	sld [smem:$0x3FAF]  }
0x28: {  	s2 =	sld [smem:$0x3FB0]  }
0x29: {  	s4 =	sld [smem:$0x3FB2]  }
0x2a: {  	p0 =	seq.s32 s5, $0x0;
	s5 =	sld [smem:$0x3FB3]  }
0x2b: {  	s6 =	sld [smem:$0x3FB4]  }
0x2c: {  	s7 =	sld [smem:$0x3FB5]  }
0x2d: {  	s3 =	simm.s32 $0x108;
	s8 =	sld [smem:$0x3FB6]  }
0x2e: {  	s3 =	simm.s32 @!p0 $0x1082;
	s9 =	sld [smem:$0x3FB7]  }
0x2f: {  	lr =	sadd.s32 s0, s3;
	s0 =	sld [smem:$0x3FAE]  }
0x30: {  	s3 =	sld [smem:$0x3FB1]  }
0x31: {  	[smem:$0x3FBA] =	sst s10  }
0x32: {  	s10 =	sld [smem:$0x3FB8];
	_ =	sdelay $0x3  }
0x33: {  	p0 =	seq.s32 s10, $0x1;
	s10 =	sld [smem:$0x3FBA];
	_ =	sdelay $0x3  }
0x34: {  	[smem:$0x3FBA] =	sst s10  }
0x35: {  	s10 =	sld [smem:$0x3FB9];
	_ =	sdelay $0x3  }
0x36: {  	p1 =	seq.s32 s10, $0x1;
	s10 =	sld [smem:$0x3FBA];
	_ =	sdelay $0x3  }
0x37: {  	[smem:$0x3FBA] =	sst s10  }
0x38: {  	s10 =	sld [smem:$0x3FBB]  }
0x39: {  	_ = 	snop;
	(pc) =	sbr.ind lr, $3  }
0x3a: {  	_ = 	snop  }
0x3b: {  	_ = 	snop  }
0x3c: {  	p2 =	seq.s32 s10, $0x1;
	s10 =	sld [smem:$0x3FBA]  }
0x3d: {  	_ =	shalt  }
0x3e: {  	_ =	shalt  }
0x3f: {  	_ =	shalt  }
0x40: {  	_ =	shalt  }
0x41: {  	_ =	shalt  }
0x42: {  	_ =	shalt  }
0x43: {  	_ =	shalt  }
0x44: {  	_ =	shalt  }
0x45: {  	_ =	shalt  }
0x46: {  	_ =	shalt  }
0x47: {  	_ =	shalt  }
0x48: {  	_ =	shalt  }
0x49: {  	_ =	shalt  }
0x4a: {  	_ =	shalt  }
0x4b: {  	_ =	shalt  }
0x4c: {  	_ =	shalt  }
0x4d: {  	_ =	shalt  }
0x4e: {  	_ =	shalt  }
0x4f: {  	_ =	shalt  }
0x50: {  	_ =	shalt  }
0x51: {  	_ =	shalt  }
0x52: {  	_ =	shalt  }
0x53: {  	_ =	shalt  }
0x54: {  	_ =	shalt  }
0x55: {  	_ =	shalt  }
0x56: {  	_ =	shalt  }
0x57: {  	_ =	shalt  }
0x58: {  	_ =	shalt  }
0x59: {  	_ =	shalt  }
0x5a: {  	_ =	shalt  }
0x5b: {  	_ =	shalt  }
0x5c: {  	_ =	shalt  }
0x5d: {  	_ =	shalt  }
0x5e: {  	_ =	shalt  }
0x5f: {  	_ =	shalt  }
0x60: {  	_ =	shalt  }
0x61: {  	_ =	shalt  }
0x62: {  	_ =	shalt  }
0x63: {  	_ =	shalt  }
0x64: {  	_ =	shalt  }
0x65: {  	_ =	shalt  }
0x66: {  	_ =	shalt  }
0x67: {  	_ =	shalt  }
0x68: {  	_ =	shalt  }
0x69: {  	_ =	shalt  }
0x6a: {  	_ =	shalt  }
0x6b: {  	_ =	shalt  }
0x6c: {  	_ =	shalt  }
0x6d: {  	_ =	shalt  }
0x6e: {  	_ =	shalt  }
0x6f: {  	_ =	shalt  }
0x70: {  	_ =	shalt  }
0x71: {  	_ =	shalt  }
0x72: {  	_ =	shalt  }
0x73: {  	_ =	shalt  }
0x74: {  	_ =	shalt  }
0x75: {  	_ =	shalt  }
0x76: {  	_ =	shalt  }
0x77: {  	_ =	shalt  }
0x78: {  	_ =	shalt  }
0x79: {  	_ =	shalt  }
0x7a: {  	_ =	shalt  }
0x7b: {  	_ =	shalt  }
0x7c: {  	_ =	shalt  }
0x7d: {  	_ =	shalt  }
0x7e: {  	_ =	shalt  }
0x7f: {  	_ =	shalt  }
0x80: {  	_ =	shalt  }
0x81: {  	_ =	shalt  }
0x82: {  	_ =	shalt  }
0x83: {  	_ =	shalt  }
0x84: {  	_ =	shalt  }
0x85: {  	_ =	shalt  }
0x86: {  	_ =	shalt  }
0x87: {  	_ =	shalt  }
.Lfunc_end0:
.L_simem_size_0:
called_computation_lowered:
.L_overlay_start_0:
0x88: {  	s2 =	sld [smem:$0x3FD9]  }
0x89: {  	s3 =	sld [smem:$0x3FFE];
	_ =	sdelay $0x1  }
0x8a: {  	s1 =	srdreg.scid  }
0x8b: {  	s0 =	sand.u32 $0x1, s1  }
0x8c: {  	s16 =	sshll.u32 s0, $0xA;
	s2 =	sadd.s32 s3, s2  }
0x8d: {  	s2 =	sadd.s32 s2, s16  }
0x8e: {  	[smem:$0x3FC6] =	sst s2  }
0x8f: {  	_ = 	snop  }
0x90: {  	(tm) =	ssettm $0x1  }
0x91: {  	s17 =	sld [smem:$0x3FFB];
	_ =	sdelay $0x3  }
0x92: {  	_ =	strace s17  }
0x93: {  	s2 =	sld [smem:$0x3FFC];
	_ =	sdelay $0x3  }
0x94: {  	_ =	strace s2  }
0x95: {  	s2 =	sld [smem:$0x3FFD];
	_ =	sdelay $0x3  }
0x96: {  	_ =	strace s2  }
0x97: {  	_ =	strace $0x8FFFFFFF  }
0x98: {  	s18 =	sld [smem:$0x3FDB];
	_ =	sdelay $0x1  }
0x99: {  	s19 =	simm.s32 $_scs_section_size  }
0x9a: {  	s4 =	simm.s32 $_size__tile_overlayer_lowered;
	s5 =	simm.s32 $_tile_overlayer_lowered  }
0x9b: {  	s22 =	simm.s32 $0x1BFF;
	s21 =	sshll.u32 s5, $0x1;
	s2 =	sadd.s32 s19, s18  }
0x9c: {  	s6 =	simm.s32 $0x0;
	s20 =	sshll.u32 s4, $0x1;
	s4 =	sadd.s32 s21, s2  }
0x9d: {  	[timem:s6], [sflag:s22] =	dma.local [hbm:s4], s20  }
0x9e: {  	_ =	swait.ge [sflag:s22], s20  }
0x9f: {  	s3 =	ssub.s32 $0x0, s20;
	[sflag:s22] =	ssyncset.done $0x0  }
0xa0: {  	[sflag:s22] =	ssyncadd.s32 s3;
	_ =	sdelay $0x1  }
0xa1: {  	s23 =	simm.s32 $0x1B8B  }
0xa2: {  	_ =	swait.ge [sflag:s23], $0x1  }
0xa3: {  	[sflag:s23] =	ssyncset.done $0x0  }
0xa4: {  	s25 =	simm.s32 $0x1B8E;
	s24 =	sld [smem:$0x3FFE];
	[sflag:s23] =	ssyncadd.s32 $0xFFFFFFFF  }
0xa5: {  	s26 =	simm.s32 $execute0_lowered;
	[smem:$0x3FD2] =	sst s25  }
0xa6: {  	s4 =	sshll.u32 s26, $0x1;
	_ =	strace $0x80000046;
	[dreg:$0x1] =	wrdreg $0xFFFFFFFF  }
0xa7: {  	s28 =	simm.s32 $_size_execute0_lowered;
	s2 =	sadd.s32 s2, s4;
	[dreg:$0x0] =	wrdreg $0x0  }
0xa8: {  	s4 =	sshll.u32 s28, $0x1;
	[dreg:$0x2] =	wrdreg s2  }
0xa9: {  	[dreg:$0x3] =	wrdreg s4  }
0xaa: {  	[dreg:$0x4] =	wrdreg $0xC0  }
0xab: {  	_ =	task [dreg:s6], $0x5FFFF  }
0xac: {  	[dreg:$0x1] =	wrdreg $0xFFFFFFFF  }
0xad: {  	[dreg:$0x0] =	wrdreg $0x60  }
0xae: {  	[dreg:$0x2] =	wrdreg s24  }
0xaf: {  	[dreg:$0x3] =	wrdreg $0x9  }
0xb0: {  	_ =	task.clear_ibuf [dreg:s6], $0x4FFFF;
	_ =	strace $0x90000046  }
0xb1: {  	s29 =	simm.s32 $0x9;
	_ =	strace $0x80000048  }
0xb2: {  	_ =	swait.ge [sflag:s29], $0x1  }
0xb3: {  	[sflag:s29] =	ssyncadd.s32 $0xFFFFFFFF  }
0xb4: {  	_ =	strace $0x90000048  }
0xb5: {  	_ =	sfence  }
0xb6: {  	s30 =	sld [smem:$0x0];
	_ =	sdelay $0x2  }
0xb7: {  	s31 =	sshll.u32 s1, $0xD;
	s1 =	sshrl.u32 s1, $0x2  }
0xb8: {  	s3 =	sand.u32 $0x4000, s31;
	s1 =	sadd.s32 s1, s30  }
0xb9: {  	s0 =	sor.u32 s3, s0;
	s1 =	sshll.u32 s1, $0x11  }
0xba: {  	s0 =	sor.u32 s1, s0  }
0xbb: {  	s0 =	sadd.s32 $0x8F2B, s0  }
0xbc: {  	[sflag:s0] =	ssyncadd.remote.s32 $0x1  }
0xbd: {  	_ =	sfence.sel $0xFFFF  }
0xbe: {  	[dreg:$0x0] =	wrdreg $0xFFFFFFFF;
	(pc) =	sbr.abs _section_cstart, $3  }
0xbf: {  	[dreg:$0x1] =	wrdreg $0xFFFFFFFF  }
0xc0: {  	_ =	task.clear_ibuf [dreg:s6], $0x2FFFF;
	_ =	strace $0x9FFFFFFF  }
0xc1: {  	(tm) =	ssettm $0x7FFFFFFF  }
tec
execute0_lowered:
.L_overlay_start_1:
0x0: {  	(tag) =	ssettag $0x1  }
0x1: {  	s3 =	rddreg [dreg:$0x0];
	s2 =	srdreg.scid  }
0x2: {  	s0 =	rddreg [dreg:$0x1];
	s1 =	stileid.u32;
	s7 =	simm.s32 $0x200  }
0x3: {  	s4 =	sand.u32 $0x1, s2;
	s2 =	simm.s32 $0x0;
	s5 =	sshll.u32 s1, $0x7  }
0x4: {  	s6 =	sshll.u32 s4, $0x6;
	[smem:$0x7FF] =	sst s2;
	s4 =	ssub.s32 $0x2, s4  }
0x5: {  	s5 =	sor.u32 s6, s5;
	_ =	strace $0x80000047;
	s30 =	sshrl.u32 s4, $0x1  }
0x6: {  	s6 =	simm.s32 $0x1;
	s5 =	sadd.s32 s5, s3;
	s31 =	ssub.s32 s4, s30  }
0x7: {  	s3 =	sadd.s32 $0xA00, s5;
	s4 =	sadd.s32 $0x1200, s5;
	s5 =	smax.u32 s31, $0x1  }
.LBB2_1:
0x8: {  	[tilespmem:s2], [sflag:$0x1] =	stream.linear.gather [hbm4b:s3+s2], $0x200, $0x38;
	[tilespmem:$0x400] =	vst v63  }
0x9: {  	_ =	swait.ge [sflag:s6], $0x200  }
0xa: {  	[sflag:s6] =	ssyncset.done $0x0  }
0xb: {  	[sflag:s6] =	ssyncadd.s32 $0xFFFFFE00  }
0xc: {  	v0 =	vld [tilespmem:$0x0]  }
0xd: {  	v1 =	vld [tilespmem:$0x10]  }
0xe: {  	v2 =	vld [tilespmem:$0x20]  }
0xf: {  	v3 =	vld [tilespmem:$0x30]  }
0x10: {  	v4 =	vld [tilespmem:$0x40]  }
0x11: {  	v6 =	vld [tilespmem:$0x50];
	vm0 =	vlt.s32 v0, $0x0;
	v5 =	vxor.u32 $0x7FFFFFFF, v0  }
0x12: {  	v7 =	vld [tilespmem:$0x60];
	vm9 =	vlt.s32 v1, $0x0;
	v32 =	vxor.u32 $0x7FFFFFFF, v1;
	v0 =	vsel vm0, v5, v0  }
0x13: {  	v35 =	vld [tilespmem:$0x70];
	vm10 =	vlt.s32 v2, $0x0;
	v34 =	vxor.u32 $0x7FFFFFFF, v2;
	v33 =	vsel vm9, v32, v1;
	[tilespmem:$0x200] =	vst v0  }
0x14: {  	v38 =	vld [tilespmem:$0x80];
	vm11 =	vlt.s32 v3, $0x0;
	v37 =	vxor.u32 $0x7FFFFFFF, v3;
	v36 =	vsel vm10, v34, v2;
	[tilespmem:$0x210] =	vst v33  }
0x15: {  	v41 =	vld [tilespmem:$0x90];
	vm12 =	vlt.s32 v4, $0x0;
	v40 =	vxor.u32 $0x7FFFFFFF, v4;
	v39 =	vsel vm11, v37, v3;
	[tilespmem:$0x220] =	vst v36  }
0x16: {  	v44 =	vld [tilespmem:$0xA0];
	vm13 =	vlt.s32 v6, $0x0;
	v43 =	vxor.u32 $0x7FFFFFFF, v6;
	v42 =	vsel vm12, v40, v4;
	[tilespmem:$0x230] =	vst v39  }
0x17: {  	v47 =	vld [tilespmem:$0xB0];
	vm14 =	vlt.s32 v7, $0x0;
	v46 =	vxor.u32 $0x7FFFFFFF, v7;
	v45 =	vsel vm13, v43, v6;
	[tilespmem:$0x240] =	vst v42  }
0x18: {  	v50 =	vld [tilespmem:$0xC0];
	vm15 =	vlt.s32 v35, $0x0;
	v49 =	vxor.u32 $0x7FFFFFFF, v35;
	v48 =	vsel vm14, v46, v7;
	[tilespmem:$0x250] =	vst v45  }
0x19: {  	v53 =	vld [tilespmem:$0xD0];
	vm4 =	vlt.s32 v38, $0x0;
	v52 =	vxor.u32 $0x7FFFFFFF, v38;
	v51 =	vsel vm15, v49, v35;
	[tilespmem:$0x260] =	vst v48  }
0x1a: {  	v56 =	vld [tilespmem:$0xE0];
	vm5 =	vlt.s32 v41, $0x0;
	v55 =	vxor.u32 $0x7FFFFFFF, v41;
	v54 =	vsel vm4, v52, v38;
	[tilespmem:$0x270] =	vst v51  }
0x1b: {  	v59 =	vld [tilespmem:$0xF0];
	vm6 =	vlt.s32 v44, $0x0;
	v58 =	vxor.u32 $0x7FFFFFFF, v44;
	v57 =	vsel vm5, v55, v41;
	[tilespmem:$0x280] =	vst v54  }
0x1c: {  	v62 =	vld [tilespmem:$0x100];
	vm7 =	vlt.s32 v47, $0x0;
	v61 =	vxor.u32 $0x7FFFFFFF, v47;
	v60 =	vsel vm6, v58, v44;
	[tilespmem:$0x290] =	vst v57  }
0x1d: {  	v10 =	vld [tilespmem:$0x110];
	vm8 =	vlt.s32 v50, $0x0;
	v9 =	vxor.u32 $0x7FFFFFFF, v50;
	v63 =	vsel vm7, v61, v47;
	[tilespmem:$0x2A0] =	vst v60  }
0x1e: {  	v13 =	vld [tilespmem:$0x120];
	v12 =	vxor.u32 $0x7FFFFFFF, v53;
	v11 =	vsel vm8, v9, v50;
	vm9 =	vlt.s32 v53, $0x0;
	[tilespmem:$0x2B0] =	vst v63  }
0x1f: {  	v16 =	vld [tilespmem:$0x130];
	v15 =	vxor.u32 $0x7FFFFFFF, v56;
	vm10 =	vlt.s32 v56, $0x0;
	[tilespmem:$0x2C0] =	vst v11;
	v14 =	vsel vm9, v12, v53  }
0x20: {  	v19 =	vld [tilespmem:$0x140];
	v18 =	vxor.u32 $0x7FFFFFFF, v59;
	vm11 =	vlt.s32 v59, $0x0;
	v17 =	vsel vm10, v15, v56;
	[tilespmem:$0x2D0] =	vst v14  }
0x21: {  	v22 =	vld [tilespmem:$0x150];
	v21 =	vxor.u32 $0x7FFFFFFF, v62;
	vm12 =	vlt.s32 v62, $0x0;
	v20 =	vsel vm11, v18, v59;
	[tilespmem:$0x2E0] =	vst v17  }
0x22: {  	v25 =	vld [tilespmem:$0x160];
	v24 =	vxor.u32 $0x7FFFFFFF, v10;
	vm13 =	vlt.s32 v10, $0x0;
	v23 =	vsel vm12, v21, v62;
	[tilespmem:$0x2F0] =	vst v20  }
0x23: {  	v28 =	vld [tilespmem:$0x170];
	v27 =	vxor.u32 $0x7FFFFFFF, v13;
	vm14 =	vlt.s32 v13, $0x0;
	v26 =	vsel vm13, v24, v10;
	[tilespmem:$0x300] =	vst v23  }
0x24: {  	v31 =	vld [tilespmem:$0x180];
	v30 =	vxor.u32 $0x7FFFFFFF, v16;
	vm15 =	vlt.s32 v16, $0x0;
	v29 =	vsel vm14, v27, v13;
	[tilespmem:$0x310] =	vst v26  }
0x25: {  	vm4 =	vlt.s32 v19, $0x0;
	v34 =	vld [tilespmem:$0x190];
	v32 =	vsel vm15, v30, v16;
	v33 =	vxor.u32 $0x7FFFFFFF, v19;
	[tilespmem:$0x320] =	vst v29  }
0x26: {  	vm5 =	vlt.s32 v22, $0x0;
	v37 =	vld [tilespmem:$0x1A0];
	v36 =	vxor.u32 $0x7FFFFFFF, v22;
	[tilespmem:$0x330] =	vst v32;
	v35 =	vsel vm4, v33, v19  }
0x27: {  	vm6 =	vlt.s32 v25, $0x0;
	v40 =	vld [tilespmem:$0x1B0];
	v39 =	vxor.u32 $0x7FFFFFFF, v25;
	v38 =	vsel vm5, v36, v22;
	[tilespmem:$0x340] =	vst v35  }
0x28: {  	vm7 =	vlt.s32 v28, $0x0;
	v43 =	vld [tilespmem:$0x1C0];
	v42 =	vxor.u32 $0x7FFFFFFF, v28;
	v41 =	vsel vm6, v39, v25;
	[tilespmem:$0x350] =	vst v38  }
0x29: {  	vm8 =	vlt.s32 v31, $0x0;
	v46 =	vld [tilespmem:$0x1D0];
	v45 =	vxor.u32 $0x7FFFFFFF, v31;
	v44 =	vsel vm7, v42, v28;
	[tilespmem:$0x360] =	vst v41  }
0x2a: {  	v49 =	vld [tilespmem:$0x1E0];
	v47 =	vsel vm8, v45, v31;
	[tilespmem:$0x370] =	vst v44;
	vm9 =	vlt.s32 v34, $0x0;
	v48 =	vxor.u32 $0x7FFFFFFF, v34  }
0x2b: {  	v52 =	vld [tilespmem:$0x1F0];
	[tilespmem:$0x380] =	vst v47;
	vm10 =	vlt.s32 v37, $0x0;
	v51 =	vxor.u32 $0x7FFFFFFF, v37;
	v50 =	vsel vm9, v48, v34  }
0x2c: {  	vm11 =	vlt.s32 v40, $0x0;
	v54 =	vxor.u32 $0x7FFFFFFF, v40;
	v53 =	vsel vm10, v51, v37;
	[tilespmem:$0x390] =	vst v50  }
0x2d: {  	vm12 =	vlt.s32 v43, $0x0;
	v56 =	vxor.u32 $0x7FFFFFFF, v43;
	v55 =	vsel vm11, v54, v40;
	[tilespmem:$0x3A0] =	vst v53  }
0x2e: {  	vm13 =	vlt.s32 v46, $0x0;
	v58 =	vxor.u32 $0x7FFFFFFF, v46;
	v57 =	vsel vm12, v56, v43;
	[tilespmem:$0x3B0] =	vst v55  }
0x2f: {  	vm14 =	vlt.s32 v49, $0x0;
	v60 =	vxor.u32 $0x7FFFFFFF, v49;
	v59 =	vsel vm13, v58, v46;
	[tilespmem:$0x3C0] =	vst v57  }
0x30: {  	vm15 =	vlt.s32 v52, $0x0;
	v62 =	vxor.u32 $0x7FFFFFFF, v52;
	v61 =	vsel vm14, v60, v49;
	[tilespmem:$0x3D0] =	vst v59  }
0x31: {  	p0 =	sne.s32 s5, $0x1;
	v63 =	vsel vm15, v62, v52;
	[tilespmem:$0x3E0] =	vst v61  }
.Ltmp0:
0x32: {  	[tilespmem:$0x3F0] =	vst v63;
	(pc) =	sbr.rel @p0 .LBB2_1-.Ltmp0, $4  }
0x33: {  	[hbm4b:s4+s2] =	stream.linear.scatter [tilespmem:s7], [sflag:$0x1], $0x200, $0x38;
	[tilespmem:$0x400] =	vst v63  }
0x34: {  	_ =	swait.ge [sflag:s6], $0x200  }
0x35: {  	[sflag:s6] =	ssyncset.done $0x0  }
0x36: {  	s5 =	sadd.s32 $0xFFFFFFFF, s5;
	[sflag:s6] =	ssyncadd.s32 $0xFFFFFE00  }
0x37: {  	_ =	sfence.sel $0x180000  }
0x38: {  	[bflag:$0x0] =	sbarrier.arrive $0xFFFF  }
0x39: {  	p0 =	sne.s32 s1, $0x0;
	_ =	strace $0x90000047  }
0x3a: {  	s0 =	sadd.s32 @!p0 $0x100000, s0;
	[bflag:$0x2] =	sbarrier.arrive $0xFFFF  }
0x3b: {  	[sflag:s0] =	ssyncadd.tile.s32 @!p0 $0x1;
	_ =	shalt  }
.Lfunc_end2:
_tile_overlayer_lowered:
.L_overlay_start_2:
0x3c: {  	(tag) =	ssettag $0x2  }
0x3d: {  	s0 =	rddreg [dreg:$0x0];
	s2 =	stileid.u32  }
0x3e: {  	s1 =	rddreg [dreg:$0x1];
	p0 =	sne.s32 s2, $0x0  }
0x3f: {  	s3 =	rddreg [dreg:$0x2];
	[bflag:$0x3] =	sbarrier.arrive $0xFFFF;
	s2 =	simm.s32 @!p0 $0x1C01  }
0x40: {  	[timem:s3], [sflag:s2] =	dma.local @!p0 [hbm:s0], s1  }
0x41: {  	s0 =	simm.s32 @!p0 $0x1  }
0x42: {  	_ =	swait.ge @!p0 [sflag:s0], s1  }
0x43: {  	s1 =	ssub.s32 @!p0 $0x0, s1;
	[sflag:s0] =	ssyncset.done @!p0 $0x0  }
0x44: {  	[sflag:s0] =	ssyncadd.s32 @!p0 s1  }
0x45: {  	[bflag:$0x3] =	sbarrier.arrive $0xFFFF  }
0x46: {  	_ =	shalt  }

</sc_bundles>
